<compile_context>
chip_gen: v7x
topology: tpu7x:2x2x1
jax: 0.10.2.dev20260603
libtpu: 0.0.44.dev20260713+nightly
codegen_flags: <defaults>
</compile_context>

<pallas_src>
import jax
import jax.numpy as jnp
from jax import lax
from jax.experimental import pallas as pl
from jax.experimental.pallas import tpu as pltpu
from jax.experimental.pallas import tpu_sc as plsc

NXK = 128
UBK = 1.0
BZ = 16
ZPW = 4
RING = 4



def _sc_zero_edges(buf, z, zeros16, lane0, lane15):
    is_int = jnp.logical_and(z >= 1, z <= NXK - 2)

    @pl.when(is_int)
    def _():
        for j in range(8):
            buf[0, pl.ds(j * 16, 16)] = zeros16
            buf[NXK - 1, pl.ds(j * 16, 16)] = zeros16

        def body(r, carry):
            seg = buf[r, pl.ds(0, 16)]
            buf[r, pl.ds(0, 16)] = jnp.where(lane0, zeros16, seg)
            seg2 = buf[r, pl.ds(NXK - 16, 16)]
            buf[r, pl.ds(NXK - 16, 16)] = jnp.where(lane15, zeros16, seg2)
            return carry

        lax.fori_loop(1, NXK - 1, body, 0, unroll=8)

    @pl.when(jnp.logical_not(is_int))
    def _():
        def zfill(r, carry):
            for j in range(8):
                buf[r, pl.ds(j * 16, 16)] = zeros16
            return carry

        lax.fori_loop(0, NXK, zfill, 0, unroll=2)


def _sc_body(w_hbm, tw_hbm, *scratch):
    bufs = scratch[:RING]
    rsems = scratch[RING : 2 * RING]
    wsems = scratch[2 * RING : 3 * RING]

    c = lax.axis_index("c")
    s = lax.axis_index("s")
    wid = s * 2 + c
    zbase = wid * ZPW

    zeros16 = jnp.zeros((16,), jnp.float32)
    iota16 = lax.iota(jnp.int32, 16)
    lane0 = iota16 == 0
    lane15 = iota16 == 15

    def start_read(t):
        return pltpu.async_copy(w_hbm.at[zbase + t], bufs[t % RING], rsems[t % RING])

    read_h = [None] * ZPW
    write_h = [None] * ZPW
    for t in range(RING):
        read_h[t] = start_read(t)

    for t in range(ZPW):
        b = t % RING
        z = zbase + t
        read_h[t].wait()
        _sc_zero_edges(bufs[b], z, zeros16, lane0, lane15)
        write_h[t] = pltpu.async_copy(bufs[b], tw_hbm.at[z], wsems[b])
        nt = t + RING
        if nt < ZPW:
            write_h[nt - RING].wait()
            read_h[nt] = start_read(nt)

    for t in range(ZPW):
        if write_h[t] is not None and t >= ZPW - RING:
            write_h[t].wait()



def _tc_kernel(u_ref, v_ref, tu_ref, tv_ref):
    b = pl.program_id(0)
    u = u_ref[...]
    v = v_ref[...]

    gz = lax.broadcasted_iota(jnp.int32, (BZ, 1, 1), 0) + b * BZ
    y = lax.broadcasted_iota(jnp.int32, (1, NXK, 1), 1)
    x = lax.broadcasted_iota(jnp.int32, (1, 1, NXK), 2)

    out_u = jnp.where(y == 0, u[:, 1:2, :], jnp.where(y == NXK - 1, u[:, NXK - 2 : NXK - 1, :], u))
    x_edge = (x == 0) | (x == NXK - 1)
    y_int = (y >= 1) & (y <= NXK - 2)
    out_u = jnp.where(x_edge & y_int, jnp.float32(UBK), out_u)
    out_u = jnp.where(gz == 0, u[1:2, :, :], out_u)
    out_u = jnp.where(gz == NXK - 1, u[BZ - 2 : BZ - 1, :, :], out_u)

    bmask = (gz == 0) | (gz == NXK - 1) | (y == 0) | (y == NXK - 1) | x_edge
    tu_ref[...] = out_u
    tv_ref[...] = jnp.where(bmask, jnp.float32(0.0), v)


def kernel(values_u, values_v, values_w):
    u = values_u.reshape(NXK, NXK, NXK)
    v = values_v.reshape(NXK, NXK, NXK)
    w = values_w.reshape(NXK, NXK, NXK)

    sc_call = pl.kernel(
        _sc_body,
        out_type=jax.ShapeDtypeStruct((NXK, NXK, NXK), jnp.float32),
        mesh=plsc.VectorSubcoreMesh(core_axis_name="c", subcore_axis_name="s"),
        scratch_types=(
            [pltpu.VMEM((NXK, NXK), jnp.float32)] * RING
            + [pltpu.SemaphoreType.DMA] * (2 * RING)
        ),
    )
    spec = pl.BlockSpec((BZ, NXK, NXK), lambda i: (i, 0, 0))
    tu, tv = pl.pallas_call(
        _tc_kernel,
        grid=(NXK // BZ,),
        in_specs=[spec, spec],
        out_specs=[spec, spec],
        out_shape=[jax.ShapeDtypeStruct((NXK, NXK, NXK), jnp.float32)] * 2,
    )(u, v)
    tw = sc_call(w)

    shp = values_u.shape
    return (tu.reshape(shp), tv.reshape(shp), tw.reshape(shp))

# --- scband reference (transcript-rebuilt; emitter-appended) ---
"""Pipeline reference for scband-boundary-condition-velocity-32177894982282 (READ-ONLY COPY).

The authoritative reference and input builder live on the scoring server;
editing this copy changes nothing except your own understanding.
"""

import jax, jax.numpy as jnp
import numpy as np

NX = 128
UB = 1.0

def setup_inputs(seed: int = 0) -> dict:
    key = jax.random.key(seed)
    k1, k2, k3 = jax.random.split(key, 3)
    shape = (1, NX, NX, NX, 1)
    values_u = jax.random.normal(k1, shape, dtype=jnp.float32)
    values_v = jax.random.normal(k2, shape, dtype=jnp.float32)
    values_w = jax.random.normal(k3, shape, dtype=jnp.float32)
    return {"values_u": values_u, "values_v": values_v, "values_w": values_w}

def reference(values_u, values_v, values_w):
    nx = NX
    ub = UB
    ones2 = jnp.ones((nx, nx), dtype=values_u.dtype)
    zeros2 = jnp.zeros((nx, nx), dtype=values_u.dtype)
    tu = values_u
    tv = values_v
    tw = values_w
    # lid planes along axis-3 (x = 0 and x = nx-1): u = ub, v = w = 0
    tu = tu.at[0, :, :, 0, 0].set(ones2 * ub)
    tv = tv.at[0, :, :, 0, 0].set(zeros2)
    tw = tw.at[0, :, :, 0, 0].set(zeros2)
    tu = tu.at[0, :, :, nx - 1, 0].set(ones2 * ub)
    tv = tv.at[0, :, :, nx - 1, 0].set(zeros2)
    tw = tw.at[0, :, :, nx - 1, 0].set(zeros2)
    # zero-gradient planes along axis-2 for u; no-slip for v, w
    tu = tu.at[0, :, 0, :, 0].set(values_u[0, :, 1, :, 0])
    tv = tv.at[0, :, 0, :, 0].set(zeros2)
    tw = tw.at[0, :, 0, :, 0].set(zeros2)
    tu = tu.at[0, :, nx - 1, :, 0].set(values_u[0, :, nx - 2, :, 0])
    tv = tv.at[0, :, nx - 1, :, 0].set(zeros2)
    tw = tw.at[0, :, nx - 1, :, 0].set(zeros2)
    # zero-gradient planes along axis-1 for u; no-slip for v, w
    tu = tu.at[0, 0, :, :, 0].set(values_u[0, 1, :, :, 0])
    tv = tv.at[0, 0, :, :, 0].set(zeros2)
    tw = tw.at[0, 0, :, :, 0].set(zeros2)
    tu = tu.at[0, nx - 1, :, :, 0].set(values_u[0, nx - 2, :, :, 0])
    tv = tv.at[0, nx - 1, :, :, 0].set(zeros2)
    tw = tw.at[0, nx - 1, :, :, 0].set(zeros2)
    return (tu, tv, tw)

if __name__ == "__main__":
    import jax
    _d = setup_inputs()
    print(jax.jit(kernel)(*tuple(_d.values())))

</pallas_src>

<mosaic_0001>
#map = affine_map<(d0, d1) -> (0, 0, 0)>
module attributes {stable_mosaic.version = 14 : i64} {
  func.func @_sc_body(%arg0: i32, %arg1: i32, %arg2: memref<128x128x128xf32, #tpu.memory_space<hbm>>, %arg3: memref<128x128x128xf32, #tpu.memory_space<hbm>>, %arg4: memref<128x128xf32, #tpu.memory_space<vmem>>, %arg5: memref<128x128xf32, #tpu.memory_space<vmem>>, %arg6: memref<128x128xf32, #tpu.memory_space<vmem>>, %arg7: memref<128x128xf32, #tpu.memory_space<vmem>>, %arg8: memref<!tpu.dma_semaphore, #tpu.memory_space<semaphore_mem>>, %arg9: memref<!tpu.dma_semaphore, #tpu.memory_space<semaphore_mem>>, %arg10: memref<!tpu.dma_semaphore, #tpu.memory_space<semaphore_mem>>, %arg11: memref<!tpu.dma_semaphore, #tpu.memory_space<semaphore_mem>>, %arg12: memref<!tpu.dma_semaphore, #tpu.memory_space<semaphore_mem>>, %arg13: memref<!tpu.dma_semaphore, #tpu.memory_space<semaphore_mem>>, %arg14: memref<!tpu.dma_semaphore, #tpu.memory_space<semaphore_mem>>, %arg15: memref<!tpu.dma_semaphore, #tpu.memory_space<semaphore_mem>>) attributes {dimension_semantics = [#tpu.dimension_semantics<core_parallel>, #tpu.dimension_semantics<subcore_parallel>], iteration_bounds = array<i64: 2, 16>, scalar_prefetch = 0 : i64, scratch_operands = 12 : i64, tpu.core_type = #tpu.core_type<sc_vector_subcore>, window_params = [{transform_indices = #map}, {transform_indices = #map}]} {
    %mul3A = arith.constant 2 : i32
    %mul3A_0 = arith.muli %arg1, %mul3A : i32
    %add3A = arith.addi %mul3A_0, %arg0 : i32
    %mul3A_1 = arith.constant 4 : i32
    %mul3A_2 = arith.muli %add3A, %mul3A_1 : i32
    %broadcast_in_dim3A = arith.constant 0.000000e+00 : f32
    %broadcast_in_dim3A_3 = vector.broadcast %broadcast_in_dim3A : f32 to vector<16xf32>
    %iota3A = tpu.iota {dimensions = array<i32: 0>} : vector<16xi32>
    %eq3A = arith.constant 0 : i32
    %eq3A_4 = vector.broadcast %eq3A : i32 to vector<16xi32>
    %eq3A_5 = arith.cmpi eq, %iota3A, %eq3A_4 : vector<16xi32>
    %eq3A_6 = arith.constant 15 : i32
    %eq3A_7 = vector.broadcast %eq3A_6 : i32 to vector<16xi32>
    %eq3A_8 = arith.cmpi eq, %iota3A, %eq3A_7 : vector<16xi32>
    %add3A_9 = arith.constant 0 : i32
    %add3A_10 = arith.addi %mul3A_2, %add3A_9 : i32
    %dma_start3A = arith.constant 0 : i32
    %dma_start3A_11 = arith.constant 0 : i32
    %dma_start3A_12 = tpu.memref_slice %arg2[%add3A_10, %dma_start3A, %dma_start3A_11] : memref<128x128x128xf32, #tpu.memory_space<hbm>> -> memref<1x128x128xf32, #tpu.memory_space<hbm>>
    %dma_start3A_13 = tpu.memref_squeeze %dma_start3A_12 : memref<1x128x128xf32, #tpu.memory_space<hbm>> -> memref<128x128xf32, #tpu.memory_space<hbm>>
    %dma_start3A_14 = arith.constant 0 : i32
    %dma_start3A_15 = arith.constant 0 : i32
    %dma_start3A_16 = tpu.memref_slice %arg2[%add3A_10, %dma_start3A_14, %dma_start3A_15] : memref<128x128x128xf32, #tpu.memory_space<hbm>> -> memref<1x128x128xf32, #tpu.memory_space<hbm>>
    %dma_start3A_17 = tpu.memref_squeeze %dma_start3A_16 : memref<1x128x128xf32, #tpu.memory_space<hbm>> -> memref<128x128xf32, #tpu.memory_space<hbm>>
    tpu.enqueue_dma source(%dma_start3A_17 : memref<128x128xf32, #tpu.memory_space<hbm>>) target(%arg4 : memref<128x128xf32, #tpu.memory_space<vmem>>) target_semaphore(%arg8 : memref<!tpu.dma_semaphore, #tpu.memory_space<semaphore_mem>>)
    %add3A_18 = arith.constant 1 : i32
    %add3A_19 = arith.addi %mul3A_2, %add3A_18 : i32
    %dma_start3A_20 = arith.constant 0 : i32
    %dma_start3A_21 = arith.constant 0 : i32
    %dma_start3A_22 = tpu.memref_slice %arg2[%add3A_19, %dma_start3A_20, %dma_start3A_21] : memref<128x128x128xf32, #tpu.memory_space<hbm>> -> memref<1x128x128xf32, #tpu.memory_space<hbm>>
    %dma_start3A_23 = tpu.memref_squeeze %dma_start3A_22 : memref<1x128x128xf32, #tpu.memory_space<hbm>> -> memref<128x128xf32, #tpu.memory_space<hbm>>
    %dma_start3A_24 = arith.constant 0 : i32
    %dma_start3A_25 = arith.constant 0 : i32
    %dma_start3A_26 = tpu.memref_slice %arg2[%add3A_19, %dma_start3A_24, %dma_start3A_25] : memref<128x128x128xf32, #tpu.memory_space<hbm>> -> memref<1x128x128xf32, #tpu.memory_space<hbm>>
    %dma_start3A_27 = tpu.memref_squeeze %dma_start3A_26 : memref<1x128x128xf32, #tpu.memory_space<hbm>> -> memref<128x128xf32, #tpu.memory_space<hbm>>
    tpu.enqueue_dma source(%dma_start3A_27 : memref<128x128xf32, #tpu.memory_space<hbm>>) target(%arg5 : memref<128x128xf32, #tpu.memory_space<vmem>>) target_semaphore(%arg9 : memref<!tpu.dma_semaphore, #tpu.memory_space<semaphore_mem>>)
    %add3A_28 = arith.constant 2 : i32
    %add3A_29 = arith.addi %mul3A_2, %add3A_28 : i32
    %dma_start3A_30 = arith.constant 0 : i32
    %dma_start3A_31 = arith.constant 0 : i32
    %dma_start3A_32 = tpu.memref_slice %arg2[%add3A_29, %dma_start3A_30, %dma_start3A_31] : memref<128x128x128xf32, #tpu.memory_space<hbm>> -> memref<1x128x128xf32, #tpu.memory_space<hbm>>
    %dma_start3A_33 = tpu.memref_squeeze %dma_start3A_32 : memref<1x128x128xf32, #tpu.memory_space<hbm>> -> memref<128x128xf32, #tpu.memory_space<hbm>>
    %dma_start3A_34 = arith.constant 0 : i32
    %dma_start3A_35 = arith.constant 0 : i32
    %dma_start3A_36 = tpu.memref_slice %arg2[%add3A_29, %dma_start3A_34, %dma_start3A_35] : memref<128x128x128xf32, #tpu.memory_space<hbm>> -> memref<1x128x128xf32, #tpu.memory_space<hbm>>
    %dma_start3A_37 = tpu.memref_squeeze %dma_start3A_36 : memref<1x128x128xf32, #tpu.memory_space<hbm>> -> memref<128x128xf32, #tpu.memory_space<hbm>>
    tpu.enqueue_dma source(%dma_start3A_37 : memref<128x128xf32, #tpu.memory_space<hbm>>) target(%arg6 : memref<128x128xf32, #tpu.memory_space<vmem>>) target_semaphore(%arg10 : memref<!tpu.dma_semaphore, #tpu.memory_space<semaphore_mem>>)
    %add3A_38 = arith.constant 3 : i32
    %add3A_39 = arith.addi %mul3A_2, %add3A_38 : i32
    %dma_start3A_40 = arith.constant 0 : i32
    %dma_start3A_41 = arith.constant 0 : i32
    %dma_start3A_42 = tpu.memref_slice %arg2[%add3A_39, %dma_start3A_40, %dma_start3A_41] : memref<128x128x128xf32, #tpu.memory_space<hbm>> -> memref<1x128x128xf32, #tpu.memory_space<hbm>>
    %dma_start3A_43 = tpu.memref_squeeze %dma_start3A_42 : memref<1x128x128xf32, #tpu.memory_space<hbm>> -> memref<128x128xf32, #tpu.memory_space<hbm>>
    %dma_start3A_44 = arith.constant 0 : i32
    %dma_start3A_45 = arith.constant 0 : i32
    %dma_start3A_46 = tpu.memref_slice %arg2[%add3A_39, %dma_start3A_44, %dma_start3A_45] : memref<128x128x128xf32, #tpu.memory_space<hbm>> -> memref<1x128x128xf32, #tpu.memory_space<hbm>>
    %dma_start3A_47 = tpu.memref_squeeze %dma_start3A_46 : memref<1x128x128xf32, #tpu.memory_space<hbm>> -> memref<128x128xf32, #tpu.memory_space<hbm>>
    tpu.enqueue_dma source(%dma_start3A_47 : memref<128x128xf32, #tpu.memory_space<hbm>>) target(%arg7 : memref<128x128xf32, #tpu.memory_space<vmem>>) target_semaphore(%arg11 : memref<!tpu.dma_semaphore, #tpu.memory_space<semaphore_mem>>)
    %add3A_48 = arith.constant 0 : i32
    %add3A_49 = arith.addi %mul3A_2, %add3A_48 : i32
    %dma_wait3A = arith.constant 0 : i32
    %dma_wait3A_50 = arith.constant 0 : i32
    %dma_wait3A_51 = tpu.memref_slice %arg2[%add3A_10, %dma_wait3A, %dma_wait3A_50] : memref<128x128x128xf32, #tpu.memory_space<hbm>> -> memref<1x128x128xf32, #tpu.memory_space<hbm>>
    %dma_wait3A_52 = tpu.memref_squeeze %dma_wait3A_51 : memref<1x128x128xf32, #tpu.memory_space<hbm>> -> memref<128x128xf32, #tpu.memory_space<hbm>>
    %dma_wait3A_53 = arith.constant 0 : i32
    %dma_wait3A_54 = arith.constant 0 : i32
    %dma_wait3A_55 = tpu.memref_slice %arg2[%add3A_10, %dma_wait3A_53, %dma_wait3A_54] : memref<128x128x128xf32, #tpu.memory_space<hbm>> -> memref<1x128x128xf32, #tpu.memory_space<hbm>>
    %dma_wait3A_56 = tpu.memref_squeeze %dma_wait3A_55 : memref<1x128x128xf32, #tpu.memory_space<hbm>> -> memref<128x128xf32, #tpu.memory_space<hbm>>
    tpu.wait_dma2 semaphore(%arg8 : memref<!tpu.dma_semaphore, #tpu.memory_space<semaphore_mem>>) src(%dma_wait3A_56 : memref<128x128xf32, #tpu.memory_space<hbm>>) dst(%arg4 : memref<128x128xf32, #tpu.memory_space<vmem>>)
    %ge3A = arith.constant 1 : i32
    %ge3A_57 = arith.cmpi sge, %add3A_49, %ge3A : i32
    %le3A = arith.constant 126 : i32
    %le3A_58 = arith.cmpi sle, %add3A_49, %le3A : i32
    %and3A = arith.andi %ge3A_57, %le3A_58 : i1
    %convert_element_type3A = arith.extui %and3A : i1 to i32
    %cond3A = arith.constant 0 : i32
    %cond3A_59 = arith.cmpi ne, %convert_element_type3A, %cond3A : i32
    scf.if %cond3A_59 {
      %swap3A = arith.constant 0 : i32
      %swap3A_197 = arith.index_cast %swap3A : i32 to index
      %swap3A_198 = arith.constant 0 : index
      %swap3A_199 = tpu.vector_load %arg4[%swap3A_197, %swap3A_198] {strides = array<i32>} : memref<128x128xf32, #tpu.memory_space<vmem>>, vector<1x16xf32>,
      %swap3A_200 = vector.shape_cast %swap3A_199 : vector<1x16xf32> to vector<16xf32>
      %swap3A_201 = vector.shape_cast %broadcast_in_dim3A_3 : vector<16xf32> to vector<1x16xf32>
      tpu.vector_store %arg4[%swap3A_197, %swap3A_198], %swap3A_201 {strides = array<i32>} : memref<128x128xf32, #tpu.memory_space<vmem>>, vector<1x16xf32>,
      %swap3A_202 = arith.constant 127 : i32
      %swap3A_203 = arith.index_cast %swap3A_202 : i32 to index
      %swap3A_204 = arith.constant 0 : index
      %swap3A_205 = tpu.vector_load %arg4[%swap3A_203, %swap3A_204] {strides = array<i32>} : memref<128x128xf32, #tpu.memory_space<vmem>>, vector<1x16xf32>,
      %swap3A_206 = vector.shape_cast %swap3A_205 : vector<1x16xf32> to vector<16xf32>
      %swap3A_207 = vector.shape_cast %broadcast_in_dim3A_3 : vector<16xf32> to vector<1x16xf32>
      tpu.vector_store %arg4[%swap3A_203, %swap3A_204], %swap3A_207 {strides = array<i32>} : memref<128x128xf32, #tpu.memory_space<vmem>>, vector<1x16xf32>,
      %swap3A_208 = arith.constant 0 : i32
      %swap3A_209 = arith.index_cast %swap3A_208 : i32 to index
      %swap3A_210 = arith.constant 16 : index
      %swap3A_211 = tpu.vector_load %arg4[%swap3A_209, %swap3A_210] {strides = array<i32>} : memref<128x128xf32, #tpu.memory_space<vmem>>, vector<1x16xf32>,
      %swap3A_212 = vector.shape_cast %swap3A_211 : vector<1x16xf32> to vector<16xf32>
      %swap3A_213 = vector.shape_cast %broadcast_in_dim3A_3 : vector<16xf32> to vector<1x16xf32>
      tpu.vector_store %arg4[%swap3A_209, %swap3A_210], %swap3A_213 {strides = array<i32>} : memref<128x128xf32, #tpu.memory_space<vmem>>, vector<1x16xf32>,
      %swap3A_214 = arith.constant 127 : i32
      %swap3A_215 = arith.index_cast %swap3A_214 : i32 to index
      %swap3A_216 = arith.constant 16 : index
      %swap3A_217 = tpu.vector_load %arg4[%swap3A_215, %swap3A_216] {strides = array<i32>} : memref<128x128xf32, #tpu.memory_space<vmem>>, vector<1x16xf32>,
      %swap3A_218 = vector.shape_cast %swap3A_217 : vector<1x16xf32> to vector<16xf32>
      %swap3A_219 = vector.shape_cast %broadcast_in_dim3A_3 : vector<16xf32> to vector<1x16xf32>
      tpu.vector_store %arg4[%swap3A_215, %swap3A_216], %swap3A_219 {strides = array<i32>} : memref<128x128xf32, #tpu.memory_space<vmem>>, vector<1x16xf32>,
      %swap3A_220 = arith.constant 0 : i32
      %swap3A_221 = arith.index_cast %swap3A_220 : i32 to index
      %swap3A_222 = arith.constant 32 : index
      %swap3A_223 = tpu.vector_load %arg4[%swap3A_221, %swap3A_222] {strides = array<i32>} : memref<128x128xf32, #tpu.memory_space<vmem>>, vector<1x16xf32>,
      %swap3A_224 = vector.shape_cast %swap3A_223 : vector<1x16xf32> to vector<16xf32>
      %swap3A_225 = vector.shape_cast %broadcast_in_dim3A_3 : vector<16xf32> to vector<1x16xf32>
      tpu.vector_store %arg4[%swap3A_221, %swap3A_222], %swap3A_225 {strides = array<i32>} : memref<128x128xf32, #tpu.memory_space<vmem>>, vector<1x16xf32>,
      %swap3A_226 = arith.constant 127 : i32
      %swap3A_227 = arith.index_cast %swap3A_226 : i32 to index
      %swap3A_228 = arith.constant 32 : index
      %swap3A_229 = tpu.vector_load %arg4[%swap3A_227, %swap3A_228] {strides = array<i32>} : memref<128x128xf32, #tpu.memory_space<vmem>>, vector<1x16xf32>,
      %swap3A_230 = vector.shape_cast %swap3A_229 : vector<1x16xf32> to vector<16xf32>
      %swap3A_231 = vector.shape_cast %broadcast_in_dim3A_3 : vector<16xf32> to vector<1x16xf32>
      tpu.vector_store %arg4[%swap3A_227, %swap3A_228], %swap3A_231 {strides = array<i32>} : memref<128x128xf32, #tpu.memory_space<vmem>>, vector<1x16xf32>,
      %swap3A_232 = arith.constant 0 : i32
      %swap3A_233 = arith.index_cast %swap3A_232 : i32 to index
      %swap3A_234 = arith.constant 48 : index
      %swap3A_235 = tpu.vector_load %arg4[%swap3A_233, %swap3A_234] {strides = array<i32>} : memref<128x128xf32, #tpu.memory_space<vmem>>, vector<1x16xf32>,
      %swap3A_236 = vector.shape_cast %swap3A_235 : vector<1x16xf32> to vector<16xf32>
      %swap3A_237 = vector.shape_cast %broadcast_in_dim3A_3 : vector<16xf32> to vector<1x16xf32>
      tpu.vector_store %arg4[%swap3A_233, %swap3A_234], %swap3A_237 {strides = array<i32>} : memref<128x128xf32, #tpu.memory_space<vmem>>, vector<1x16xf32>,
      %swap3A_238 = arith.constant 127 : i32
      %swap3A_239 = arith.index_cast %swap3A_238 : i32 to index
      %swap3A_240 = arith.constant 48 : index
      %swap3A_241 = tpu.vector_load %arg4[%swap3A_239, %swap3A_240] {strides = array<i32>} : memref<128x128xf32, #tpu.memory_space<vmem>>, vector<1x16xf32>,
      %swap3A_242 = vector.shape_cast %swap3A_241 : vector<1x16xf32> to vector<16xf32>
      %swap3A_243 = vector.shape_cast %broadcast_in_dim3A_3 : vector<16xf32> to vector<1x16xf32>
      tpu.vector_store %arg4[%swap3A_239, %swap3A_240], %swap3A_243 {strides = array<i32>} : memref<128x128xf32, #tpu.memory_space<vmem>>, vector<1x16xf32>,
      %swap3A_244 = arith.constant 0 : i32
      %swap3A_245 = arith.index_cast %swap3A_244 : i32 to index
      %swap3A_246 = arith.constant 64 : index
      %swap3A_247 = tpu.vector_load %arg4[%swap3A_245, %swap3A_246] {strides = array<i32>} : memref<128x128xf32, #tpu.memory_space<vmem>>, vector<1x16xf32>,
      %swap3A_248 = vector.shape_cast %swap3A_247 : vector<1x16xf32> to vector<16xf32>
      %swap3A_249 = vector.shape_cast %broadcast_in_dim3A_3 : vector<16xf32> to vector<1x16xf32>
      tpu.vector_store %arg4[%swap3A_245, %swap3A_246], %swap3A_249 {strides = array<i32>} : memref<128x128xf32, #tpu.memory_space<vmem>>, vector<1x16xf32>,
      %swap3A_250 = arith.constant 127 : i32
      %swap3A_251 = arith.index_cast %swap3A_250 : i32 to index
      %swap3A_252 = arith.constant 64 : index
      %swap3A_253 = tpu.vector_load %arg4[%swap3A_251, %swap3A_252] {strides = array<i32>} : memref<128x128xf32, #tpu.memory_space<vmem>>, vector<1x16xf32>,
      %swap3A_254 = vector.shape_cast %swap3A_253 : vector<1x16xf32> to vector<16xf32>
      %swap3A_255 = vector.shape_cast %broadcast_in_dim3A_3 : vector<16xf32> to vector<1x16xf32>
      tpu.vector_store %arg4[%swap3A_251, %swap3A_252], %swap3A_255 {strides = array<i32>} : memref<128x128xf32, #tpu.memory_space<vmem>>, vector<1x16xf32>,
      %swap3A_256 = arith.constant 0 : i32
      %swap3A_257 = arith.index_cast %swap3A_256 : i32 to index
      %swap3A_258 = arith.constant 80 : index
      %swap3A_259 = tpu.vector_load %arg4[%swap3A_257, %swap3A_258] {strides = array<i32>} : memref<128x128xf32, #tpu.memory_space<vmem>>, vector<1x16xf32>,
      %swap3A_260 = vector.shape_cast %swap3A_259 : vector<1x16xf32> to vector<16xf32>
      %swap3A_261 = vector.shape_cast %broadcast_in_dim3A_3 : vector<16xf32> to vector<1x16xf32>
      tpu.vector_store %arg4[%swap3A_257, %swap3A_258], %swap3A_261 {strides = array<i32>} : memref<128x128xf32, #tpu.memory_space<vmem>>, vector<1x16xf32>,
      %swap3A_262 = arith.constant 127 : i32
      %swap3A_263 = arith.index_cast %swap3A_262 : i32 to index
      %swap3A_264 = arith.constant 80 : index
      %swap3A_265 = tpu.vector_load %arg4[%swap3A_263, %swap3A_264] {strides = array<i32>} : memref<128x128xf32, #tpu.memory_space<vmem>>, vector<1x16xf32>,
      %swap3A_266 = vector.shape_cast %swap3A_265 : vector<1x16xf32> to vector<16xf32>
      %swap3A_267 = vector.shape_cast %broadcast_in_dim3A_3 : vector<16xf32> to vector<1x16xf32>
      tpu.vector_store %arg4[%swap3A_263, %swap3A_264], %swap3A_267 {strides = array<i32>} : memref<128x128xf32, #tpu.memory_space<vmem>>, vector<1x16xf32>,
      %swap3A_268 = arith.constant 0 : i32
      %swap3A_269 = arith.index_cast %swap3A_268 : i32 to index
      %swap3A_270 = arith.constant 96 : index
      %swap3A_271 = tpu.vector_load %arg4[%swap3A_269, %swap3A_270] {strides = array<i32>} : memref<128x128xf32, #tpu.memory_space<vmem>>, vector<1x16xf32>,
      %swap3A_272 = vector.shape_cast %swap3A_271 : vector<1x16xf32> to vector<16xf32>
      %swap3A_273 = vector.shape_cast %broadcast_in_dim3A_3 : vector<16xf32> to vector<1x16xf32>
      tpu.vector_store %arg4[%swap3A_269, %swap3A_270], %swap3A_273 {strides = array<i32>} : memref<128x128xf32, #tpu.memory_space<vmem>>, vector<1x16xf32>,
      %swap3A_274 = arith.constant 127 : i32
      %swap3A_275 = arith.index_cast %swap3A_274 : i32 to index
      %swap3A_276 = arith.constant 96 : index
      %swap3A_277 = tpu.vector_load %arg4[%swap3A_275, %swap3A_276] {strides = array<i32>} : memref<128x128xf32, #tpu.memory_space<vmem>>, vector<1x16xf32>,
      %swap3A_278 = vector.shape_cast %swap3A_277 : vector<1x16xf32> to vector<16xf32>
      %swap3A_279 = vector.shape_cast %broadcast_in_dim3A_3 : vector<16xf32> to vector<1x16xf32>
      tpu.vector_store %arg4[%swap3A_275, %swap3A_276], %swap3A_279 {strides = array<i32>} : memref<128x128xf32, #tpu.memory_space<vmem>>, vector<1x16xf32>,
      %swap3A_280 = arith.constant 0 : i32
      %swap3A_281 = arith.index_cast %swap3A_280 : i32 to index
      %swap3A_282 = arith.constant 112 : index
      %swap3A_283 = tpu.vector_load %arg4[%swap3A_281, %swap3A_282] {strides = array<i32>} : memref<128x128xf32, #tpu.memory_space<vmem>>, vector<1x16xf32>,
      %swap3A_284 = vector.shape_cast %swap3A_283 : vector<1x16xf32> to vector<16xf32>
      %swap3A_285 = vector.shape_cast %broadcast_in_dim3A_3 : vector<16xf32> to vector<1x16xf32>
      tpu.vector_store %arg4[%swap3A_281, %swap3A_282], %swap3A_285 {strides = array<i32>} : memref<128x128xf32, #tpu.memory_space<vmem>>, vector<1x16xf32>,
      %swap3A_286 = arith.constant 127 : i32
      %swap3A_287 = arith.index_cast %swap3A_286 : i32 to index
      %swap3A_288 = arith.constant 112 : index
      %swap3A_289 = tpu.vector_load %arg4[%swap3A_287, %swap3A_288] {strides = array<i32>} : memref<128x128xf32, #tpu.memory_space<vmem>>, vector<1x16xf32>,
      %swap3A_290 = vector.shape_cast %swap3A_289 : vector<1x16xf32> to vector<16xf32>
      %swap3A_291 = vector.shape_cast %broadcast_in_dim3A_3 : vector<16xf32> to vector<1x16xf32>
      tpu.vector_store %arg4[%swap3A_287, %swap3A_288], %swap3A_291 {strides = array<i32>} : memref<128x128xf32, #tpu.memory_space<vmem>>, vector<1x16xf32>,
      %scan3A = arith.constant 0 : i32
      %scan3A_292 = arith.constant 1 : i32
      %scan3A_293 = arith.constant 120 : i32
      %scan3A_294 = arith.addi %scan3A_292, %scan3A_293 : i32
      %scan3A_295 = arith.constant 8 : i32
      scf.for %scan3A_427 = %scan3A_292 to %scan3A_294 step %scan3A_295  : i32 {
        %get3A_428 = arith.index_cast %scan3A_427 : i32 to index
        %get3A_429 = arith.constant 0 : index
        %get3A_430 = tpu.vector_load %arg4[%get3A_428, %get3A_429] {strides = array<i32>} : memref<128x128xf32, #tpu.memory_space<vmem>>, vector<1x16xf32>,
        %get3A_431 = vector.shape_cast %get3A_430 : vector<1x16xf32> to vector<16xf32>
        %select_n3A_432 = arith.select %eq3A_5, %broadcast_in_dim3A_3, %get3A_431 : vector<16xi1>, vector<16xf32>
        %swap3A_433 = arith.index_cast %scan3A_427 : i32 to index
        %swap3A_434 = arith.constant 0 : index
        %swap3A_435 = tpu.vector_load %arg4[%swap3A_433, %swap3A_434] {strides = array<i32>} : memref<128x128xf32, #tpu.memory_space<vmem>>, vector<1x16xf32>,
        %swap3A_436 = vector.shape_cast %swap3A_435 : vector<1x16xf32> to vector<16xf32>
        %swap3A_437 = vector.shape_cast %select_n3A_432 : vector<16xf32> to vector<1x16xf32>
        tpu.vector_store %arg4[%swap3A_433, %swap3A_434], %swap3A_437 {strides = array<i32>} : memref<128x128xf32, #tpu.memory_space<vmem>>, vector<1x16xf32>,
        %get3A_438 = arith.index_cast %scan3A_427 : i32 to index
        %get3A_439 = arith.constant 112 : index
        %get3A_440 = tpu.vector_load %arg4[%get3A_438, %get3A_439] {strides = array<i32>} : memref<128x128xf32, #tpu.memory_space<vmem>>, vector<1x16xf32>,
        %get3A_441 = vector.shape_cast %get3A_440 : vector<1x16xf32> to vector<16xf32>
        %select_n3A_442 = arith.select %eq3A_8, %broadcast_in_dim3A_3, %get3A_441 : vector<16xi1>, vector<16xf32>
        %swap3A_443 = arith.index_cast %scan3A_427 : i32 to index
        %swap3A_444 = arith.constant 112 : index
        %swap3A_445 = tpu.vector_load %arg4[%swap3A_443, %swap3A_444] {strides = array<i32>} : memref<128x128xf32, #tpu.memory_space<vmem>>, vector<1x16xf32>,
        %swap3A_446 = vector.shape_cast %swap3A_445 : vector<1x16xf32> to vector<16xf32>
        %swap3A_447 = vector.shape_cast %select_n3A_442 : vector<16xf32> to vector<1x16xf32>
        tpu.vector_store %arg4[%swap3A_443, %swap3A_444], %swap3A_447 {strides = array<i32>} : memref<128x128xf32, #tpu.memory_space<vmem>>, vector<1x16xf32>,
        %scan3A_448 = arith.constant 1 : i32
        %scan3A_449 = arith.addi %scan3A_427, %scan3A_448 : i32
        %get3A_450 = arith.index_cast %scan3A_449 : i32 to index
        %get3A_451 = arith.constant 0 : index
        %get3A_452 = tpu.vector_load %arg4[%get3A_450, %get3A_451] {strides = array<i32>} : memref<128x128xf32, #tpu.memory_space<vmem>>, vector<1x16xf32>,
        %get3A_453 = vector.shape_cast %get3A_452 : vector<1x16xf32> to vector<16xf32>
        %select_n3A_454 = arith.select %eq3A_5, %broadcast_in_dim3A_3, %get3A_453 : vector<16xi1>, vector<16xf32>
        %swap3A_455 = arith.index_cast %scan3A_449 : i32 to index
        %swap3A_456 = arith.constant 0 : index
        %swap3A_457 = tpu.vector_load %arg4[%swap3A_455, %swap3A_456] {strides = array<i32>} : memref<128x128xf32, #tpu.memory_space<vmem>>, vector<1x16xf32>,
        %swap3A_458 = vector.shape_cast %swap3A_457 : vector<1x16xf32> to vector<16xf32>
        %swap3A_459 = vector.shape_cast %select_n3A_454 : vector<16xf32> to vector<1x16xf32>
        tpu.vector_store %arg4[%swap3A_455, %swap3A_456], %swap3A_459 {strides = array<i32>} : memref<128x128xf32, #tpu.memory_space<vmem>>, vector<1x16xf32>,
        %get3A_460 = arith.index_cast %scan3A_449 : i32 to index
        %get3A_461 = arith.constant 112 : index
        %get3A_462 = tpu.vector_load %arg4[%get3A_460, %get3A_461] {strides = array<i32>} : memref<128x128xf32, #tpu.memory_space<vmem>>, vector<1x16xf32>,
        %get3A_463 = vector.shape_cast %get3A_462 : vector<1x16xf32> to vector<16xf32>
        %select_n3A_464 = arith.select %eq3A_8, %broadcast_in_dim3A_3, %get3A_463 : vector<16xi1>, vector<16xf32>
        %swap3A_465 = arith.index_cast %scan3A_449 : i32 to index
        %swap3A_466 = arith.constant 112 : index
        %swap3A_467 = tpu.vector_load %arg4[%swap3A_465, %swap3A_466] {strides = array<i32>} : memref<128x128xf32, #tpu.memory_space<vmem>>, vector<1x16xf32>,
        %swap3A_468 = vector.shape_cast %swap3A_467 : vector<1x16xf32> to vector<16xf32>
        %swap3A_469 = vector.shape_cast %select_n3A_464 : vector<16xf32> to vector<1x16xf32>
        tpu.vector_store %arg4[%swap3A_465, %swap3A_466], %swap3A_469 {strides = array<i32>} : memref<128x128xf32, #tpu.memory_space<vmem>>, vector<1x16xf32>,
        %scan3A_470 = arith.constant 2 : i32
        %scan3A_471 = arith.addi %scan3A_427, %scan3A_470 : i32
        %get3A_472 = arith.index_cast %scan3A_471 : i32 to index
        %get3A_473 = arith.constant 0 : index
        %get3A_474 = tpu.vector_load %arg4[%get3A_472, %get3A_473] {strides = array<i32>} : memref<128x128xf32, #tpu.memory_space<vmem>>, vector<1x16xf32>,
        %get3A_475 = vector.shape_cast %get3A_474 : vector<1x16xf32> to vector<16xf32>
        %select_n3A_476 = arith.select %eq3A_5, %broadcast_in_dim3A_3, %get3A_475 : vector<16xi1>, vector<16xf32>
        %swap3A_477 = arith.index_cast %scan3A_471 : i32 to index
        %swap3A_478 = arith.constant 0 : index
        %swap3A_479 = tpu.vector_load %arg4[%swap3A_477, %swap3A_478] {strides = array<i32>} : memref<128x128xf32, #tpu.memory_space<vmem>>, vector<1x16xf32>,
        %swap3A_480 = vector.shape_cast %swap3A_479 : vector<1x16xf32> to vector<16xf32>
        %swap3A_481 = vector.shape_cast %select_n3A_476 : vector<16xf32> to vector<1x16xf32>
        tpu.vector_store %arg4[%swap3A_477, %swap3A_478], %swap3A_481 {strides = array<i32>} : memref<128x128xf32, #tpu.memory_space<vmem>>, vector<1x16xf32>,
        %get3A_482 = arith.index_cast %scan3A_471 : i32 to index
        %get3A_483 = arith.constant 112 : index
        %get3A_484 = tpu.vector_load %arg4[%get3A_482, %get3A_483] {strides = array<i32>} : memref<128x128xf32, #tpu.memory_space<vmem>>, vector<1x16xf32>,
        %get3A_485 = vector.shape_cast %get3A_484 : vector<1x16xf32> to vector<16xf32>
        %select_n3A_486 = arith.select %eq3A_8, %broadcast_in_dim3A_3, %get3A_485 : vector<16xi1>, vector<16xf32>
        %swap3A_487 = arith.index_cast %scan3A_471 : i32 to index
        %swap3A_488 = arith.constant 112 : index
        %swap3A_489 = tpu.vector_load %arg4[%swap3A_487, %swap3A_488] {strides = array<i32>} : memref<128x128xf32, #tpu.memory_space<vmem>>, vector<1x16xf32>,
        %swap3A_490 = vector.shape_cast %swap3A_489 : vector<1x16xf32> to vector<16xf32>
        %swap3A_491 = vector.shape_cast %select_n3A_486 : vector<16xf32> to vector<1x16xf32>
        tpu.vector_store %arg4[%swap3A_487, %swap3A_488], %swap3A_491 {strides = array<i32>} : memref<128x128xf32, #tpu.memory_space<vmem>>, vector<1x16xf32>,
        %scan3A_492 = arith.constant 3 : i32
        %scan3A_493 = arith.addi %scan3A_427, %scan3A_492 : i32
        %get3A_494 = arith.index_cast %scan3A_493 : i32 to index
        %get3A_495 = arith.constant 0 : index
        %get3A_496 = tpu.vector_load %arg4[%get3A_494, %get3A_495] {strides = array<i32>} : memref<128x128xf32, #tpu.memory_space<vmem>>, vector<1x16xf32>,
        %get3A_497 = vector.shape_cast %get3A_496 : vector<1x16xf32> to vector<16xf32>
        %select_n3A_498 = arith.select %eq3A_5, %broadcast_in_dim3A_3, %get3A_497 : vector<16xi1>, vector<16xf32>
        %swap3A_499 = arith.index_cast %scan3A_493 : i32 to index
        %swap3A_500 = arith.constant 0 : index
        %swap3A_501 = tpu.vector_load %arg4[%swap3A_499, %swap3A_500] {strides = array<i32>} : memref<128x128xf32, #tpu.memory_space<vmem>>, vector<1x16xf32>,
        %swap3A_502 = vector.shape_cast %swap3A_501 : vector<1x16xf32> to vector<16xf32>
        %swap3A_503 = vector.shape_cast %select_n3A_498 : vector<16xf32> to vector<1x16xf32>
        tpu.vector_store %arg4[%swap3A_499, %swap3A_500], %swap3A_503 {strides = array<i32>} : memref<128x128xf32, #tpu.memory_space<vmem>>, vector<1x16xf32>,
        %get3A_504 = arith.index_cast %scan3A_493 : i32 to index
        %get3A_505 = arith.constant 112 : index
        %get3A_506 = tpu.vector_load %arg4[%get3A_504, %get3A_505] {strides = array<i32>} : memref<128x128xf32, #tpu.memory_space<vmem>>, vector<1x16xf32>,
        %get3A_507 = vector.shape_cast %get3A_506 : vector<1x16xf32> to vector<16xf32>
        %select_n3A_508 = arith.select %eq3A_8, %broadcast_in_dim3A_3, %get3A_507 : vector<16xi1>, vector<16xf32>
        %swap3A_509 = arith.index_cast %scan3A_493 : i32 to index
        %swap3A_510 = arith.constant 112 : index
        %swap3A_511 = tpu.vector_load %arg4[%swap3A_509, %swap3A_510] {strides = array<i32>} : memref<128x128xf32, #tpu.memory_space<vmem>>, vector<1x16xf32>,
        %swap3A_512 = vector.shape_cast %swap3A_511 : vector<1x16xf32> to vector<16xf32>
        %swap3A_513 = vector.shape_cast %select_n3A_508 : vector<16xf32> to vector<1x16xf32>
        tpu.vector_store %arg4[%swap3A_509, %swap3A_510], %swap3A_513 {strides = array<i32>} : memref<128x128xf32, #tpu.memory_space<vmem>>, vector<1x16xf32>,
        %scan3A_514 = arith.constant 4 : i32
        %scan3A_515 = arith.addi %scan3A_427, %scan3A_514 : i32
        %get3A_516 = arith.index_cast %scan3A_515 : i32 to index
        %get3A_517 = arith.constant 0 : index
        %get3A_518 = tpu.vector_load %arg4[%get3A_516, %get3A_517] {strides = array<i32>} : memref<128x128xf32, #tpu.memory_space<vmem>>, vector<1x16xf32>,
        %get3A_519 = vector.shape_cast %get3A_518 : vector<1x16xf32> to vector<16xf32>
        %select_n3A_520 = arith.select %eq3A_5, %broadcast_in_dim3A_3, %get3A_519 : vector<16xi1>, vector<16xf32>
        %swap3A_521 = arith.index_cast %scan3A_515 : i32 to index
        %swap3A_522 = arith.constant 0 : index
        %swap3A_523 = tpu.vector_load %arg4[%swap3A_521, %swap3A_522] {strides = array<i32>} : memref<128x128xf32, #tpu.memory_space<vmem>>, vector<1x16xf32>,
        %swap3A_524 = vector.shape_cast %swap3A_523 : vector<1x16xf32> to vector<16xf32>
        %swap3A_525 = vector.shape_cast %select_n3A_520 : vector<16xf32> to vector<1x16xf32>
        tpu.vector_store %arg4[%swap3A_521, %swap3A_522], %swap3A_525 {strides = array<i32>} : memref<128x128xf32, #tpu.memory_space<vmem>>, vector<1x16xf32>,
        %get3A_526 = arith.index_cast %scan3A_515 : i32 to index
        %get3A_527 = arith.constant 112 : index
        %get3A_528 = tpu.vector_load %arg4[%get3A_526, %get3A_527] {strides = array<i32>} : memref<128x128xf32, #tpu.memory_space<vmem>>, vector<1x16xf32>,
        %get3A_529 = vector.shape_cast %get3A_528 : vector<1x16xf32> to vector<16xf32>
        %select_n3A_530 = arith.select %eq3A_8, %broadcast_in_dim3A_3, %get3A_529 : vector<16xi1>, vector<16xf32>
        %swap3A_531 = arith.index_cast %scan3A_515 : i32 to index
        %swap3A_532 = arith.constant 112 : index
        %swap3A_533 = tpu.vector_load %arg4[%swap3A_531, %swap3A_532] {strides = array<i32>} : memref<128x128xf32, #tpu.memory_space<vmem>>, vector<1x16xf32>,
        %swap3A_534 = vector.shape_cast %swap3A_533 : vector<1x16xf32> to vector<16xf32>
        %swap3A_535 = vector.shape_cast %select_n3A_530 : vector<16xf32> to vector<1x16xf32>
        tpu.vector_store %arg4[%swap3A_531, %swap3A_532], %swap3A_535 {strides = array<i32>} : memref<128x128xf32, #tpu.memory_space<vmem>>, vector<1x16xf32>,
        %scan3A_536 = arith.constant 5 : i32
        %scan3A_537 = arith.addi %scan3A_427, %scan3A_536 : i32
        %get3A_538 = arith.index_cast %scan3A_537 : i32 to index
        %get3A_539 = arith.constant 0 : index
        %get3A_540 = tpu.vector_load %arg4[%get3A_538, %get3A_539] {strides = array<i32>} : memref<128x128xf32, #tpu.memory_space<vmem>>, vector<1x16xf32>,
        %get3A_541 = vector.shape_cast %get3A_540 : vector<1x16xf32> to vector<16xf32>
        %select_n3A_542 = arith.select %eq3A_5, %broadcast_in_dim3A_3, %get3A_541 : vector<16xi1>, vector<16xf32>
        %swap3A_543 = arith.index_cast %scan3A_537 : i32 to index
        %swap3A_544 = arith.constant 0 : index
        %swap3A_545 = tpu.vector_load %arg4[%swap3A_543, %swap3A_544] {strides = array<i32>} : memref<128x128xf32, #tpu.memory_space<vmem>>, vector<1x16xf32>,
        %swap3A_546 = vector.shape_cast %swap3A_545 : vector<1x16xf32> to vector<16xf32>
        %swap3A_547 = vector.shape_cast %select_n3A_542 : vector<16xf32> to vector<1x16xf32>
        tpu.vector_store %arg4[%swap3A_543, %swap3A_544], %swap3A_547 {strides = array<i32>} : memref<128x128xf32, #tpu.memory_space<vmem>>, vector<1x16xf32>,
        %get3A_548 = arith.index_cast %scan3A_537 : i32 to index
        %get3A_549 = arith.constant 112 : index
        %get3A_550 = tpu.vector_load %arg4[%get3A_548, %get3A_549] {strides = array<i32>} : memref<128x128xf32, #tpu.memory_space<vmem>>, vector<1x16xf32>,
        %get3A_551 = vector.shape_cast %get3A_550 : vector<1x16xf32> to vector<16xf32>
        %select_n3A_552 = arith.select %eq3A_8, %broadcast_in_dim3A_3, %get3A_551 : vector<16xi1>, vector<16xf32>
        %swap3A_553 = arith.index_cast %scan3A_537 : i32 to index
        %swap3A_554 = arith.constant 112 : index
        %swap3A_555 = tpu.vector_load %arg4[%swap3A_553, %swap3A_554] {strides = array<i32>} : memref<128x128xf32, #tpu.memory_space<vmem>>, vector<1x16xf32>,
        %swap3A_556 = vector.shape_cast %swap3A_555 : vector<1x16xf32> to vector<16xf32>
        %swap3A_557 = vector.shape_cast %select_n3A_552 : vector<16xf32> to vector<1x16xf32>
        tpu.vector_store %arg4[%swap3A_553, %swap3A_554], %swap3A_557 {strides = array<i32>} : memref<128x128xf32, #tpu.memory_space<vmem>>, vector<1x16xf32>,
        %scan3A_558 = arith.constant 6 : i32
        %scan3A_559 = arith.addi %scan3A_427, %scan3A_558 : i32
        %get3A_560 = arith.index_cast %scan3A_559 : i32 to index
        %get3A_561 = arith.constant 0 : index
        %get3A_562 = tpu.vector_load %arg4[%get3A_560, %get3A_561] {strides = array<i32>} : memref<128x128xf32, #tpu.memory_space<vmem>>, vector<1x16xf32>,
        %get3A_563 = vector.shape_cast %get3A_562 : vector<1x16xf32> to vector<16xf32>
        %select_n3A_564 = arith.select %eq3A_5, %broadcast_in_dim3A_3, %get3A_563 : vector<16xi1>, vector<16xf32>
        %swap3A_565 = arith.index_cast %scan3A_559 : i32 to index
        %swap3A_566 = arith.constant 0 : index
        %swap3A_567 = tpu.vector_load %arg4[%swap3A_565, %swap3A_566] {strides = array<i32>} : memref<128x128xf32, #tpu.memory_space<vmem>>, vector<1x16xf32>,
        %swap3A_568 = vector.shape_cast %swap3A_567 : vector<1x16xf32> to vector<16xf32>
        %swap3A_569 = vector.shape_cast %select_n3A_564 : vector<16xf32> to vector<1x16xf32>
        tpu.vector_store %arg4[%swap3A_565, %swap3A_566], %swap3A_569 {strides = array<i32>} : memref<128x128xf32, #tpu.memory_space<vmem>>, vector<1x16xf32>,
        %get3A_570 = arith.index_cast %scan3A_559 : i32 to index
        %get3A_571 = arith.constant 112 : index
        %get3A_572 = tpu.vector_load %arg4[%get3A_570, %get3A_571] {strides = array<i32>} : memref<128x128xf32, #tpu.memory_space<vmem>>, vector<1x16xf32>,
        %get3A_573 = vector.shape_cast %get3A_572 : vector<1x16xf32> to vector<16xf32>
        %select_n3A_574 = arith.select %eq3A_8, %broadcast_in_dim3A_3, %get3A_573 : vector<16xi1>, vector<16xf32>
        %swap3A_575 = arith.index_cast %scan3A_559 : i32 to index
        %swap3A_576 = arith.constant 112 : index
        %swap3A_577 = tpu.vector_load %arg4[%swap3A_575, %swap3A_576] {strides = array<i32>} : memref<128x128xf32, #tpu.memory_space<vmem>>, vector<1x16xf32>,
        %swap3A_578 = vector.shape_cast %swap3A_577 : vector<1x16xf32> to vector<16xf32>
        %swap3A_579 = vector.shape_cast %select_n3A_574 : vector<16xf32> to vector<1x16xf32>
        tpu.vector_store %arg4[%swap3A_575, %swap3A_576], %swap3A_579 {strides = array<i32>} : memref<128x128xf32, #tpu.memory_space<vmem>>, vector<1x16xf32>,
        %scan3A_580 = arith.constant 7 : i32
        %scan3A_581 = arith.addi %scan3A_427, %scan3A_580 : i32
        %get3A_582 = arith.index_cast %scan3A_581 : i32 to index
        %get3A_583 = arith.constant 0 : index
        %get3A_584 = tpu.vector_load %arg4[%get3A_582, %get3A_583] {strides = array<i32>} : memref<128x128xf32, #tpu.memory_space<vmem>>, vector<1x16xf32>,
        %get3A_585 = vector.shape_cast %get3A_584 : vector<1x16xf32> to vector<16xf32>
        %select_n3A_586 = arith.select %eq3A_5, %broadcast_in_dim3A_3, %get3A_585 : vector<16xi1>, vector<16xf32>
        %swap3A_587 = arith.index_cast %scan3A_581 : i32 to index
        %swap3A_588 = arith.constant 0 : index
        %swap3A_589 = tpu.vector_load %arg4[%swap3A_587, %swap3A_588] {strides = array<i32>} : memref<128x128xf32, #tpu.memory_space<vmem>>, vector<1x16xf32>,
        %swap3A_590 = vector.shape_cast %swap3A_589 : vector<1x16xf32> to vector<16xf32>
        %swap3A_591 = vector.shape_cast %select_n3A_586 : vector<16xf32> to vector<1x16xf32>
        tpu.vector_store %arg4[%swap3A_587, %swap3A_588], %swap3A_591 {strides = array<i32>} : memref<128x128xf32, #tpu.memory_space<vmem>>, vector<1x16xf32>,
        %get3A_592 = arith.index_cast %scan3A_581 : i32 to index
        %get3A_593 = arith.constant 112 : index
        %get3A_594 = tpu.vector_load %arg4[%get3A_592, %get3A_593] {strides = array<i32>} : memref<128x128xf32, #tpu.memory_space<vmem>>, vector<1x16xf32>,
        %get3A_595 = vector.shape_cast %get3A_594 : vector<1x16xf32> to vector<16xf32>
        %select_n3A_596 = arith.select %eq3A_8, %broadcast_in_dim3A_3, %get3A_595 : vector<16xi1>, vector<16xf32>
        %swap3A_597 = arith.index_cast %scan3A_581 : i32 to index
        %swap3A_598 = arith.constant 112 : index
        %swap3A_599 = tpu.vector_load %arg4[%swap3A_597, %swap3A_598] {strides = array<i32>} : memref<128x128xf32, #tpu.memory_space<vmem>>, vector<1x16xf32>,
        %swap3A_600 = vector.shape_cast %swap3A_599 : vector<1x16xf32> to vector<16xf32>
        %swap3A_601 = vector.shape_cast %select_n3A_596 : vector<16xf32> to vector<1x16xf32>
        tpu.vector_store %arg4[%swap3A_597, %swap3A_598], %swap3A_601 {strides = array<i32>} : memref<128x128xf32, #tpu.memory_space<vmem>>, vector<1x16xf32>,
      }
      %scan3A_296 = arith.constant 120 : i32
      %scan3A_297 = arith.addi %scan3A_292, %scan3A_296 : i32
      %get3A = arith.index_cast %scan3A_297 : i32 to index
      %get3A_298 = arith.constant 0 : index
      %get3A_299 = tpu.vector_load %arg4[%get3A, %get3A_298] {strides = array<i32>} : memref<128x128xf32, #tpu.memory_space<vmem>>, vector<1x16xf32>,
      %get3A_300 = vector.shape_cast %get3A_299 : vector<1x16xf32> to vector<16xf32>
      %select_n3A = arith.select %eq3A_5, %broadcast_in_dim3A_3, %get3A_300 : vector<16xi1>, vector<16xf32>
      %swap3A_301 = arith.index_cast %scan3A_297 : i32 to index
      %swap3A_302 = arith.constant 0 : index
      %swap3A_303 = tpu.vector_load %arg4[%swap3A_301, %swap3A_302] {strides = array<i32>} : memref<128x128xf32, #tpu.memory_space<vmem>>, vector<1x16xf32>,
      %swap3A_304 = vector.shape_cast %swap3A_303 : vector<1x16xf32> to vector<16xf32>
      %swap3A_305 = vector.shape_cast %select_n3A : vector<16xf32> to vector<1x16xf32>
      tpu.vector_store %arg4[%swap3A_301, %swap3A_302], %swap3A_305 {strides = array<i32>} : memref<128x128xf32, #tpu.memory_space<vmem>>, vector<1x16xf32>,
      %get3A_306 = arith.index_cast %scan3A_297 : i32 to index
      %get3A_307 = arith.constant 112 : index
      %get3A_308 = tpu.vector_load %arg4[%get3A_306, %get3A_307] {strides = array<i32>} : memref<128x128xf32, #tpu.memory_space<vmem>>, vector<1x16xf32>,
      %get3A_309 = vector.shape_cast %get3A_308 : vector<1x16xf32> to vector<16xf32>
      %select_n3A_310 = arith.select %eq3A_8, %broadcast_in_dim3A_3, %get3A_309 : vector<16xi1>, vector<16xf32>
      %swap3A_311 = arith.index_cast %scan3A_297 : i32 to index
      %swap3A_312 = arith.constant 112 : index
      %swap3A_313 = tpu.vector_load %arg4[%swap3A_311, %swap3A_312] {strides = array<i32>} : memref<128x128xf32, #tpu.memory_space<vmem>>, vector<1x16xf32>,
      %swap3A_314 = vector.shape_cast %swap3A_313 : vector<1x16xf32> to vector<16xf32>
      %swap3A_315 = vector.shape_cast %select_n3A_310 : vector<16xf32> to vector<1x16xf32>
      tpu.vector_store %arg4[%swap3A_311, %swap3A_312], %swap3A_315 {strides = array<i32>} : memref<128x128xf32, #tpu.memory_space<vmem>>, vector<1x16xf32>,
      %scan3A_316 = arith.constant 121 : i32
      %scan3A_317 = arith.addi %scan3A_292, %scan3A_316 : i32
      %get3A_318 = arith.index_cast %scan3A_317 : i32 to index
      %get3A_319 = arith.constant 0 : index
      %get3A_320 = tpu.vector_load %arg4[%get3A_318, %get3A_319] {strides = array<i32>} : memref<128x128xf32, #tpu.memory_space<vmem>>, vector<1x16xf32>,
      %get3A_321 = vector.shape_cast %get3A_320 : vector<1x16xf32> to vector<16xf32>
      %select_n3A_322 = arith.select %eq3A_5, %broadcast_in_dim3A_3, %get3A_321 : vector<16xi1>, vector<16xf32>
      %swap3A_323 = arith.index_cast %scan3A_317 : i32 to index
      %swap3A_324 = arith.constant 0 : index
      %swap3A_325 = tpu.vector_load %arg4[%swap3A_323, %swap3A_324] {strides = array<i32>} : memref<128x128xf32, #tpu.memory_space<vmem>>, vector<1x16xf32>,
      %swap3A_326 = vector.shape_cast %swap3A_325 : vector<1x16xf32> to vector<16xf32>
      %swap3A_327 = vector.shape_cast %select_n3A_322 : vector<16xf32> to vector<1x16xf32>
      tpu.vector_store %arg4[%swap3A_323, %swap3A_324], %swap3A_327 {strides = array<i32>} : memref<128x128xf32, #tpu.memory_space<vmem>>, vector<1x16xf32>,
      %get3A_328 = arith.index_cast %scan3A_317 : i32 to index
      %get3A_329 = arith.constant 112 : index
      %get3A_330 = tpu.vector_load %arg4[%get3A_328, %get3A_329] {strides = array<i32>} : memref<128x128xf32, #tpu.memory_space<vmem>>, vector<1x16xf32>,
      %get3A_331 = vector.shape_cast %get3A_330 : vector<1x16xf32> to vector<16xf32>
      %select_n3A_332 = arith.select %eq3A_8, %broadcast_in_dim3A_3, %get3A_331 : vector<16xi1>, vector<16xf32>
      %swap3A_333 = arith.index_cast %scan3A_317 : i32 to index
      %swap3A_334 = arith.constant 112 : index
      %swap3A_335 = tpu.vector_load %arg4[%swap3A_333, %swap3A_334] {strides = array<i32>} : memref<128x128xf32, #tpu.memory_space<vmem>>, vector<1x16xf32>,
      %swap3A_336 = vector.shape_cast %swap3A_335 : vector<1x16xf32> to vector<16xf32>
      %swap3A_337 = vector.shape_cast %select_n3A_332 : vector<16xf32> to vector<1x16xf32>
      tpu.vector_store %arg4[%swap3A_333, %swap3A_334], %swap3A_337 {strides = array<i32>} : memref<128x128xf32, #tpu.memory_space<vmem>>, vector<1x16xf32>,
      %scan3A_338 = arith.constant 122 : i32
      %scan3A_339 = arith.addi %scan3A_292, %scan3A_338 : i32
      %get3A_340 = arith.index_cast %scan3A_339 : i32 to index
      %get3A_341 = arith.constant 0 : index
      %get3A_342 = tpu.vector_load %arg4[%get3A_340, %get3A_341] {strides = array<i32>} : memref<128x128xf32, #tpu.memory_space<vmem>>, vector<1x16xf32>,
      %get3A_343 = vector.shape_cast %get3A_342 : vector<1x16xf32> to vector<16xf32>
      %select_n3A_344 = arith.select %eq3A_5, %broadcast_in_dim3A_3, %get3A_343 : vector<16xi1>, vector<16xf32>
      %swap3A_345 = arith.index_cast %scan3A_339 : i32 to index
      %swap3A_346 = arith.constant 0 : index
      %swap3A_347 = tpu.vector_load %arg4[%swap3A_345, %swap3A_346] {strides = array<i32>} : memref<128x128xf32, #tpu.memory_space<vmem>>, vector<1x16xf32>,
      %swap3A_348 = vector.shape_cast %swap3A_347 : vector<1x16xf32> to vector<16xf32>
      %swap3A_349 = vector.shape_cast %select_n3A_344 : vector<16xf32> to vector<1x16xf32>
      tpu.vector_store %arg4[%swap3A_345, %swap3A_346], %swap3A_349 {strides = array<i32>} : memref<128x128xf32, #tpu.memory_space<vmem>>, vector<1x16xf32>,
      %get3A_350 = arith.index_cast %scan3A_339 : i32 to index
      %get3A_351 = arith.constant 112 : index
      %get3A_352 = tpu.vector_load %arg4[%get3A_350, %get3A_351] {strides = array<i32>} : memref<128x128xf32, #tpu.memory_space<vmem>>, vector<1x16xf32>,
      %get3A_353 = vector.shape_cast %get3A_352 : vector<1x16xf32> to vector<16xf32>
      %select_n3A_354 = arith.select %eq3A_8, %broadcast_in_dim3A_3, %get3A_353 : vector<16xi1>, vector<16xf32>
      %swap3A_355 = arith.index_cast %scan3A_339 : i32 to index
      %swap3A_356 = arith.constant 112 : index
      %swap3A_357 = tpu.vector_load %arg4[%swap3A_355, %swap3A_356] {strides = array<i32>} : memref<128x128xf32, #tpu.memory_space<vmem>>, vector<1x16xf32>,
      %swap3A_358 = vector.shape_cast %swap3A_357 : vector<1x16xf32> to vector<16xf32>
      %swap3A_359 = vector.shape_cast %select_n3A_354 : vector<16xf32> to vector<1x16xf32>
      tpu.vector_store %arg4[%swap3A_355, %swap3A_356], %swap3A_359 {strides = array<i32>} : memref<128x128xf32, #tpu.memory_space<vmem>>, vector<1x16xf32>,
      %scan3A_360 = arith.constant 123 : i32
      %scan3A_361 = arith.addi %scan3A_292, %scan3A_360 : i32
      %get3A_362 = arith.index_cast %scan3A_361 : i32 to index
      %get3A_363 = arith.constant 0 : index
      %get3A_364 = tpu.vector_load %arg4[%get3A_362, %get3A_363] {strides = array<i32>} : memref<128x128xf32, #tpu.memory_space<vmem>>, vector<1x16xf32>,
      %get3A_365 = vector.shape_cast %get3A_364 : vector<1x16xf32> to vector<16xf32>
      %select_n3A_366 = arith.select %eq3A_5, %broadcast_in_dim3A_3, %get3A_365 : vector<16xi1>, vector<16xf32>
      %swap3A_367 = arith.index_cast %scan3A_361 : i32 to index
      %swap3A_368 = arith.constant 0 : index
      %swap3A_369 = tpu.vector_load %arg4[%swap3A_367, %swap3A_368] {strides = array<i32>} : memref<128x128xf32, #tpu.memory_space<vmem>>, vector<1x16xf32>,
      %swap3A_370 = vector.shape_cast %swap3A_369 : vector<1x16xf32> to vector<16xf32>
      %swap3A_371 = vector.shape_cast %select_n3A_366 : vector<16xf32> to vector<1x16xf32>
      tpu.vector_store %arg4[%swap3A_367, %swap3A_368], %swap3A_371 {strides = array<i32>} : memref<128x128xf32, #tpu.memory_space<vmem>>, vector<1x16xf32>,
      %get3A_372 = arith.index_cast %scan3A_361 : i32 to index
      %get3A_373 = arith.constant 112 : index
      %get3A_374 = tpu.vector_load %arg4[%get3A_372, %get3A_373] {strides = array<i32>} : memref<128x128xf32, #tpu.memory_space<vmem>>, vector<1x16xf32>,
      %get3A_375 = vector.shape_cast %get3A_374 : vector<1x16xf32> to vector<16xf32>
      %select_n3A_376 = arith.select %eq3A_8, %broadcast_in_dim3A_3, %get3A_375 : vector<16xi1>, vector<16xf32>
      %swap3A_377 = arith.index_cast %scan3A_361 : i32 to index
      %swap3A_378 = arith.constant 112 : index
      %swap3A_379 = tpu.vector_load %arg4[%swap3A_377, %swap3A_378] {strides = array<i32>} : memref<128x128xf32, #tpu.memory_space<vmem>>, vector<1x16xf32>,
      %swap3A_380 = vector.shape_cast %swap3A_379 : vector<1x16xf32> to vector<16xf32>
      %swap3A_381 = vector.shape_cast %select_n3A_376 : vector<16xf32> to vector<1x16xf32>
      tpu.vector_store %arg4[%swap3A_377, %swap3A_378], %swap3A_381 {strides = array<i32>} : memref<128x128xf32, #tpu.memory_space<vmem>>, vector<1x16xf32>,
      %scan3A_382 = arith.constant 124 : i32
      %scan3A_383 = arith.addi %scan3A_292, %scan3A_382 : i32
      %get3A_384 = arith.index_cast %scan3A_383 : i32 to index
      %get3A_385 = arith.constant 0 : index
      %get3A_386 = tpu.vector_load %arg4[%get3A_384, %get3A_385] {strides = array<i32>} : memref<128x128xf32, #tpu.memory_space<vmem>>, vector<1x16xf32>,
      %get3A_387 = vector.shape_cast %get3A_386 : vector<1x16xf32> to vector<16xf32>
      %select_n3A_388 = arith.select %eq3A_5, %broadcast_in_dim3A_3, %get3A_387 : vector<16xi1>, vector<16xf32>
      %swap3A_389 = arith.index_cast %scan3A_383 : i32 to index
      %swap3A_390 = arith.constant 0 : index
      %swap3A_391 = tpu.vector_load %arg4[%swap3A_389, %swap3A_390] {strides = array<i32>} : memref<128x128xf32, #tpu.memory_space<vmem>>, vector<1x16xf32>,
      %swap3A_392 = vector.shape_cast %swap3A_391 : vector<1x16xf32> to vector<16xf32>
      %swap3A_393 = vector.shape_cast %select_n3A_388 : vector<16xf32> to vector<1x16xf32>
      tpu.vector_store %arg4[%swap3A_389, %swap3A_390], %swap3A_393 {strides = array<i32>} : memref<128x128xf32, #tpu.memory_space<vmem>>, vector<1x16xf32>,
      %get3A_394 = arith.index_cast %scan3A_383 : i32 to index
      %get3A_395 = arith.constant 112 : index
      %get3A_396 = tpu.vector_load %arg4[%get3A_394, %get3A_395] {strides = array<i32>} : memref<128x128xf32, #tpu.memory_space<vmem>>, vector<1x16xf32>,
      %get3A_397 = vector.shape_cast %get3A_396 : vector<1x16xf32> to vector<16xf32>
      %select_n3A_398 = arith.select %eq3A_8, %broadcast_in_dim3A_3, %get3A_397 : vector<16xi1>, vector<16xf32>
      %swap3A_399 = arith.index_cast %scan3A_383 : i32 to index
      %swap3A_400 = arith.constant 112 : index
      %swap3A_401 = tpu.vector_load %arg4[%swap3A_399, %swap3A_400] {strides = array<i32>} : memref<128x128xf32, #tpu.memory_space<vmem>>, vector<1x16xf32>,
      %swap3A_402 = vector.shape_cast %swap3A_401 : vector<1x16xf32> to vector<16xf32>
      %swap3A_403 = vector.shape_cast %select_n3A_398 : vector<16xf32> to vector<1x16xf32>
      tpu.vector_store %arg4[%swap3A_399, %swap3A_400], %swap3A_403 {strides = array<i32>} : memref<128x128xf32, #tpu.memory_space<vmem>>, vector<1x16xf32>,
      %scan3A_404 = arith.constant 125 : i32
      %scan3A_405 = arith.addi %scan3A_292, %scan3A_404 : i32
      %get3A_406 = arith.index_cast %scan3A_405 : i32 to index
      %get3A_407 = arith.constant 0 : index
      %get3A_408 = tpu.vector_load %arg4[%get3A_406, %get3A_407] {strides = array<i32>} : memref<128x128xf32, #tpu.memory_space<vmem>>, vector<1x16xf32>,
      %get3A_409 = vector.shape_cast %get3A_408 : vector<1x16xf32> to vector<16xf32>
      %select_n3A_410 = arith.select %eq3A_5, %broadcast_in_dim3A_3, %get3A_409 : vector<16xi1>, vector<16xf32>
      %swap3A_411 = arith.index_cast %scan3A_405 : i32 to index
      %swap3A_412 = arith.constant 0 : index
      %swap3A_413 = tpu.vector_load %arg4[%swap3A_411, %swap3A_412] {strides = array<i32>} : memref<128x128xf32, #tpu.memory_space<vmem>>, vector<1x16xf32>,
      %swap3A_414 = vector.shape_cast %swap3A_413 : vector<1x16xf32> to vector<16xf32>
      %swap3A_415 = vector.shape_cast %select_n3A_410 : vector<16xf32> to vector<1x16xf32>
      tpu.vector_store %arg4[%swap3A_411, %swap3A_412], %swap3A_415 {strides = array<i32>} : memref<128x128xf32, #tpu.memory_space<vmem>>, vector<1x16xf32>,
      %get3A_416 = arith.index_cast %scan3A_405 : i32 to index
      %get3A_417 = arith.constant 112 : index
      %get3A_418 = tpu.vector_load %arg4[%get3A_416, %get3A_417] {strides = array<i32>} : memref<128x128xf32, #tpu.memory_space<vmem>>, vector<1x16xf32>,
      %get3A_419 = vector.shape_cast %get3A_418 : vector<1x16xf32> to vector<16xf32>
      %select_n3A_420 = arith.select %eq3A_8, %broadcast_in_dim3A_3, %get3A_419 : vector<16xi1>, vector<16xf32>
      %swap3A_421 = arith.index_cast %scan3A_405 : i32 to index
      %swap3A_422 = arith.constant 112 : index
      %swap3A_423 = tpu.vector_load %arg4[%swap3A_421, %swap3A_422] {strides = array<i32>} : memref<128x128xf32, #tpu.memory_space<vmem>>, vector<1x16xf32>,
      %swap3A_424 = vector.shape_cast %swap3A_423 : vector<1x16xf32> to vector<16xf32>
      %swap3A_425 = vector.shape_cast %select_n3A_420 : vector<16xf32> to vector<1x16xf32>
      tpu.vector_store %arg4[%swap3A_421, %swap3A_422], %swap3A_425 {strides = array<i32>} : memref<128x128xf32, #tpu.memory_space<vmem>>, vector<1x16xf32>,
      %scan3A_426 = arith.constant 126 : i32
    } else {
    }
    %not3A = arith.constant true
    %not3A_60 = arith.xori %and3A, %not3A : i1
    %convert_element_type3A_61 = arith.extui %not3A_60 : i1 to i32
    %cond3A_62 = arith.constant 0 : i32
    %cond3A_63 = arith.cmpi ne, %convert_element_type3A_61, %cond3A_62 : i32
    scf.if %cond3A_63 {
      %scan3A = arith.constant 0 : i32
      %scan3A_197 = arith.constant 0 : i32
      %scan3A_198 = arith.constant 128 : i32
      %scan3A_199 = arith.addi %scan3A_197, %scan3A_198 : i32
      %scan3A_200 = arith.constant 2 : i32
      scf.for %scan3A_202 = %scan3A_197 to %scan3A_199 step %scan3A_200  : i32 {
        %swap3A = arith.index_cast %scan3A_202 : i32 to index
        %swap3A_203 = arith.constant 0 : index
        %swap3A_204 = tpu.vector_load %arg4[%swap3A, %swap3A_203] {strides = array<i32>} : memref<128x128xf32, #tpu.memory_space<vmem>>, vector<1x16xf32>,
        %swap3A_205 = vector.shape_cast %swap3A_204 : vector<1x16xf32> to vector<16xf32>
        %swap3A_206 = vector.shape_cast %broadcast_in_dim3A_3 : vector<16xf32> to vector<1x16xf32>
        tpu.vector_store %arg4[%swap3A, %swap3A_203], %swap3A_206 {strides = array<i32>} : memref<128x128xf32, #tpu.memory_space<vmem>>, vector<1x16xf32>,
        %swap3A_207 = arith.index_cast %scan3A_202 : i32 to index
        %swap3A_208 = arith.constant 16 : index
        %swap3A_209 = tpu.vector_load %arg4[%swap3A_207, %swap3A_208] {strides = array<i32>} : memref<128x128xf32, #tpu.memory_space<vmem>>, vector<1x16xf32>,
        %swap3A_210 = vector.shape_cast %swap3A_209 : vector<1x16xf32> to vector<16xf32>
        %swap3A_211 = vector.shape_cast %broadcast_in_dim3A_3 : vector<16xf32> to vector<1x16xf32>
        tpu.vector_store %arg4[%swap3A_207, %swap3A_208], %swap3A_211 {strides = array<i32>} : memref<128x128xf32, #tpu.memory_space<vmem>>, vector<1x16xf32>,
        %swap3A_212 = arith.index_cast %scan3A_202 : i32 to index
        %swap3A_213 = arith.constant 32 : index
        %swap3A_214 = tpu.vector_load %arg4[%swap3A_212, %swap3A_213] {strides = array<i32>} : memref<128x128xf32, #tpu.memory_space<vmem>>, vector<1x16xf32>,
        %swap3A_215 = vector.shape_cast %swap3A_214 : vector<1x16xf32> to vector<16xf32>
        %swap3A_216 = vector.shape_cast %broadcast_in_dim3A_3 : vector<16xf32> to vector<1x16xf32>
        tpu.vector_store %arg4[%swap3A_212, %swap3A_213], %swap3A_216 {strides = array<i32>} : memref<128x128xf32, #tpu.memory_space<vmem>>, vector<1x16xf32>,
        %swap3A_217 = arith.index_cast %scan3A_202 : i32 to index
        %swap3A_218 = arith.constant 48 : index
        %swap3A_219 = tpu.vector_load %arg4[%swap3A_217, %swap3A_218] {strides = array<i32>} : memref<128x128xf32, #tpu.memory_space<vmem>>, vector<1x16xf32>,
        %swap3A_220 = vector.shape_cast %swap3A_219 : vector<1x16xf32> to vector<16xf32>
        %swap3A_221 = vector.shape_cast %broadcast_in_dim3A_3 : vector<16xf32> to vector<1x16xf32>
        tpu.vector_store %arg4[%swap3A_217, %swap3A_218], %swap3A_221 {strides = array<i32>} : memref<128x128xf32, #tpu.memory_space<vmem>>, vector<1x16xf32>,
        %swap3A_222 = arith.index_cast %scan3A_202 : i32 to index
        %swap3A_223 = arith.constant 64 : index
        %swap3A_224 = tpu.vector_load %arg4[%swap3A_222, %swap3A_223] {strides = array<i32>} : memref<128x128xf32, #tpu.memory_space<vmem>>, vector<1x16xf32>,
        %swap3A_225 = vector.shape_cast %swap3A_224 : vector<1x16xf32> to vector<16xf32>
        %swap3A_226 = vector.shape_cast %broadcast_in_dim3A_3 : vector<16xf32> to vector<1x16xf32>
        tpu.vector_store %arg4[%swap3A_222, %swap3A_223], %swap3A_226 {strides = array<i32>} : memref<128x128xf32, #tpu.memory_space<vmem>>, vector<1x16xf32>,
        %swap3A_227 = arith.index_cast %scan3A_202 : i32 to index
        %swap3A_228 = arith.constant 80 : index
        %swap3A_229 = tpu.vector_load %arg4[%swap3A_227, %swap3A_228] {strides = array<i32>} : memref<128x128xf32, #tpu.memory_space<vmem>>, vector<1x16xf32>,
        %swap3A_230 = vector.shape_cast %swap3A_229 : vector<1x16xf32> to vector<16xf32>
        %swap3A_231 = vector.shape_cast %broadcast_in_dim3A_3 : vector<16xf32> to vector<1x16xf32>
        tpu.vector_store %arg4[%swap3A_227, %swap3A_228], %swap3A_231 {strides = array<i32>} : memref<128x128xf32, #tpu.memory_space<vmem>>, vector<1x16xf32>,
        %swap3A_232 = arith.index_cast %scan3A_202 : i32 to index
        %swap3A_233 = arith.constant 96 : index
        %swap3A_234 = tpu.vector_load %arg4[%swap3A_232, %swap3A_233] {strides = array<i32>} : memref<128x128xf32, #tpu.memory_space<vmem>>, vector<1x16xf32>,
        %swap3A_235 = vector.shape_cast %swap3A_234 : vector<1x16xf32> to vector<16xf32>
        %swap3A_236 = vector.shape_cast %broadcast_in_dim3A_3 : vector<16xf32> to vector<1x16xf32>
        tpu.vector_store %arg4[%swap3A_232, %swap3A_233], %swap3A_236 {strides = array<i32>} : memref<128x128xf32, #tpu.memory_space<vmem>>, vector<1x16xf32>,
        %swap3A_237 = arith.index_cast %scan3A_202 : i32 to index
        %swap3A_238 = arith.constant 112 : index
        %swap3A_239 = tpu.vector_load %arg4[%swap3A_237, %swap3A_238] {strides = array<i32>} : memref<128x128xf32, #tpu.memory_space<vmem>>, vector<1x16xf32>,
        %swap3A_240 = vector.shape_cast %swap3A_239 : vector<1x16xf32> to vector<16xf32>
        %swap3A_241 = vector.shape_cast %broadcast_in_dim3A_3 : vector<16xf32> to vector<1x16xf32>
        tpu.vector_store %arg4[%swap3A_237, %swap3A_238], %swap3A_241 {strides = array<i32>} : memref<128x128xf32, #tpu.memory_space<vmem>>, vector<1x16xf32>,
        %scan3A_242 = arith.constant 1 : i32
        %scan3A_243 = arith.addi %scan3A_202, %scan3A_242 : i32
        %swap3A_244 = arith.index_cast %scan3A_243 : i32 to index
        %swap3A_245 = arith.constant 0 : index
        %swap3A_246 = tpu.vector_load %arg4[%swap3A_244, %swap3A_245] {strides = array<i32>} : memref<128x128xf32, #tpu.memory_space<vmem>>, vector<1x16xf32>,
        %swap3A_247 = vector.shape_cast %swap3A_246 : vector<1x16xf32> to vector<16xf32>
        %swap3A_248 = vector.shape_cast %broadcast_in_dim3A_3 : vector<16xf32> to vector<1x16xf32>
        tpu.vector_store %arg4[%swap3A_244, %swap3A_245], %swap3A_248 {strides = array<i32>} : memref<128x128xf32, #tpu.memory_space<vmem>>, vector<1x16xf32>,
        %swap3A_249 = arith.index_cast %scan3A_243 : i32 to index
        %swap3A_250 = arith.constant 16 : index
        %swap3A_251 = tpu.vector_load %arg4[%swap3A_249, %swap3A_250] {strides = array<i32>} : memref<128x128xf32, #tpu.memory_space<vmem>>, vector<1x16xf32>,
        %swap3A_252 = vector.shape_cast %swap3A_251 : vector<1x16xf32> to vector<16xf32>
        %swap3A_253 = vector.shape_cast %broadcast_in_dim3A_3 : vector<16xf32> to vector<1x16xf32>
        tpu.vector_store %arg4[%swap3A_249, %swap3A_250], %swap3A_253 {strides = array<i32>} : memref<128x128xf32, #tpu.memory_space<vmem>>, vector<1x16xf32>,
        %swap3A_254 = arith.index_cast %scan3A_243 : i32 to index
        %swap3A_255 = arith.constant 32 : index
        %swap3A_256 = tpu.vector_load %arg4[%swap3A_254, %swap3A_255] {strides = array<i32>} : memref<128x128xf32, #tpu.memory_space<vmem>>, vector<1x16xf32>,
        %swap3A_257 = vector.shape_cast %swap3A_256 : vector<1x16xf32> to vector<16xf32>
        %swap3A_258 = vector.shape_cast %broadcast_in_dim3A_3 : vector<16xf32> to vector<1x16xf32>
        tpu.vector_store %arg4[%swap3A_254, %swap3A_255], %swap3A_258 {strides = array<i32>} : memref<128x128xf32, #tpu.memory_space<vmem>>, vector<1x16xf32>,
        %swap3A_259 = arith.index_cast %scan3A_243 : i32 to index
        %swap3A_260 = arith.constant 48 : index
        %swap3A_261 = tpu.vector_load %arg4[%swap3A_259, %swap3A_260] {strides = array<i32>} : memref<128x128xf32, #tpu.memory_space<vmem>>, vector<1x16xf32>,
        %swap3A_262 = vector.shape_cast %swap3A_261 : vector<1x16xf32> to vector<16xf32>
        %swap3A_263 = vector.shape_cast %broadcast_in_dim3A_3 : vector<16xf32> to vector<1x16xf32>
        tpu.vector_store %arg4[%swap3A_259, %swap3A_260], %swap3A_263 {strides = array<i32>} : memref<128x128xf32, #tpu.memory_space<vmem>>, vector<1x16xf32>,
        %swap3A_264 = arith.index_cast %scan3A_243 : i32 to index
        %swap3A_265 = arith.constant 64 : index
        %swap3A_266 = tpu.vector_load %arg4[%swap3A_264, %swap3A_265] {strides = array<i32>} : memref<128x128xf32, #tpu.memory_space<vmem>>, vector<1x16xf32>,
        %swap3A_267 = vector.shape_cast %swap3A_266 : vector<1x16xf32> to vector<16xf32>
        %swap3A_268 = vector.shape_cast %broadcast_in_dim3A_3 : vector<16xf32> to vector<1x16xf32>
        tpu.vector_store %arg4[%swap3A_264, %swap3A_265], %swap3A_268 {strides = array<i32>} : memref<128x128xf32, #tpu.memory_space<vmem>>, vector<1x16xf32>,
        %swap3A_269 = arith.index_cast %scan3A_243 : i32 to index
        %swap3A_270 = arith.constant 80 : index
        %swap3A_271 = tpu.vector_load %arg4[%swap3A_269, %swap3A_270] {strides = array<i32>} : memref<128x128xf32, #tpu.memory_space<vmem>>, vector<1x16xf32>,
        %swap3A_272 = vector.shape_cast %swap3A_271 : vector<1x16xf32> to vector<16xf32>
        %swap3A_273 = vector.shape_cast %broadcast_in_dim3A_3 : vector<16xf32> to vector<1x16xf32>
        tpu.vector_store %arg4[%swap3A_269, %swap3A_270], %swap3A_273 {strides = array<i32>} : memref<128x128xf32, #tpu.memory_space<vmem>>, vector<1x16xf32>,
        %swap3A_274 = arith.index_cast %scan3A_243 : i32 to index
        %swap3A_275 = arith.constant 96 : index
        %swap3A_276 = tpu.vector_load %arg4[%swap3A_274, %swap3A_275] {strides = array<i32>} : memref<128x128xf32, #tpu.memory_space<vmem>>, vector<1x16xf32>,
        %swap3A_277 = vector.shape_cast %swap3A_276 : vector<1x16xf32> to vector<16xf32>
        %swap3A_278 = vector.shape_cast %broadcast_in_dim3A_3 : vector<16xf32> to vector<1x16xf32>
        tpu.vector_store %arg4[%swap3A_274, %swap3A_275], %swap3A_278 {strides = array<i32>} : memref<128x128xf32, #tpu.memory_space<vmem>>, vector<1x16xf32>,
        %swap3A_279 = arith.index_cast %scan3A_243 : i32 to index
        %swap3A_280 = arith.constant 112 : index
        %swap3A_281 = tpu.vector_load %arg4[%swap3A_279, %swap3A_280] {strides = array<i32>} : memref<128x128xf32, #tpu.memory_space<vmem>>, vector<1x16xf32>,
        %swap3A_282 = vector.shape_cast %swap3A_281 : vector<1x16xf32> to vector<16xf32>
        %swap3A_283 = vector.shape_cast %broadcast_in_dim3A_3 : vector<16xf32> to vector<1x16xf32>
        tpu.vector_store %arg4[%swap3A_279, %swap3A_280], %swap3A_283 {strides = array<i32>} : memref<128x128xf32, #tpu.memory_space<vmem>>, vector<1x16xf32>,
      }
      %scan3A_201 = arith.constant 128 : i32
    } else {
    }
    %dma_start3A_64 = arith.constant 0 : i32
    %dma_start3A_65 = arith.constant 0 : i32
    %dma_start3A_66 = tpu.memref_slice %arg3[%add3A_49, %dma_start3A_64, %dma_start3A_65] : memref<128x128x128xf32, #tpu.memory_space<hbm>> -> memref<1x128x128xf32, #tpu.memory_space<hbm>>
    %dma_start3A_67 = tpu.memref_squeeze %dma_start3A_66 : memref<1x128x128xf32, #tpu.memory_space<hbm>> -> memref<128x128xf32, #tpu.memory_space<hbm>>
    %dma_start3A_68 = arith.constant 0 : i32
    %dma_start3A_69 = arith.constant 0 : i32
    %dma_start3A_70 = tpu.memref_slice %arg3[%add3A_49, %dma_start3A_68, %dma_start3A_69] : memref<128x128x128xf32, #tpu.memory_space<hbm>> -> memref<1x128x128xf32, #tpu.memory_space<hbm>>
    %dma_start3A_71 = tpu.memref_squeeze %dma_start3A_70 : memref<1x128x128xf32, #tpu.memory_space<hbm>> -> memref<128x128xf32, #tpu.memory_space<hbm>>
    tpu.enqueue_dma source(%arg4 : memref<128x128xf32, #tpu.memory_space<vmem>>) target(%dma_start3A_71 : memref<128x128xf32, #tpu.memory_space<hbm>>) target_semaphore(%arg12 : memref<!tpu.dma_semaphore, #tpu.memory_space<semaphore_mem>>)
    %add3A_72 = arith.constant 1 : i32
    %add3A_73 = arith.addi %mul3A_2, %add3A_72 : i32
    %dma_wait3A_74 = arith.constant 0 : i32
    %dma_wait3A_75 = arith.constant 0 : i32
    %dma_wait3A_76 = tpu.memref_slice %arg2[%add3A_19, %dma_wait3A_74, %dma_wait3A_75] : memref<128x128x128xf32, #tpu.memory_space<hbm>> -> memref<1x128x128xf32, #tpu.memory_space<hbm>>
    %dma_wait3A_77 = tpu.memref_squeeze %dma_wait3A_76 : memref<1x128x128xf32, #tpu.memory_space<hbm>> -> memref<128x128xf32, #tpu.memory_space<hbm>>
    %dma_wait3A_78 = arith.constant 0 : i32
    %dma_wait3A_79 = arith.constant 0 : i32
    %dma_wait3A_80 = tpu.memref_slice %arg2[%add3A_19, %dma_wait3A_78, %dma_wait3A_79] : memref<128x128x128xf32, #tpu.memory_space<hbm>> -> memref<1x128x128xf32, #tpu.memory_space<hbm>>
    %dma_wait3A_81 = tpu.memref_squeeze %dma_wait3A_80 : memref<1x128x128xf32, #tpu.memory_space<hbm>> -> memref<128x128xf32, #tpu.memory_space<hbm>>
    tpu.wait_dma2 semaphore(%arg9 : memref<!tpu.dma_semaphore, #tpu.memory_space<semaphore_mem>>) src(%dma_wait3A_81 : memref<128x128xf32, #tpu.memory_space<hbm>>) dst(%arg5 : memref<128x128xf32, #tpu.memory_space<vmem>>)
    %ge3A_82 = arith.constant 1 : i32
    %ge3A_83 = arith.cmpi sge, %add3A_73, %ge3A_82 : i32
    %le3A_84 = arith.constant 126 : i32
    %le3A_85 = arith.cmpi sle, %add3A_73, %le3A_84 : i32
    %and3A_86 = arith.andi %ge3A_83, %le3A_85 : i1
    %convert_element_type3A_87 = arith.extui %and3A_86 : i1 to i32
    %cond3A_88 = arith.constant 0 : i32
    %cond3A_89 = arith.cmpi ne, %convert_element_type3A_87, %cond3A_88 : i32
    scf.if %cond3A_89 {
      %swap3A = arith.constant 0 : i32
      %swap3A_197 = arith.index_cast %swap3A : i32 to index
      %swap3A_198 = arith.constant 0 : index
      %swap3A_199 = tpu.vector_load %arg5[%swap3A_197, %swap3A_198] {strides = array<i32>} : memref<128x128xf32, #tpu.memory_space<vmem>>, vector<1x16xf32>,
      %swap3A_200 = vector.shape_cast %swap3A_199 : vector<1x16xf32> to vector<16xf32>
      %swap3A_201 = vector.shape_cast %broadcast_in_dim3A_3 : vector<16xf32> to vector<1x16xf32>
      tpu.vector_store %arg5[%swap3A_197, %swap3A_198], %swap3A_201 {strides = array<i32>} : memref<128x128xf32, #tpu.memory_space<vmem>>, vector<1x16xf32>,
      %swap3A_202 = arith.constant 127 : i32
      %swap3A_203 = arith.index_cast %swap3A_202 : i32 to index
      %swap3A_204 = arith.constant 0 : index
      %swap3A_205 = tpu.vector_load %arg5[%swap3A_203, %swap3A_204] {strides = array<i32>} : memref<128x128xf32, #tpu.memory_space<vmem>>, vector<1x16xf32>,
      %swap3A_206 = vector.shape_cast %swap3A_205 : vector<1x16xf32> to vector<16xf32>
      %swap3A_207 = vector.shape_cast %broadcast_in_dim3A_3 : vector<16xf32> to vector<1x16xf32>
      tpu.vector_store %arg5[%swap3A_203, %swap3A_204], %swap3A_207 {strides = array<i32>} : memref<128x128xf32, #tpu.memory_space<vmem>>, vector<1x16xf32>,
      %swap3A_208 = arith.constant 0 : i32
      %swap3A_209 = arith.index_cast %swap3A_208 : i32 to index
      %swap3A_210 = arith.constant 16 : index
      %swap3A_211 = tpu.vector_load %arg5[%swap3A_209, %swap3A_210] {strides = array<i32>} : memref<128x128xf32, #tpu.memory_space<vmem>>, vector<1x16xf32>,
      %swap3A_212 = vector.shape_cast %swap3A_211 : vector<1x16xf32> to vector<16xf32>
      %swap3A_213 = vector.shape_cast %broadcast_in_dim3A_3 : vector<16xf32> to vector<1x16xf32>
      tpu.vector_store %arg5[%swap3A_209, %swap3A_210], %swap3A_213 {strides = array<i32>} : memref<128x128xf32, #tpu.memory_space<vmem>>, vector<1x16xf32>,
      %swap3A_214 = arith.constant 127 : i32
      %swap3A_215 = arith.index_cast %swap3A_214 : i32 to index
      %swap3A_216 = arith.constant 16 : index
      %swap3A_217 = tpu.vector_load %arg5[%swap3A_215, %swap3A_216] {strides = array<i32>} : memref<128x128xf32, #tpu.memory_space<vmem>>, vector<1x16xf32>,
      %swap3A_218 = vector.shape_cast %swap3A_217 : vector<1x16xf32> to vector<16xf32>
      %swap3A_219 = vector.shape_cast %broadcast_in_dim3A_3 : vector<16xf32> to vector<1x16xf32>
      tpu.vector_store %arg5[%swap3A_215, %swap3A_216], %swap3A_219 {strides = array<i32>} : memref<128x128xf32, #tpu.memory_space<vmem>>, vector<1x16xf32>,
      %swap3A_220 = arith.constant 0 : i32
      %swap3A_221 = arith.index_cast %swap3A_220 : i32 to index
      %swap3A_222 = arith.constant 32 : index
      %swap3A_223 = tpu.vector_load %arg5[%swap3A_221, %swap3A_222] {strides = array<i32>} : memref<128x128xf32, #tpu.memory_space<vmem>>, vector<1x16xf32>,
      %swap3A_224 = vector.shape_cast %swap3A_223 : vector<1x16xf32> to vector<16xf32>
      %swap3A_225 = vector.shape_cast %broadcast_in_dim3A_3 : vector<16xf32> to vector<1x16xf32>
      tpu.vector_store %arg5[%swap3A_221, %swap3A_222], %swap3A_225 {strides = array<i32>} : memref<128x128xf32, #tpu.memory_space<vmem>>, vector<1x16xf32>,
      %swap3A_226 = arith.constant 127 : i32
      %swap3A_227 = arith.index_cast %swap3A_226 : i32 to index
      %swap3A_228 = arith.constant 32 : index
      %swap3A_229 = tpu.vector_load %arg5[%swap3A_227, %swap3A_228] {strides = array<i32>} : memref<128x128xf32, #tpu.memory_space<vmem>>, vector<1x16xf32>,
      %swap3A_230 = vector.shape_cast %swap3A_229 : vector<1x16xf32> to vector<16xf32>
      %swap3A_231 = vector.shape_cast %broadcast_in_dim3A_3 : vector<16xf32> to vector<1x16xf32>
      tpu.vector_store %arg5[%swap3A_227, %swap3A_228], %swap3A_231 {strides = array<i32>} : memref<128x128xf32, #tpu.memory_space<vmem>>, vector<1x16xf32>,
      %swap3A_232 = arith.constant 0 : i32
      %swap3A_233 = arith.index_cast %swap3A_232 : i32 to index
      %swap3A_234 = arith.constant 48 : index
      %swap3A_235 = tpu.vector_load %arg5[%swap3A_233, %swap3A_234] {strides = array<i32>} : memref<128x128xf32, #tpu.memory_space<vmem>>, vector<1x16xf32>,
      %swap3A_236 = vector.shape_cast %swap3A_235 : vector<1x16xf32> to vector<16xf32>
      %swap3A_237 = vector.shape_cast %broadcast_in_dim3A_3 : vector<16xf32> to vector<1x16xf32>
      tpu.vector_store %arg5[%swap3A_233, %swap3A_234], %swap3A_237 {strides = array<i32>} : memref<128x128xf32, #tpu.memory_space<vmem>>, vector<1x16xf32>,
      %swap3A_238 = arith.constant 127 : i32
      %swap3A_239 = arith.index_cast %swap3A_238 : i32 to index
      %swap3A_240 = arith.constant 48 : index
      %swap3A_241 = tpu.vector_load %arg5[%swap3A_239, %swap3A_240] {strides = array<i32>} : memref<128x128xf32, #tpu.memory_space<vmem>>, vector<1x16xf32>,
      %swap3A_242 = vector.shape_cast %swap3A_241 : vector<1x16xf32> to vector<16xf32>
      %swap3A_243 = vector.shape_cast %broadcast_in_dim3A_3 : vector<16xf32> to vector<1x16xf32>
      tpu.vector_store %arg5[%swap3A_239, %swap3A_240], %swap3A_243 {strides = array<i32>} : memref<128x128xf32, #tpu.memory_space<vmem>>, vector<1x16xf32>,
      %swap3A_244 = arith.constant 0 : i32
      %swap3A_245 = arith.index_cast %swap3A_244 : i32 to index
      %swap3A_246 = arith.constant 64 : index
      %swap3A_247 = tpu.vector_load %arg5[%swap3A_245, %swap3A_246] {strides = array<i32>} : memref<128x128xf32, #tpu.memory_space<vmem>>, vector<1x16xf32>,
      %swap3A_248 = vector.shape_cast %swap3A_247 : vector<1x16xf32> to vector<16xf32>
      %swap3A_249 = vector.shape_cast %broadcast_in_dim3A_3 : vector<16xf32> to vector<1x16xf32>
      tpu.vector_store %arg5[%swap3A_245, %swap3A_246], %swap3A_249 {strides = array<i32>} : memref<128x128xf32, #tpu.memory_space<vmem>>, vector<1x16xf32>,
      %swap3A_250 = arith.constant 127 : i32
      %swap3A_251 = arith.index_cast %swap3A_250 : i32 to index
      %swap3A_252 = arith.constant 64 : index
      %swap3A_253 = tpu.vector_load %arg5[%swap3A_251, %swap3A_252] {strides = array<i32>} : memref<128x128xf32, #tpu.memory_space<vmem>>, vector<1x16xf32>,
      %swap3A_254 = vector.shape_cast %swap3A_253 : vector<1x16xf32> to vector<16xf32>
      %swap3A_255 = vector.shape_cast %broadcast_in_dim3A_3 : vector<16xf32> to vector<1x16xf32>
      tpu.vector_store %arg5[%swap3A_251, %swap3A_252], %swap3A_255 {strides = array<i32>} : memref<128x128xf32, #tpu.memory_space<vmem>>, vector<1x16xf32>,
      %swap3A_256 = arith.constant 0 : i32
      %swap3A_257 = arith.index_cast %swap3A_256 : i32 to index
      %swap3A_258 = arith.constant 80 : index
      %swap3A_259 = tpu.vector_load %arg5[%swap3A_257, %swap3A_258] {strides = array<i32>} : memref<128x128xf32, #tpu.memory_space<vmem>>, vector<1x16xf32>,
      %swap3A_260 = vector.shape_cast %swap3A_259 : vector<1x16xf32> to vector<16xf32>
      %swap3A_261 = vector.shape_cast %broadcast_in_dim3A_3 : vector<16xf32> to vector<1x16xf32>
      tpu.vector_store %arg5[%swap3A_257, %swap3A_258], %swap3A_261 {strides = array<i32>} : memref<128x128xf32, #tpu.memory_space<vmem>>, vector<1x16xf32>,
      %swap3A_262 = arith.constant 127 : i32
      %swap3A_263 = arith.index_cast %swap3A_262 : i32 to index
      %swap3A_264 = arith.constant 80 : index
      %swap3A_265 = tpu.vector_load %arg5[%swap3A_263, %swap3A_264] {strides = array<i32>} : memref<128x128xf32, #tpu.memory_space<vmem>>, vector<1x16xf32>,
      %swap3A_266 = vector.shape_cast %swap3A_265 : vector<1x16xf32> to vector<16xf32>
      %swap3A_267 = vector.shape_cast %broadcast_in_dim3A_3 : vector<16xf32> to vector<1x16xf32>
      tpu.vector_store %arg5[%swap3A_263, %swap3A_264], %swap3A_267 {strides = array<i32>} : memref<128x128xf32, #tpu.memory_space<vmem>>, vector<1x16xf32>,
      %swap3A_268 = arith.constant 0 : i32
      %swap3A_269 = arith.index_cast %swap3A_268 : i32 to index
      %swap3A_270 = arith.constant 96 : index
      %swap3A_271 = tpu.vector_load %arg5[%swap3A_269, %swap3A_270] {strides = array<i32>} : memref<128x128xf32, #tpu.memory_space<vmem>>, vector<1x16xf32>,
      %swap3A_272 = vector.shape_cast %swap3A_271 : vector<1x16xf32> to vector<16xf32>
      %swap3A_273 = vector.shape_cast %broadcast_in_dim3A_3 : vector<16xf32> to vector<1x16xf32>
      tpu.vector_store %arg5[%swap3A_269, %swap3A_270], %swap3A_273 {strides = array<i32>} : memref<128x128xf32, #tpu.memory_space<vmem>>, vector<1x16xf32>,
      %swap3A_274 = arith.constant 127 : i32
      %swap3A_275 = arith.index_cast %swap3A_274 : i32 to index
      %swap3A_276 = arith.constant 96 : index
      %swap3A_277 = tpu.vector_load %arg5[%swap3A_275, %swap3A_276] {strides = array<i32>} : memref<128x128xf32, #tpu.memory_space<vmem>>, vector<1x16xf32>,
      %swap3A_278 = vector.shape_cast %swap3A_277 : vector<1x16xf32> to vector<16xf32>
      %swap3A_279 = vector.shape_cast %broadcast_in_dim3A_3 : vector<16xf32> to vector<1x16xf32>
      tpu.vector_store %arg5[%swap3A_275, %swap3A_276], %swap3A_279 {strides = array<i32>} : memref<128x128xf32, #tpu.memory_space<vmem>>, vector<1x16xf32>,
      %swap3A_280 = arith.constant 0 : i32
      %swap3A_281 = arith.index_cast %swap3A_280 : i32 to index
      %swap3A_282 = arith.constant 112 : index
      %swap3A_283 = tpu.vector_load %arg5[%swap3A_281, %swap3A_282] {strides = array<i32>} : memref<128x128xf32, #tpu.memory_space<vmem>>, vector<1x16xf32>,
      %swap3A_284 = vector.shape_cast %swap3A_283 : vector<1x16xf32> to vector<16xf32>
      %swap3A_285 = vector.shape_cast %broadcast_in_dim3A_3 : vector<16xf32> to vector<1x16xf32>
      tpu.vector_store %arg5[%swap3A_281, %swap3A_282], %swap3A_285 {strides = array<i32>} : memref<128x128xf32, #tpu.memory_space<vmem>>, vector<1x16xf32>,
      %swap3A_286 = arith.constant 127 : i32
      %swap3A_287 = arith.index_cast %swap3A_286 : i32 to index
      %swap3A_288 = arith.constant 112 : index
      %swap3A_289 = tpu.vector_load %arg5[%swap3A_287, %swap3A_288] {strides = array<i32>} : memref<128x128xf32, #tpu.memory_space<vmem>>, vector<1x16xf32>,
      %swap3A_290 = vector.shape_cast %swap3A_289 : vector<1x16xf32> to vector<16xf32>
      %swap3A_291 = vector.shape_cast %broadcast_in_dim3A_3 : vector<16xf32> to vector<1x16xf32>
      tpu.vector_store %arg5[%swap3A_287, %swap3A_288], %swap3A_291 {strides = array<i32>} : memref<128x128xf32, #tpu.memory_space<vmem>>, vector<1x16xf32>,
      %scan3A = arith.constant 0 : i32
      %scan3A_292 = arith.constant 1 : i32
      %scan3A_293 = arith.constant 120 : i32
      %scan3A_294 = arith.addi %scan3A_292, %scan3A_293 : i32
      %scan3A_295 = arith.constant 8 : i32
      scf.for %scan3A_427 = %scan3A_292 to %scan3A_294 step %scan3A_295  : i32 {
        %get3A_428 = arith.index_cast %scan3A_427 : i32 to index
        %get3A_429 = arith.constant 0 : index
        %get3A_430 = tpu.vector_load %arg5[%get3A_428, %get3A_429] {strides = array<i32>} : memref<128x128xf32, #tpu.memory_space<vmem>>, vector<1x16xf32>,
        %get3A_431 = vector.shape_cast %get3A_430 : vector<1x16xf32> to vector<16xf32>
        %select_n3A_432 = arith.select %eq3A_5, %broadcast_in_dim3A_3, %get3A_431 : vector<16xi1>, vector<16xf32>
        %swap3A_433 = arith.index_cast %scan3A_427 : i32 to index
        %swap3A_434 = arith.constant 0 : index
        %swap3A_435 = tpu.vector_load %arg5[%swap3A_433, %swap3A_434] {strides = array<i32>} : memref<128x128xf32, #tpu.memory_space<vmem>>, vector<1x16xf32>,
        %swap3A_436 = vector.shape_cast %swap3A_435 : vector<1x16xf32> to vector<16xf32>
        %swap3A_437 = vector.shape_cast %select_n3A_432 : vector<16xf32> to vector<1x16xf32>
        tpu.vector_store %arg5[%swap3A_433, %swap3A_434], %swap3A_437 {strides = array<i32>} : memref<128x128xf32, #tpu.memory_space<vmem>>, vector<1x16xf32>,
        %get3A_438 = arith.index_cast %scan3A_427 : i32 to index
        %get3A_439 = arith.constant 112 : index
        %get3A_440 = tpu.vector_load %arg5[%get3A_438, %get3A_439] {strides = array<i32>} : memref<128x128xf32, #tpu.memory_space<vmem>>, vector<1x16xf32>,
        %get3A_441 = vector.shape_cast %get3A_440 : vector<1x16xf32> to vector<16xf32>
        %select_n3A_442 = arith.select %eq3A_8, %broadcast_in_dim3A_3, %get3A_441 : vector<16xi1>, vector<16xf32>
        %swap3A_443 = arith.index_cast %scan3A_427 : i32 to index
        %swap3A_444 = arith.constant 112 : index
        %swap3A_445 = tpu.vector_load %arg5[%swap3A_443, %swap3A_444] {strides = array<i32>} : memref<128x128xf32, #tpu.memory_space<vmem>>, vector<1x16xf32>,
        %swap3A_446 = vector.shape_cast %swap3A_445 : vector<1x16xf32> to vector<16xf32>
        %swap3A_447 = vector.shape_cast %select_n3A_442 : vector<16xf32> to vector<1x16xf32>
        tpu.vector_store %arg5[%swap3A_443, %swap3A_444], %swap3A_447 {strides = array<i32>} : memref<128x128xf32, #tpu.memory_space<vmem>>, vector<1x16xf32>,
        %scan3A_448 = arith.constant 1 : i32
        %scan3A_449 = arith.addi %scan3A_427, %scan3A_448 : i32
        %get3A_450 = arith.index_cast %scan3A_449 : i32 to index
        %get3A_451 = arith.constant 0 : index
        %get3A_452 = tpu.vector_load %arg5[%get3A_450, %get3A_451] {strides = array<i32>} : memref<128x128xf32, #tpu.memory_space<vmem>>, vector<1x16xf32>,
        %get3A_453 = vector.shape_cast %get3A_452 : vector<1x16xf32> to vector<16xf32>
        %select_n3A_454 = arith.select %eq3A_5, %broadcast_in_dim3A_3, %get3A_453 : vector<16xi1>, vector<16xf32>
        %swap3A_455 = arith.index_cast %scan3A_449 : i32 to index
        %swap3A_456 = arith.constant 0 : index
        %swap3A_457 = tpu.vector_load %arg5[%swap3A_455, %swap3A_456] {strides = array<i32>} : memref<128x128xf32, #tpu.memory_space<vmem>>, vector<1x16xf32>,
        %swap3A_458 = vector.shape_cast %swap3A_457 : vector<1x16xf32> to vector<16xf32>
        %swap3A_459 = vector.shape_cast %select_n3A_454 : vector<16xf32> to vector<1x16xf32>
        tpu.vector_store %arg5[%swap3A_455, %swap3A_456], %swap3A_459 {strides = array<i32>} : memref<128x128xf32, #tpu.memory_space<vmem>>, vector<1x16xf32>,
        %get3A_460 = arith.index_cast %scan3A_449 : i32 to index
        %get3A_461 = arith.constant 112 : index
        %get3A_462 = tpu.vector_load %arg5[%get3A_460, %get3A_461] {strides = array<i32>} : memref<128x128xf32, #tpu.memory_space<vmem>>, vector<1x16xf32>,
        %get3A_463 = vector.shape_cast %get3A_462 : vector<1x16xf32> to vector<16xf32>
        %select_n3A_464 = arith.select %eq3A_8, %broadcast_in_dim3A_3, %get3A_463 : vector<16xi1>, vector<16xf32>
        %swap3A_465 = arith.index_cast %scan3A_449 : i32 to index
        %swap3A_466 = arith.constant 112 : index
        %swap3A_467 = tpu.vector_load %arg5[%swap3A_465, %swap3A_466] {strides = array<i32>} : memref<128x128xf32, #tpu.memory_space<vmem>>, vector<1x16xf32>,
        %swap3A_468 = vector.shape_cast %swap3A_467 : vector<1x16xf32> to vector<16xf32>
        %swap3A_469 = vector.shape_cast %select_n3A_464 : vector<16xf32> to vector<1x16xf32>
        tpu.vector_store %arg5[%swap3A_465, %swap3A_466], %swap3A_469 {strides = array<i32>} : memref<128x128xf32, #tpu.memory_space<vmem>>, vector<1x16xf32>,
        %scan3A_470 = arith.constant 2 : i32
        %scan3A_471 = arith.addi %scan3A_427, %scan3A_470 : i32
        %get3A_472 = arith.index_cast %scan3A_471 : i32 to index
        %get3A_473 = arith.constant 0 : index
        %get3A_474 = tpu.vector_load %arg5[%get3A_472, %get3A_473] {strides = array<i32>} : memref<128x128xf32, #tpu.memory_space<vmem>>, vector<1x16xf32>,
        %get3A_475 = vector.shape_cast %get3A_474 : vector<1x16xf32> to vector<16xf32>
        %select_n3A_476 = arith.select %eq3A_5, %broadcast_in_dim3A_3, %get3A_475 : vector<16xi1>, vector<16xf32>
        %swap3A_477 = arith.index_cast %scan3A_471 : i32 to index
        %swap3A_478 = arith.constant 0 : index
        %swap3A_479 = tpu.vector_load %arg5[%swap3A_477, %swap3A_478] {strides = array<i32>} : memref<128x128xf32, #tpu.memory_space<vmem>>, vector<1x16xf32>,
        %swap3A_480 = vector.shape_cast %swap3A_479 : vector<1x16xf32> to vector<16xf32>
        %swap3A_481 = vector.shape_cast %select_n3A_476 : vector<16xf32> to vector<1x16xf32>
        tpu.vector_store %arg5[%swap3A_477, %swap3A_478], %swap3A_481 {strides = array<i32>} : memref<128x128xf32, #tpu.memory_space<vmem>>, vector<1x16xf32>,
        %get3A_482 = arith.index_cast %scan3A_471 : i32 to index
        %get3A_483 = arith.constant 112 : index
        %get3A_484 = tpu.vector_load %arg5[%get3A_482, %get3A_483] {strides = array<i32>} : memref<128x128xf32, #tpu.memory_space<vmem>>, vector<1x16xf32>,
        %get3A_485 = vector.shape_cast %get3A_484 : vector<1x16xf32> to vector<16xf32>
        %select_n3A_486 = arith.select %eq3A_8, %broadcast_in_dim3A_3, %get3A_485 : vector<16xi1>, vector<16xf32>
        %swap3A_487 = arith.index_cast %scan3A_471 : i32 to index
        %swap3A_488 = arith.constant 112 : index
        %swap3A_489 = tpu.vector_load %arg5[%swap3A_487, %swap3A_488] {strides = array<i32>} : memref<128x128xf32, #tpu.memory_space<vmem>>, vector<1x16xf32>,
        %swap3A_490 = vector.shape_cast %swap3A_489 : vector<1x16xf32> to vector<16xf32>
        %swap3A_491 = vector.shape_cast %select_n3A_486 : vector<16xf32> to vector<1x16xf32>
        tpu.vector_store %arg5[%swap3A_487, %swap3A_488], %swap3A_491 {strides = array<i32>} : memref<128x128xf32, #tpu.memory_space<vmem>>, vector<1x16xf32>,
        %scan3A_492 = arith.constant 3 : i32
        %scan3A_493 = arith.addi %scan3A_427, %scan3A_492 : i32
        %get3A_494 = arith.index_cast %scan3A_493 : i32 to index
        %get3A_495 = arith.constant 0 : index
        %get3A_496 = tpu.vector_load %arg5[%get3A_494, %get3A_495] {strides = array<i32>} : memref<128x128xf32, #tpu.memory_space<vmem>>, vector<1x16xf32>,
        %get3A_497 = vector.shape_cast %get3A_496 : vector<1x16xf32> to vector<16xf32>
        %select_n3A_498 = arith.select %eq3A_5, %broadcast_in_dim3A_3, %get3A_497 : vector<16xi1>, vector<16xf32>
        %swap3A_499 = arith.index_cast %scan3A_493 : i32 to index
        %swap3A_500 = arith.constant 0 : index
        %swap3A_501 = tpu.vector_load %arg5[%swap3A_499, %swap3A_500] {strides = array<i32>} : memref<128x128xf32, #tpu.memory_space<vmem>>, vector<1x16xf32>,
        %swap3A_502 = vector.shape_cast %swap3A_501 : vector<1x16xf32> to vector<16xf32>
        %swap3A_503 = vector.shape_cast %select_n3A_498 : vector<16xf32> to vector<1x16xf32>
        tpu.vector_store %arg5[%swap3A_499, %swap3A_500], %swap3A_503 {strides = array<i32>} : memref<128x128xf32, #tpu.memory_space<vmem>>, vector<1x16xf32>,
        %get3A_504 = arith.index_cast %scan3A_493 : i32 to index
        %get3A_505 = arith.constant 112 : index
        %get3A_506 = tpu.vector_load %arg5[%get3A_504, %get3A_505] {strides = array<i32>} : memref<128x128xf32, #tpu.memory_space<vmem>>, vector<1x16xf32>,
        %get3A_507 = vector.shape_cast %get3A_506 : vector<1x16xf32> to vector<16xf32>
        %select_n3A_508 = arith.select %eq3A_8, %broadcast_in_dim3A_3, %get3A_507 : vector<16xi1>, vector<16xf32>
        %swap3A_509 = arith.index_cast %scan3A_493 : i32 to index
        %swap3A_510 = arith.constant 112 : index
        %swap3A_511 = tpu.vector_load %arg5[%swap3A_509, %swap3A_510] {strides = array<i32>} : memref<128x128xf32, #tpu.memory_space<vmem>>, vector<1x16xf32>,
        %swap3A_512 = vector.shape_cast %swap3A_511 : vector<1x16xf32> to vector<16xf32>
        %swap3A_513 = vector.shape_cast %select_n3A_508 : vector<16xf32> to vector<1x16xf32>
        tpu.vector_store %arg5[%swap3A_509, %swap3A_510], %swap3A_513 {strides = array<i32>} : memref<128x128xf32, #tpu.memory_space<vmem>>, vector<1x16xf32>,
        %scan3A_514 = arith.constant 4 : i32
        %scan3A_515 = arith.addi %scan3A_427, %scan3A_514 : i32
        %get3A_516 = arith.index_cast %scan3A_515 : i32 to index
        %get3A_517 = arith.constant 0 : index
        %get3A_518 = tpu.vector_load %arg5[%get3A_516, %get3A_517] {strides = array<i32>} : memref<128x128xf32, #tpu.memory_space<vmem>>, vector<1x16xf32>,
        %get3A_519 = vector.shape_cast %get3A_518 : vector<1x16xf32> to vector<16xf32>
        %select_n3A_520 = arith.select %eq3A_5, %broadcast_in_dim3A_3, %get3A_519 : vector<16xi1>, vector<16xf32>
        %swap3A_521 = arith.index_cast %scan3A_515 : i32 to index
        %swap3A_522 = arith.constant 0 : index
        %swap3A_523 = tpu.vector_load %arg5[%swap3A_521, %swap3A_522] {strides = array<i32>} : memref<128x128xf32, #tpu.memory_space<vmem>>, vector<1x16xf32>,
        %swap3A_524 = vector.shape_cast %swap3A_523 : vector<1x16xf32> to vector<16xf32>
        %swap3A_525 = vector.shape_cast %select_n3A_520 : vector<16xf32> to vector<1x16xf32>
        tpu.vector_store %arg5[%swap3A_521, %swap3A_522], %swap3A_525 {strides = array<i32>} : memref<128x128xf32, #tpu.memory_space<vmem>>, vector<1x16xf32>,
        %get3A_526 = arith.index_cast %scan3A_515 : i32 to index
        %get3A_527 = arith.constant 112 : index
        %get3A_528 = tpu.vector_load %arg5[%get3A_526, %get3A_527] {strides = array<i32>} : memref<128x128xf32, #tpu.memory_space<vmem>>, vector<1x16xf32>,
        %get3A_529 = vector.shape_cast %get3A_528 : vector<1x16xf32> to vector<16xf32>
        %select_n3A_530 = arith.select %eq3A_8, %broadcast_in_dim3A_3, %get3A_529 : vector<16xi1>, vector<16xf32>
        %swap3A_531 = arith.index_cast %scan3A_515 : i32 to index
        %swap3A_532 = arith.constant 112 : index
        %swap3A_533 = tpu.vector_load %arg5[%swap3A_531, %swap3A_532] {strides = array<i32>} : memref<128x128xf32, #tpu.memory_space<vmem>>, vector<1x16xf32>,
        %swap3A_534 = vector.shape_cast %swap3A_533 : vector<1x16xf32> to vector<16xf32>
        %swap3A_535 = vector.shape_cast %select_n3A_530 : vector<16xf32> to vector<1x16xf32>
        tpu.vector_store %arg5[%swap3A_531, %swap3A_532], %swap3A_535 {strides = array<i32>} : memref<128x128xf32, #tpu.memory_space<vmem>>, vector<1x16xf32>,
        %scan3A_536 = arith.constant 5 : i32
        %scan3A_537 = arith.addi %scan3A_427, %scan3A_536 : i32
        %get3A_538 = arith.index_cast %scan3A_537 : i32 to index
        %get3A_539 = arith.constant 0 : index
        %get3A_540 = tpu.vector_load %arg5[%get3A_538, %get3A_539] {strides = array<i32>} : memref<128x128xf32, #tpu.memory_space<vmem>>, vector<1x16xf32>,
        %get3A_541 = vector.shape_cast %get3A_540 : vector<1x16xf32> to vector<16xf32>
        %select_n3A_542 = arith.select %eq3A_5, %broadcast_in_dim3A_3, %get3A_541 : vector<16xi1>, vector<16xf32>
        %swap3A_543 = arith.index_cast %scan3A_537 : i32 to index
        %swap3A_544 = arith.constant 0 : index
        %swap3A_545 = tpu.vector_load %arg5[%swap3A_543, %swap3A_544] {strides = array<i32>} : memref<128x128xf32, #tpu.memory_space<vmem>>, vector<1x16xf32>,
        %swap3A_546 = vector.shape_cast %swap3A_545 : vector<1x16xf32> to vector<16xf32>
        %swap3A_547 = vector.shape_cast %select_n3A_542 : vector<16xf32> to vector<1x16xf32>
        tpu.vector_store %arg5[%swap3A_543, %swap3A_544], %swap3A_547 {strides = array<i32>} : memref<128x128xf32, #tpu.memory_space<vmem>>, vector<1x16xf32>,
        %get3A_548 = arith.index_cast %scan3A_537 : i32 to index
        %get3A_549 = arith.constant 112 : index
        %get3A_550 = tpu.vector_load %arg5[%get3A_548, %get3A_549] {strides = array<i32>} : memref<128x128xf32, #tpu.memory_space<vmem>>, vector<1x16xf32>,
        %get3A_551 = vector.shape_cast %get3A_550 : vector<1x16xf32> to vector<16xf32>
        %select_n3A_552 = arith.select %eq3A_8, %broadcast_in_dim3A_3, %get3A_551 : vector<16xi1>, vector<16xf32>
        %swap3A_553 = arith.index_cast %scan3A_537 : i32 to index
        %swap3A_554 = arith.constant 112 : index
        %swap3A_555 = tpu.vector_load %arg5[%swap3A_553, %swap3A_554] {strides = array<i32>} : memref<128x128xf32, #tpu.memory_space<vmem>>, vector<1x16xf32>,
        %swap3A_556 = vector.shape_cast %swap3A_555 : vector<1x16xf32> to vector<16xf32>
        %swap3A_557 = vector.shape_cast %select_n3A_552 : vector<16xf32> to vector<1x16xf32>
        tpu.vector_store %arg5[%swap3A_553, %swap3A_554], %swap3A_557 {strides = array<i32>} : memref<128x128xf32, #tpu.memory_space<vmem>>, vector<1x16xf32>,
        %scan3A_558 = arith.constant 6 : i32
        %scan3A_559 = arith.addi %scan3A_427, %scan3A_558 : i32
        %get3A_560 = arith.index_cast %scan3A_559 : i32 to index
        %get3A_561 = arith.constant 0 : index
        %get3A_562 = tpu.vector_load %arg5[%get3A_560, %get3A_561] {strides = array<i32>} : memref<128x128xf32, #tpu.memory_space<vmem>>, vector<1x16xf32>,
        %get3A_563 = vector.shape_cast %get3A_562 : vector<1x16xf32> to vector<16xf32>
        %select_n3A_564 = arith.select %eq3A_5, %broadcast_in_dim3A_3, %get3A_563 : vector<16xi1>, vector<16xf32>
        %swap3A_565 = arith.index_cast %scan3A_559 : i32 to index
        %swap3A_566 = arith.constant 0 : index
        %swap3A_567 = tpu.vector_load %arg5[%swap3A_565, %swap3A_566] {strides = array<i32>} : memref<128x128xf32, #tpu.memory_space<vmem>>, vector<1x16xf32>,
        %swap3A_568 = vector.shape_cast %swap3A_567 : vector<1x16xf32> to vector<16xf32>
        %swap3A_569 = vector.shape_cast %select_n3A_564 : vector<16xf32> to vector<1x16xf32>
        tpu.vector_store %arg5[%swap3A_565, %swap3A_566], %swap3A_569 {strides = array<i32>} : memref<128x128xf32, #tpu.memory_space<vmem>>, vector<1x16xf32>,
        %get3A_570 = arith.index_cast %scan3A_559 : i32 to index
        %get3A_571 = arith.constant 112 : index
        %get3A_572 = tpu.vector_load %arg5[%get3A_570, %get3A_571] {strides = array<i32>} : memref<128x128xf32, #tpu.memory_space<vmem>>, vector<1x16xf32>,
        %get3A_573 = vector.shape_cast %get3A_572 : vector<1x16xf32> to vector<16xf32>
        %select_n3A_574 = arith.select %eq3A_8, %broadcast_in_dim3A_3, %get3A_573 : vector<16xi1>, vector<16xf32>
        %swap3A_575 = arith.index_cast %scan3A_559 : i32 to index
        %swap3A_576 = arith.constant 112 : index
        %swap3A_577 = tpu.vector_load %arg5[%swap3A_575, %swap3A_576] {strides = array<i32>} : memref<128x128xf32, #tpu.memory_space<vmem>>, vector<1x16xf32>,
        %swap3A_578 = vector.shape_cast %swap3A_577 : vector<1x16xf32> to vector<16xf32>
        %swap3A_579 = vector.shape_cast %select_n3A_574 : vector<16xf32> to vector<1x16xf32>
        tpu.vector_store %arg5[%swap3A_575, %swap3A_576], %swap3A_579 {strides = array<i32>} : memref<128x128xf32, #tpu.memory_space<vmem>>, vector<1x16xf32>,
        %scan3A_580 = arith.constant 7 : i32
        %scan3A_581 = arith.addi %scan3A_427, %scan3A_580 : i32
        %get3A_582 = arith.index_cast %scan3A_581 : i32 to index
        %get3A_583 = arith.constant 0 : index
        %get3A_584 = tpu.vector_load %arg5[%get3A_582, %get3A_583] {strides = array<i32>} : memref<128x128xf32, #tpu.memory_space<vmem>>, vector<1x16xf32>,
        %get3A_585 = vector.shape_cast %get3A_584 : vector<1x16xf32> to vector<16xf32>
        %select_n3A_586 = arith.select %eq3A_5, %broadcast_in_dim3A_3, %get3A_585 : vector<16xi1>, vector<16xf32>
        %swap3A_587 = arith.index_cast %scan3A_581 : i32 to index
        %swap3A_588 = arith.constant 0 : index
        %swap3A_589 = tpu.vector_load %arg5[%swap3A_587, %swap3A_588] {strides = array<i32>} : memref<128x128xf32, #tpu.memory_space<vmem>>, vector<1x16xf32>,
        %swap3A_590 = vector.shape_cast %swap3A_589 : vector<1x16xf32> to vector<16xf32>
        %swap3A_591 = vector.shape_cast %select_n3A_586 : vector<16xf32> to vector<1x16xf32>
        tpu.vector_store %arg5[%swap3A_587, %swap3A_588], %swap3A_591 {strides = array<i32>} : memref<128x128xf32, #tpu.memory_space<vmem>>, vector<1x16xf32>,
        %get3A_592 = arith.index_cast %scan3A_581 : i32 to index
        %get3A_593 = arith.constant 112 : index
        %get3A_594 = tpu.vector_load %arg5[%get3A_592, %get3A_593] {strides = array<i32>} : memref<128x128xf32, #tpu.memory_space<vmem>>, vector<1x16xf32>,
        %get3A_595 = vector.shape_cast %get3A_594 : vector<1x16xf32> to vector<16xf32>
        %select_n3A_596 = arith.select %eq3A_8, %broadcast_in_dim3A_3, %get3A_595 : vector<16xi1>, vector<16xf32>
        %swap3A_597 = arith.index_cast %scan3A_581 : i32 to index
        %swap3A_598 = arith.constant 112 : index
        %swap3A_599 = tpu.vector_load %arg5[%swap3A_597, %swap3A_598] {strides = array<i32>} : memref<128x128xf32, #tpu.memory_space<vmem>>, vector<1x16xf32>,
        %swap3A_600 = vector.shape_cast %swap3A_599 : vector<1x16xf32> to vector<16xf32>
        %swap3A_601 = vector.shape_cast %select_n3A_596 : vector<16xf32> to vector<1x16xf32>
        tpu.vector_store %arg5[%swap3A_597, %swap3A_598], %swap3A_601 {strides = array<i32>} : memref<128x128xf32, #tpu.memory_space<vmem>>, vector<1x16xf32>,
      }
      %scan3A_296 = arith.constant 120 : i32
      %scan3A_297 = arith.addi %scan3A_292, %scan3A_296 : i32
      %get3A = arith.index_cast %scan3A_297 : i32 to index
      %get3A_298 = arith.constant 0 : index
      %get3A_299 = tpu.vector_load %arg5[%get3A, %get3A_298] {strides = array<i32>} : memref<128x128xf32, #tpu.memory_space<vmem>>, vector<1x16xf32>,
      %get3A_300 = vector.shape_cast %get3A_299 : vector<1x16xf32> to vector<16xf32>
      %select_n3A = arith.select %eq3A_5, %broadcast_in_dim3A_3, %get3A_300 : vector<16xi1>, vector<16xf32>
      %swap3A_301 = arith.index_cast %scan3A_297 : i32 to index
      %swap3A_302 = arith.constant 0 : index
      %swap3A_303 = tpu.vector_load %arg5[%swap3A_301, %swap3A_302] {strides = array<i32>} : memref<128x128xf32, #tpu.memory_space<vmem>>, vector<1x16xf32>,
      %swap3A_304 = vector.shape_cast %swap3A_303 : vector<1x16xf32> to vector<16xf32>
      %swap3A_305 = vector.shape_cast %select_n3A : vector<16xf32> to vector<1x16xf32>
      tpu.vector_store %arg5[%swap3A_301, %swap3A_302], %swap3A_305 {strides = array<i32>} : memref<128x128xf32, #tpu.memory_space<vmem>>, vector<1x16xf32>,
      %get3A_306 = arith.index_cast %scan3A_297 : i32 to index
      %get3A_307 = arith.constant 112 : index
      %get3A_308 = tpu.vector_load %arg5[%get3A_306, %get3A_307] {strides = array<i32>} : memref<128x128xf32, #tpu.memory_space<vmem>>, vector<1x16xf32>,
      %get3A_309 = vector.shape_cast %get3A_308 : vector<1x16xf32> to vector<16xf32>
      %select_n3A_310 = arith.select %eq3A_8, %broadcast_in_dim3A_3, %get3A_309 : vector<16xi1>, vector<16xf32>
      %swap3A_311 = arith.index_cast %scan3A_297 : i32 to index
      %swap3A_312 = arith.constant 112 : index
      %swap3A_313 = tpu.vector_load %arg5[%swap3A_311, %swap3A_312] {strides = array<i32>} : memref<128x128xf32, #tpu.memory_space<vmem>>, vector<1x16xf32>,
      %swap3A_314 = vector.shape_cast %swap3A_313 : vector<1x16xf32> to vector<16xf32>
      %swap3A_315 = vector.shape_cast %select_n3A_310 : vector<16xf32> to vector<1x16xf32>
      tpu.vector_store %arg5[%swap3A_311, %swap3A_312], %swap3A_315 {strides = array<i32>} : memref<128x128xf32, #tpu.memory_space<vmem>>, vector<1x16xf32>,
      %scan3A_316 = arith.constant 121 : i32
      %scan3A_317 = arith.addi %scan3A_292, %scan3A_316 : i32
      %get3A_318 = arith.index_cast %scan3A_317 : i32 to index
      %get3A_319 = arith.constant 0 : index
      %get3A_320 = tpu.vector_load %arg5[%get3A_318, %get3A_319] {strides = array<i32>} : memref<128x128xf32, #tpu.memory_space<vmem>>, vector<1x16xf32>,
      %get3A_321 = vector.shape_cast %get3A_320 : vector<1x16xf32> to vector<16xf32>
      %select_n3A_322 = arith.select %eq3A_5, %broadcast_in_dim3A_3, %get3A_321 : vector<16xi1>, vector<16xf32>
      %swap3A_323 = arith.index_cast %scan3A_317 : i32 to index
      %swap3A_324 = arith.constant 0 : index
      %swap3A_325 = tpu.vector_load %arg5[%swap3A_323, %swap3A_324] {strides = array<i32>} : memref<128x128xf32, #tpu.memory_space<vmem>>, vector<1x16xf32>,
      %swap3A_326 = vector.shape_cast %swap3A_325 : vector<1x16xf32> to vector<16xf32>
      %swap3A_327 = vector.shape_cast %select_n3A_322 : vector<16xf32> to vector<1x16xf32>
      tpu.vector_store %arg5[%swap3A_323, %swap3A_324], %swap3A_327 {strides = array<i32>} : memref<128x128xf32, #tpu.memory_space<vmem>>, vector<1x16xf32>,
      %get3A_328 = arith.index_cast %scan3A_317 : i32 to index
      %get3A_329 = arith.constant 112 : index
      %get3A_330 = tpu.vector_load %arg5[%get3A_328, %get3A_329] {strides = array<i32>} : memref<128x128xf32, #tpu.memory_space<vmem>>, vector<1x16xf32>,
      %get3A_331 = vector.shape_cast %get3A_330 : vector<1x16xf32> to vector<16xf32>
      %select_n3A_332 = arith.select %eq3A_8, %broadcast_in_dim3A_3, %get3A_331 : vector<16xi1>, vector<16xf32>
      %swap3A_333 = arith.index_cast %scan3A_317 : i32 to index
      %swap3A_334 = arith.constant 112 : index
      %swap3A_335 = tpu.vector_load %arg5[%swap3A_333, %swap3A_334] {strides = array<i32>} : memref<128x128xf32, #tpu.memory_space<vmem>>, vector<1x16xf32>,
      %swap3A_336 = vector.shape_cast %swap3A_335 : vector<1x16xf32> to vector<16xf32>
      %swap3A_337 = vector.shape_cast %select_n3A_332 : vector<16xf32> to vector<1x16xf32>
      tpu.vector_store %arg5[%swap3A_333, %swap3A_334], %swap3A_337 {strides = array<i32>} : memref<128x128xf32, #tpu.memory_space<vmem>>, vector<1x16xf32>,
      %scan3A_338 = arith.constant 122 : i32
      %scan3A_339 = arith.addi %scan3A_292, %scan3A_338 : i32
      %get3A_340 = arith.index_cast %scan3A_339 : i32 to index
      %get3A_341 = arith.constant 0 : index
      %get3A_342 = tpu.vector_load %arg5[%get3A_340, %get3A_341] {strides = array<i32>} : memref<128x128xf32, #tpu.memory_space<vmem>>, vector<1x16xf32>,
      %get3A_343 = vector.shape_cast %get3A_342 : vector<1x16xf32> to vector<16xf32>
      %select_n3A_344 = arith.select %eq3A_5, %broadcast_in_dim3A_3, %get3A_343 : vector<16xi1>, vector<16xf32>
      %swap3A_345 = arith.index_cast %scan3A_339 : i32 to index
      %swap3A_346 = arith.constant 0 : index
      %swap3A_347 = tpu.vector_load %arg5[%swap3A_345, %swap3A_346] {strides = array<i32>} : memref<128x128xf32, #tpu.memory_space<vmem>>, vector<1x16xf32>,
      %swap3A_348 = vector.shape_cast %swap3A_347 : vector<1x16xf32> to vector<16xf32>
      %swap3A_349 = vector.shape_cast %select_n3A_344 : vector<16xf32> to vector<1x16xf32>
      tpu.vector_store %arg5[%swap3A_345, %swap3A_346], %swap3A_349 {strides = array<i32>} : memref<128x128xf32, #tpu.memory_space<vmem>>, vector<1x16xf32>,
      %get3A_350 = arith.index_cast %scan3A_339 : i32 to index
      %get3A_351 = arith.constant 112 : index
      %get3A_352 = tpu.vector_load %arg5[%get3A_350, %get3A_351] {strides = array<i32>} : memref<128x128xf32, #tpu.memory_space<vmem>>, vector<1x16xf32>,
      %get3A_353 = vector.shape_cast %get3A_352 : vector<1x16xf32> to vector<16xf32>
      %select_n3A_354 = arith.select %eq3A_8, %broadcast_in_dim3A_3, %get3A_353 : vector<16xi1>, vector<16xf32>
      %swap3A_355 = arith.index_cast %scan3A_339 : i32 to index
      %swap3A_356 = arith.constant 112 : index
      %swap3A_357 = tpu.vector_load %arg5[%swap3A_355, %swap3A_356] {strides = array<i32>} : memref<128x128xf32, #tpu.memory_space<vmem>>, vector<1x16xf32>,
      %swap3A_358 = vector.shape_cast %swap3A_357 : vector<1x16xf32> to vector<16xf32>
      %swap3A_359 = vector.shape_cast %select_n3A_354 : vector<16xf32> to vector<1x16xf32>
      tpu.vector_store %arg5[%swap3A_355, %swap3A_356], %swap3A_359 {strides = array<i32>} : memref<128x128xf32, #tpu.memory_space<vmem>>, vector<1x16xf32>,
      %scan3A_360 = arith.constant 123 : i32
      %scan3A_361 = arith.addi %scan3A_292, %scan3A_360 : i32
      %get3A_362 = arith.index_cast %scan3A_361 : i32 to index
      %get3A_363 = arith.constant 0 : index
      %get3A_364 = tpu.vector_load %arg5[%get3A_362, %get3A_363] {strides = array<i32>} : memref<128x128xf32, #tpu.memory_space<vmem>>, vector<1x16xf32>,
      %get3A_365 = vector.shape_cast %get3A_364 : vector<1x16xf32> to vector<16xf32>
      %select_n3A_366 = arith.select %eq3A_5, %broadcast_in_dim3A_3, %get3A_365 : vector<16xi1>, vector<16xf32>
      %swap3A_367 = arith.index_cast %scan3A_361 : i32 to index
      %swap3A_368 = arith.constant 0 : index
      %swap3A_369 = tpu.vector_load %arg5[%swap3A_367, %swap3A_368] {strides = array<i32>} : memref<128x128xf32, #tpu.memory_space<vmem>>, vector<1x16xf32>,
      %swap3A_370 = vector.shape_cast %swap3A_369 : vector<1x16xf32> to vector<16xf32>
      %swap3A_371 = vector.shape_cast %select_n3A_366 : vector<16xf32> to vector<1x16xf32>
      tpu.vector_store %arg5[%swap3A_367, %swap3A_368], %swap3A_371 {strides = array<i32>} : memref<128x128xf32, #tpu.memory_space<vmem>>, vector<1x16xf32>,
      %get3A_372 = arith.index_cast %scan3A_361 : i32 to index
      %get3A_373 = arith.constant 112 : index
      %get3A_374 = tpu.vector_load %arg5[%get3A_372, %get3A_373] {strides = array<i32>} : memref<128x128xf32, #tpu.memory_space<vmem>>, vector<1x16xf32>,
      %get3A_375 = vector.shape_cast %get3A_374 : vector<1x16xf32> to vector<16xf32>
      %select_n3A_376 = arith.select %eq3A_8, %broadcast_in_dim3A_3, %get3A_375 : vector<16xi1>, vector<16xf32>
      %swap3A_377 = arith.index_cast %scan3A_361 : i32 to index
      %swap3A_378 = arith.constant 112 : index
      %swap3A_379 = tpu.vector_load %arg5[%swap3A_377, %swap3A_378] {strides = array<i32>} : memref<128x128xf32, #tpu.memory_space<vmem>>, vector<1x16xf32>,
      %swap3A_380 = vector.shape_cast %swap3A_379 : vector<1x16xf32> to vector<16xf32>
      %swap3A_381 = vector.shape_cast %select_n3A_376 : vector<16xf32> to vector<1x16xf32>
      tpu.vector_store %arg5[%swap3A_377, %swap3A_378], %swap3A_381 {strides = array<i32>} : memref<128x128xf32, #tpu.memory_space<vmem>>, vector<1x16xf32>,
      %scan3A_382 = arith.constant 124 : i32
      %scan3A_383 = arith.addi %scan3A_292, %scan3A_382 : i32
      %get3A_384 = arith.index_cast %scan3A_383 : i32 to index
      %get3A_385 = arith.constant 0 : index
      %get3A_386 = tpu.vector_load %arg5[%get3A_384, %get3A_385] {strides = array<i32>} : memref<128x128xf32, #tpu.memory_space<vmem>>, vector<1x16xf32>,
      %get3A_387 = vector.shape_cast %get3A_386 : vector<1x16xf32> to vector<16xf32>
      %select_n3A_388 = arith.select %eq3A_5, %broadcast_in_dim3A_3, %get3A_387 : vector<16xi1>, vector<16xf32>
      %swap3A_389 = arith.index_cast %scan3A_383 : i32 to index
      %swap3A_390 = arith.constant 0 : index
      %swap3A_391 = tpu.vector_load %arg5[%swap3A_389, %swap3A_390] {strides = array<i32>} : memref<128x128xf32, #tpu.memory_space<vmem>>, vector<1x16xf32>,
      %swap3A_392 = vector.shape_cast %swap3A_391 : vector<1x16xf32> to vector<16xf32>
      %swap3A_393 = vector.shape_cast %select_n3A_388 : vector<16xf32> to vector<1x16xf32>
      tpu.vector_store %arg5[%swap3A_389, %swap3A_390], %swap3A_393 {strides = array<i32>} : memref<128x128xf32, #tpu.memory_space<vmem>>, vector<1x16xf32>,
      %get3A_394 = arith.index_cast %scan3A_383 : i32 to index
      %get3A_395 = arith.constant 112 : index
      %get3A_396 = tpu.vector_load %arg5[%get3A_394, %get3A_395] {strides = array<i32>} : memref<128x128xf32, #tpu.memory_space<vmem>>, vector<1x16xf32>,
      %get3A_397 = vector.shape_cast %get3A_396 : vector<1x16xf32> to vector<16xf32>
      %select_n3A_398 = arith.select %eq3A_8, %broadcast_in_dim3A_3, %get3A_397 : vector<16xi1>, vector<16xf32>
      %swap3A_399 = arith.index_cast %scan3A_383 : i32 to index
      %swap3A_400 = arith.constant 112 : index
      %swap3A_401 = tpu.vector_load %arg5[%swap3A_399, %swap3A_400] {strides = array<i32>} : memref<128x128xf32, #tpu.memory_space<vmem>>, vector<1x16xf32>,
      %swap3A_402 = vector.shape_cast %swap3A_401 : vector<1x16xf32> to vector<16xf32>
      %swap3A_403 = vector.shape_cast %select_n3A_398 : vector<16xf32> to vector<1x16xf32>
      tpu.vector_store %arg5[%swap3A_399, %swap3A_400], %swap3A_403 {strides = array<i32>} : memref<128x128xf32, #tpu.memory_space<vmem>>, vector<1x16xf32>,
      %scan3A_404 = arith.constant 125 : i32
      %scan3A_405 = arith.addi %scan3A_292, %scan3A_404 : i32
      %get3A_406 = arith.index_cast %scan3A_405 : i32 to index
      %get3A_407 = arith.constant 0 : index
      %get3A_408 = tpu.vector_load %arg5[%get3A_406, %get3A_407] {strides = array<i32>} : memref<128x128xf32, #tpu.memory_space<vmem>>, vector<1x16xf32>,
      %get3A_409 = vector.shape_cast %get3A_408 : vector<1x16xf32> to vector<16xf32>
      %select_n3A_410 = arith.select %eq3A_5, %broadcast_in_dim3A_3, %get3A_409 : vector<16xi1>, vector<16xf32>
      %swap3A_411 = arith.index_cast %scan3A_405 : i32 to index
      %swap3A_412 = arith.constant 0 : index
      %swap3A_413 = tpu.vector_load %arg5[%swap3A_411, %swap3A_412] {strides = array<i32>} : memref<128x128xf32, #tpu.memory_space<vmem>>, vector<1x16xf32>,
      %swap3A_414 = vector.shape_cast %swap3A_413 : vector<1x16xf32> to vector<16xf32>
      %swap3A_415 = vector.shape_cast %select_n3A_410 : vector<16xf32> to vector<1x16xf32>
      tpu.vector_store %arg5[%swap3A_411, %swap3A_412], %swap3A_415 {strides = array<i32>} : memref<128x128xf32, #tpu.memory_space<vmem>>, vector<1x16xf32>,
      %get3A_416 = arith.index_cast %scan3A_405 : i32 to index
      %get3A_417 = arith.constant 112 : index
      %get3A_418 = tpu.vector_load %arg5[%get3A_416, %get3A_417] {strides = array<i32>} : memref<128x128xf32, #tpu.memory_space<vmem>>, vector<1x16xf32>,
      %get3A_419 = vector.shape_cast %get3A_418 : vector<1x16xf32> to vector<16xf32>
      %select_n3A_420 = arith.select %eq3A_8, %broadcast_in_dim3A_3, %get3A_419 : vector<16xi1>, vector<16xf32>
      %swap3A_421 = arith.index_cast %scan3A_405 : i32 to index
      %swap3A_422 = arith.constant 112 : index
      %swap3A_423 = tpu.vector_load %arg5[%swap3A_421, %swap3A_422] {strides = array<i32>} : memref<128x128xf32, #tpu.memory_space<vmem>>, vector<1x16xf32>,
      %swap3A_424 = vector.shape_cast %swap3A_423 : vector<1x16xf32> to vector<16xf32>
      %swap3A_425 = vector.shape_cast %select_n3A_420 : vector<16xf32> to vector<1x16xf32>
      tpu.vector_store %arg5[%swap3A_421, %swap3A_422], %swap3A_425 {strides = array<i32>} : memref<128x128xf32, #tpu.memory_space<vmem>>, vector<1x16xf32>,
      %scan3A_426 = arith.constant 126 : i32
    } else {
    }
    %not3A_90 = arith.constant true
    %not3A_91 = arith.xori %and3A_86, %not3A_90 : i1
    %convert_element_type3A_92 = arith.extui %not3A_91 : i1 to i32
    %cond3A_93 = arith.constant 0 : i32
    %cond3A_94 = arith.cmpi ne, %convert_element_type3A_92, %cond3A_93 : i32
    scf.if %cond3A_94 {
      %scan3A = arith.constant 0 : i32
      %scan3A_197 = arith.constant 0 : i32
      %scan3A_198 = arith.constant 128 : i32
      %scan3A_199 = arith.addi %scan3A_197, %scan3A_198 : i32
      %scan3A_200 = arith.constant 2 : i32
      scf.for %scan3A_202 = %scan3A_197 to %scan3A_199 step %scan3A_200  : i32 {
        %swap3A = arith.index_cast %scan3A_202 : i32 to index
        %swap3A_203 = arith.constant 0 : index
        %swap3A_204 = tpu.vector_load %arg5[%swap3A, %swap3A_203] {strides = array<i32>} : memref<128x128xf32, #tpu.memory_space<vmem>>, vector<1x16xf32>,
        %swap3A_205 = vector.shape_cast %swap3A_204 : vector<1x16xf32> to vector<16xf32>
        %swap3A_206 = vector.shape_cast %broadcast_in_dim3A_3 : vector<16xf32> to vector<1x16xf32>
        tpu.vector_store %arg5[%swap3A, %swap3A_203], %swap3A_206 {strides = array<i32>} : memref<128x128xf32, #tpu.memory_space<vmem>>, vector<1x16xf32>,
        %swap3A_207 = arith.index_cast %scan3A_202 : i32 to index
        %swap3A_208 = arith.constant 16 : index
        %swap3A_209 = tpu.vector_load %arg5[%swap3A_207, %swap3A_208] {strides = array<i32>} : memref<128x128xf32, #tpu.memory_space<vmem>>, vector<1x16xf32>,
        %swap3A_210 = vector.shape_cast %swap3A_209 : vector<1x16xf32> to vector<16xf32>
        %swap3A_211 = vector.shape_cast %broadcast_in_dim3A_3 : vector<16xf32> to vector<1x16xf32>
        tpu.vector_store %arg5[%swap3A_207, %swap3A_208], %swap3A_211 {strides = array<i32>} : memref<128x128xf32, #tpu.memory_space<vmem>>, vector<1x16xf32>,
        %swap3A_212 = arith.index_cast %scan3A_202 : i32 to index
        %swap3A_213 = arith.constant 32 : index
        %swap3A_214 = tpu.vector_load %arg5[%swap3A_212, %swap3A_213] {strides = array<i32>} : memref<128x128xf32, #tpu.memory_space<vmem>>, vector<1x16xf32>,
        %swap3A_215 = vector.shape_cast %swap3A_214 : vector<1x16xf32> to vector<16xf32>
        %swap3A_216 = vector.shape_cast %broadcast_in_dim3A_3 : vector<16xf32> to vector<1x16xf32>
        tpu.vector_store %arg5[%swap3A_212, %swap3A_213], %swap3A_216 {strides = array<i32>} : memref<128x128xf32, #tpu.memory_space<vmem>>, vector<1x16xf32>,
        %swap3A_217 = arith.index_cast %scan3A_202 : i32 to index
        %swap3A_218 = arith.constant 48 : index
        %swap3A_219 = tpu.vector_load %arg5[%swap3A_217, %swap3A_218] {strides = array<i32>} : memref<128x128xf32, #tpu.memory_space<vmem>>, vector<1x16xf32>,
        %swap3A_220 = vector.shape_cast %swap3A_219 : vector<1x16xf32> to vector<16xf32>
        %swap3A_221 = vector.shape_cast %broadcast_in_dim3A_3 : vector<16xf32> to vector<1x16xf32>
        tpu.vector_store %arg5[%swap3A_217, %swap3A_218], %swap3A_221 {strides = array<i32>} : memref<128x128xf32, #tpu.memory_space<vmem>>, vector<1x16xf32>,
        %swap3A_222 = arith.index_cast %scan3A_202 : i32 to index
        %swap3A_223 = arith.constant 64 : index
        %swap3A_224 = tpu.vector_load %arg5[%swap3A_222, %swap3A_223] {strides = array<i32>} : memref<128x128xf32, #tpu.memory_space<vmem>>, vector<1x16xf32>,
        %swap3A_225 = vector.shape_cast %swap3A_224 : vector<1x16xf32> to vector<16xf32>
        %swap3A_226 = vector.shape_cast %broadcast_in_dim3A_3 : vector<16xf32> to vector<1x16xf32>
        tpu.vector_store %arg5[%swap3A_222, %swap3A_223], %swap3A_226 {strides = array<i32>} : memref<128x128xf32, #tpu.memory_space<vmem>>, vector<1x16xf32>,
        %swap3A_227 = arith.index_cast %scan3A_202 : i32 to index
        %swap3A_228 = arith.constant 80 : index
        %swap3A_229 = tpu.vector_load %arg5[%swap3A_227, %swap3A_228] {strides = array<i32>} : memref<128x128xf32, #tpu.memory_space<vmem>>, vector<1x16xf32>,
        %swap3A_230 = vector.shape_cast %swap3A_229 : vector<1x16xf32> to vector<16xf32>
        %swap3A_231 = vector.shape_cast %broadcast_in_dim3A_3 : vector<16xf32> to vector<1x16xf32>
        tpu.vector_store %arg5[%swap3A_227, %swap3A_228], %swap3A_231 {strides = array<i32>} : memref<128x128xf32, #tpu.memory_space<vmem>>, vector<1x16xf32>,
        %swap3A_232 = arith.index_cast %scan3A_202 : i32 to index
        %swap3A_233 = arith.constant 96 : index
        %swap3A_234 = tpu.vector_load %arg5[%swap3A_232, %swap3A_233] {strides = array<i32>} : memref<128x128xf32, #tpu.memory_space<vmem>>, vector<1x16xf32>,
        %swap3A_235 = vector.shape_cast %swap3A_234 : vector<1x16xf32> to vector<16xf32>
        %swap3A_236 = vector.shape_cast %broadcast_in_dim3A_3 : vector<16xf32> to vector<1x16xf32>
        tpu.vector_store %arg5[%swap3A_232, %swap3A_233], %swap3A_236 {strides = array<i32>} : memref<128x128xf32, #tpu.memory_space<vmem>>, vector<1x16xf32>,
        %swap3A_237 = arith.index_cast %scan3A_202 : i32 to index
        %swap3A_238 = arith.constant 112 : index
        %swap3A_239 = tpu.vector_load %arg5[%swap3A_237, %swap3A_238] {strides = array<i32>} : memref<128x128xf32, #tpu.memory_space<vmem>>, vector<1x16xf32>,
        %swap3A_240 = vector.shape_cast %swap3A_239 : vector<1x16xf32> to vector<16xf32>
        %swap3A_241 = vector.shape_cast %broadcast_in_dim3A_3 : vector<16xf32> to vector<1x16xf32>
        tpu.vector_store %arg5[%swap3A_237, %swap3A_238], %swap3A_241 {strides = array<i32>} : memref<128x128xf32, #tpu.memory_space<vmem>>, vector<1x16xf32>,
        %scan3A_242 = arith.constant 1 : i32
        %scan3A_243 = arith.addi %scan3A_202, %scan3A_242 : i32
        %swap3A_244 = arith.index_cast %scan3A_243 : i32 to index
        %swap3A_245 = arith.constant 0 : index
        %swap3A_246 = tpu.vector_load %arg5[%swap3A_244, %swap3A_245] {strides = array<i32>} : memref<128x128xf32, #tpu.memory_space<vmem>>, vector<1x16xf32>,
        %swap3A_247 = vector.shape_cast %swap3A_246 : vector<1x16xf32> to vector<16xf32>
        %swap3A_248 = vector.shape_cast %broadcast_in_dim3A_3 : vector<16xf32> to vector<1x16xf32>
        tpu.vector_store %arg5[%swap3A_244, %swap3A_245], %swap3A_248 {strides = array<i32>} : memref<128x128xf32, #tpu.memory_space<vmem>>, vector<1x16xf32>,
        %swap3A_249 = arith.index_cast %scan3A_243 : i32 to index
        %swap3A_250 = arith.constant 16 : index
        %swap3A_251 = tpu.vector_load %arg5[%swap3A_249, %swap3A_250] {strides = array<i32>} : memref<128x128xf32, #tpu.memory_space<vmem>>, vector<1x16xf32>,
        %swap3A_252 = vector.shape_cast %swap3A_251 : vector<1x16xf32> to vector<16xf32>
        %swap3A_253 = vector.shape_cast %broadcast_in_dim3A_3 : vector<16xf32> to vector<1x16xf32>
        tpu.vector_store %arg5[%swap3A_249, %swap3A_250], %swap3A_253 {strides = array<i32>} : memref<128x128xf32, #tpu.memory_space<vmem>>, vector<1x16xf32>,
        %swap3A_254 = arith.index_cast %scan3A_243 : i32 to index
        %swap3A_255 = arith.constant 32 : index
        %swap3A_256 = tpu.vector_load %arg5[%swap3A_254, %swap3A_255] {strides = array<i32>} : memref<128x128xf32, #tpu.memory_space<vmem>>, vector<1x16xf32>,
        %swap3A_257 = vector.shape_cast %swap3A_256 : vector<1x16xf32> to vector<16xf32>
        %swap3A_258 = vector.shape_cast %broadcast_in_dim3A_3 : vector<16xf32> to vector<1x16xf32>
        tpu.vector_store %arg5[%swap3A_254, %swap3A_255], %swap3A_258 {strides = array<i32>} : memref<128x128xf32, #tpu.memory_space<vmem>>, vector<1x16xf32>,
        %swap3A_259 = arith.index_cast %scan3A_243 : i32 to index
        %swap3A_260 = arith.constant 48 : index
        %swap3A_261 = tpu.vector_load %arg5[%swap3A_259, %swap3A_260] {strides = array<i32>} : memref<128x128xf32, #tpu.memory_space<vmem>>, vector<1x16xf32>,
        %swap3A_262 = vector.shape_cast %swap3A_261 : vector<1x16xf32> to vector<16xf32>
        %swap3A_263 = vector.shape_cast %broadcast_in_dim3A_3 : vector<16xf32> to vector<1x16xf32>
        tpu.vector_store %arg5[%swap3A_259, %swap3A_260], %swap3A_263 {strides = array<i32>} : memref<128x128xf32, #tpu.memory_space<vmem>>, vector<1x16xf32>,
        %swap3A_264 = arith.index_cast %scan3A_243 : i32 to index
        %swap3A_265 = arith.constant 64 : index
        %swap3A_266 = tpu.vector_load %arg5[%swap3A_264, %swap3A_265] {strides = array<i32>} : memref<128x128xf32, #tpu.memory_space<vmem>>, vector<1x16xf32>,
        %swap3A_267 = vector.shape_cast %swap3A_266 : vector<1x16xf32> to vector<16xf32>
        %swap3A_268 = vector.shape_cast %broadcast_in_dim3A_3 : vector<16xf32> to vector<1x16xf32>
        tpu.vector_store %arg5[%swap3A_264, %swap3A_265], %swap3A_268 {strides = array<i32>} : memref<128x128xf32, #tpu.memory_space<vmem>>, vector<1x16xf32>,
        %swap3A_269 = arith.index_cast %scan3A_243 : i32 to index
        %swap3A_270 = arith.constant 80 : index
        %swap3A_271 = tpu.vector_load %arg5[%swap3A_269, %swap3A_270] {strides = array<i32>} : memref<128x128xf32, #tpu.memory_space<vmem>>, vector<1x16xf32>,
        %swap3A_272 = vector.shape_cast %swap3A_271 : vector<1x16xf32> to vector<16xf32>
        %swap3A_273 = vector.shape_cast %broadcast_in_dim3A_3 : vector<16xf32> to vector<1x16xf32>
        tpu.vector_store %arg5[%swap3A_269, %swap3A_270], %swap3A_273 {strides = array<i32>} : memref<128x128xf32, #tpu.memory_space<vmem>>, vector<1x16xf32>,
        %swap3A_274 = arith.index_cast %scan3A_243 : i32 to index
        %swap3A_275 = arith.constant 96 : index
        %swap3A_276 = tpu.vector_load %arg5[%swap3A_274, %swap3A_275] {strides = array<i32>} : memref<128x128xf32, #tpu.memory_space<vmem>>, vector<1x16xf32>,
        %swap3A_277 = vector.shape_cast %swap3A_276 : vector<1x16xf32> to vector<16xf32>
        %swap3A_278 = vector.shape_cast %broadcast_in_dim3A_3 : vector<16xf32> to vector<1x16xf32>
        tpu.vector_store %arg5[%swap3A_274, %swap3A_275], %swap3A_278 {strides = array<i32>} : memref<128x128xf32, #tpu.memory_space<vmem>>, vector<1x16xf32>,
        %swap3A_279 = arith.index_cast %scan3A_243 : i32 to index
        %swap3A_280 = arith.constant 112 : index
        %swap3A_281 = tpu.vector_load %arg5[%swap3A_279, %swap3A_280] {strides = array<i32>} : memref<128x128xf32, #tpu.memory_space<vmem>>, vector<1x16xf32>,
        %swap3A_282 = vector.shape_cast %swap3A_281 : vector<1x16xf32> to vector<16xf32>
        %swap3A_283 = vector.shape_cast %broadcast_in_dim3A_3 : vector<16xf32> to vector<1x16xf32>
        tpu.vector_store %arg5[%swap3A_279, %swap3A_280], %swap3A_283 {strides = array<i32>} : memref<128x128xf32, #tpu.memory_space<vmem>>, vector<1x16xf32>,
      }
      %scan3A_201 = arith.constant 128 : i32
    } else {
    }
    %dma_start3A_95 = arith.constant 0 : i32
    %dma_start3A_96 = arith.constant 0 : i32
    %dma_start3A_97 = tpu.memref_slice %arg3[%add3A_73, %dma_start3A_95, %dma_start3A_96] : memref<128x128x128xf32, #tpu.memory_space<hbm>> -> memref<1x128x128xf32, #tpu.memory_space<hbm>>
    %dma_start3A_98 = tpu.memref_squeeze %dma_start3A_97 : memref<1x128x128xf32, #tpu.memory_space<hbm>> -> memref<128x128xf32, #tpu.memory_space<hbm>>
    %dma_start3A_99 = arith.constant 0 : i32
    %dma_start3A_100 = arith.constant 0 : i32
    %dma_start3A_101 = tpu.memref_slice %arg3[%add3A_73, %dma_start3A_99, %dma_start3A_100] : memref<128x128x128xf32, #tpu.memory_space<hbm>> -> memref<1x128x128xf32, #tpu.memory_space<hbm>>
    %dma_start3A_102 = tpu.memref_squeeze %dma_start3A_101 : memref<1x128x128xf32, #tpu.memory_space<hbm>> -> memref<128x128xf32, #tpu.memory_space<hbm>>
    tpu.enqueue_dma source(%arg5 : memref<128x128xf32, #tpu.memory_space<vmem>>) target(%dma_start3A_102 : memref<128x128xf32, #tpu.memory_space<hbm>>) target_semaphore(%arg13 : memref<!tpu.dma_semaphore, #tpu.memory_space<semaphore_mem>>)
    %add3A_103 = arith.constant 2 : i32
    %add3A_104 = arith.addi %mul3A_2, %add3A_103 : i32
    %dma_wait3A_105 = arith.constant 0 : i32
    %dma_wait3A_106 = arith.constant 0 : i32
    %dma_wait3A_107 = tpu.memref_slice %arg2[%add3A_29, %dma_wait3A_105, %dma_wait3A_106] : memref<128x128x128xf32, #tpu.memory_space<hbm>> -> memref<1x128x128xf32, #tpu.memory_space<hbm>>
    %dma_wait3A_108 = tpu.memref_squeeze %dma_wait3A_107 : memref<1x128x128xf32, #tpu.memory_space<hbm>> -> memref<128x128xf32, #tpu.memory_space<hbm>>
    %dma_wait3A_109 = arith.constant 0 : i32
    %dma_wait3A_110 = arith.constant 0 : i32
    %dma_wait3A_111 = tpu.memref_slice %arg2[%add3A_29, %dma_wait3A_109, %dma_wait3A_110] : memref<128x128x128xf32, #tpu.memory_space<hbm>> -> memref<1x128x128xf32, #tpu.memory_space<hbm>>
    %dma_wait3A_112 = tpu.memref_squeeze %dma_wait3A_111 : memref<1x128x128xf32, #tpu.memory_space<hbm>> -> memref<128x128xf32, #tpu.memory_space<hbm>>
    tpu.wait_dma2 semaphore(%arg10 : memref<!tpu.dma_semaphore, #tpu.memory_space<semaphore_mem>>) src(%dma_wait3A_112 : memref<128x128xf32, #tpu.memory_space<hbm>>) dst(%arg6 : memref<128x128xf32, #tpu.memory_space<vmem>>)
    %ge3A_113 = arith.constant 1 : i32
    %ge3A_114 = arith.cmpi sge, %add3A_104, %ge3A_113 : i32
    %le3A_115 = arith.constant 126 : i32
    %le3A_116 = arith.cmpi sle, %add3A_104, %le3A_115 : i32
    %and3A_117 = arith.andi %ge3A_114, %le3A_116 : i1
    %convert_element_type3A_118 = arith.extui %and3A_117 : i1 to i32
    %cond3A_119 = arith.constant 0 : i32
    %cond3A_120 = arith.cmpi ne, %convert_element_type3A_118, %cond3A_119 : i32
    scf.if %cond3A_120 {
      %swap3A = arith.constant 0 : i32
      %swap3A_197 = arith.index_cast %swap3A : i32 to index
      %swap3A_198 = arith.constant 0 : index
      %swap3A_199 = tpu.vector_load %arg6[%swap3A_197, %swap3A_198] {strides = array<i32>} : memref<128x128xf32, #tpu.memory_space<vmem>>, vector<1x16xf32>,
      %swap3A_200 = vector.shape_cast %swap3A_199 : vector<1x16xf32> to vector<16xf32>
      %swap3A_201 = vector.shape_cast %broadcast_in_dim3A_3 : vector<16xf32> to vector<1x16xf32>
      tpu.vector_store %arg6[%swap3A_197, %swap3A_198], %swap3A_201 {strides = array<i32>} : memref<128x128xf32, #tpu.memory_space<vmem>>, vector<1x16xf32>,
      %swap3A_202 = arith.constant 127 : i32
      %swap3A_203 = arith.index_cast %swap3A_202 : i32 to index
      %swap3A_204 = arith.constant 0 : index
      %swap3A_205 = tpu.vector_load %arg6[%swap3A_203, %swap3A_204] {strides = array<i32>} : memref<128x128xf32, #tpu.memory_space<vmem>>, vector<1x16xf32>,
      %swap3A_206 = vector.shape_cast %swap3A_205 : vector<1x16xf32> to vector<16xf32>
      %swap3A_207 = vector.shape_cast %broadcast_in_dim3A_3 : vector<16xf32> to vector<1x16xf32>
      tpu.vector_store %arg6[%swap3A_203, %swap3A_204], %swap3A_207 {strides = array<i32>} : memref<128x128xf32, #tpu.memory_space<vmem>>, vector<1x16xf32>,
      %swap3A_208 = arith.constant 0 : i32
      %swap3A_209 = arith.index_cast %swap3A_208 : i32 to index
      %swap3A_210 = arith.constant 16 : index
      %swap3A_211 = tpu.vector_load %arg6[%swap3A_209, %swap3A_210] {strides = array<i32>} : memref<128x128xf32, #tpu.memory_space<vmem>>, vector<1x16xf32>,
      %swap3A_212 = vector.shape_cast %swap3A_211 : vector<1x16xf32> to vector<16xf32>
      %swap3A_213 = vector.shape_cast %broadcast_in_dim3A_3 : vector<16xf32> to vector<1x16xf32>
      tpu.vector_store %arg6[%swap3A_209, %swap3A_210], %swap3A_213 {strides = array<i32>} : memref<128x128xf32, #tpu.memory_space<vmem>>, vector<1x16xf32>,
      %swap3A_214 = arith.constant 127 : i32
      %swap3A_215 = arith.index_cast %swap3A_214 : i32 to index
      %swap3A_216 = arith.constant 16 : index
      %swap3A_217 = tpu.vector_load %arg6[%swap3A_215, %swap3A_216] {strides = array<i32>} : memref<128x128xf32, #tpu.memory_space<vmem>>, vector<1x16xf32>,
      %swap3A_218 = vector.shape_cast %swap3A_217 : vector<1x16xf32> to vector<16xf32>
      %swap3A_219 = vector.shape_cast %broadcast_in_dim3A_3 : vector<16xf32> to vector<1x16xf32>
      tpu.vector_store %arg6[%swap3A_215, %swap3A_216], %swap3A_219 {strides = array<i32>} : memref<128x128xf32, #tpu.memory_space<vmem>>, vector<1x16xf32>,
      %swap3A_220 = arith.constant 0 : i32
      %swap3A_221 = arith.index_cast %swap3A_220 : i32 to index
      %swap3A_222 = arith.constant 32 : index
      %swap3A_223 = tpu.vector_load %arg6[%swap3A_221, %swap3A_222] {strides = array<i32>} : memref<128x128xf32, #tpu.memory_space<vmem>>, vector<1x16xf32>,
      %swap3A_224 = vector.shape_cast %swap3A_223 : vector<1x16xf32> to vector<16xf32>
      %swap3A_225 = vector.shape_cast %broadcast_in_dim3A_3 : vector<16xf32> to vector<1x16xf32>
      tpu.vector_store %arg6[%swap3A_221, %swap3A_222], %swap3A_225 {strides = array<i32>} : memref<128x128xf32, #tpu.memory_space<vmem>>, vector<1x16xf32>,
      %swap3A_226 = arith.constant 127 : i32
      %swap3A_227 = arith.index_cast %swap3A_226 : i32 to index
      %swap3A_228 = arith.constant 32 : index
      %swap3A_229 = tpu.vector_load %arg6[%swap3A_227, %swap3A_228] {strides = array<i32>} : memref<128x128xf32, #tpu.memory_space<vmem>>, vector<1x16xf32>,
      %swap3A_230 = vector.shape_cast %swap3A_229 : vector<1x16xf32> to vector<16xf32>
      %swap3A_231 = vector.shape_cast %broadcast_in_dim3A_3 : vector<16xf32> to vector<1x16xf32>
      tpu.vector_store %arg6[%swap3A_227, %swap3A_228], %swap3A_231 {strides = array<i32>} : memref<128x128xf32, #tpu.memory_space<vmem>>, vector<1x16xf32>,
      %swap3A_232 = arith.constant 0 : i32
      %swap3A_233 = arith.index_cast %swap3A_232 : i32 to index
      %swap3A_234 = arith.constant 48 : index
      %swap3A_235 = tpu.vector_load %arg6[%swap3A_233, %swap3A_234] {strides = array<i32>} : memref<128x128xf32, #tpu.memory_space<vmem>>, vector<1x16xf32>,
      %swap3A_236 = vector.shape_cast %swap3A_235 : vector<1x16xf32> to vector<16xf32>
      %swap3A_237 = vector.shape_cast %broadcast_in_dim3A_3 : vector<16xf32> to vector<1x16xf32>
      tpu.vector_store %arg6[%swap3A_233, %swap3A_234], %swap3A_237 {strides = array<i32>} : memref<128x128xf32, #tpu.memory_space<vmem>>, vector<1x16xf32>,
      %swap3A_238 = arith.constant 127 : i32
      %swap3A_239 = arith.index_cast %swap3A_238 : i32 to index
      %swap3A_240 = arith.constant 48 : index
      %swap3A_241 = tpu.vector_load %arg6[%swap3A_239, %swap3A_240] {strides = array<i32>} : memref<128x128xf32, #tpu.memory_space<vmem>>, vector<1x16xf32>,
      %swap3A_242 = vector.shape_cast %swap3A_241 : vector<1x16xf32> to vector<16xf32>
      %swap3A_243 = vector.shape_cast %broadcast_in_dim3A_3 : vector<16xf32> to vector<1x16xf32>
      tpu.vector_store %arg6[%swap3A_239, %swap3A_240], %swap3A_243 {strides = array<i32>} : memref<128x128xf32, #tpu.memory_space<vmem>>, vector<1x16xf32>,
      %swap3A_244 = arith.constant 0 : i32
      %swap3A_245 = arith.index_cast %swap3A_244 : i32 to index
      %swap3A_246 = arith.constant 64 : index
      %swap3A_247 = tpu.vector_load %arg6[%swap3A_245, %swap3A_246] {strides = array<i32>} : memref<128x128xf32, #tpu.memory_space<vmem>>, vector<1x16xf32>,
      %swap3A_248 = vector.shape_cast %swap3A_247 : vector<1x16xf32> to vector<16xf32>
      %swap3A_249 = vector.shape_cast %broadcast_in_dim3A_3 : vector<16xf32> to vector<1x16xf32>
      tpu.vector_store %arg6[%swap3A_245, %swap3A_246], %swap3A_249 {strides = array<i32>} : memref<128x128xf32, #tpu.memory_space<vmem>>, vector<1x16xf32>,
      %swap3A_250 = arith.constant 127 : i32
      %swap3A_251 = arith.index_cast %swap3A_250 : i32 to index
      %swap3A_252 = arith.constant 64 : index
      %swap3A_253 = tpu.vector_load %arg6[%swap3A_251, %swap3A_252] {strides = array<i32>} : memref<128x128xf32, #tpu.memory_space<vmem>>, vector<1x16xf32>,
      %swap3A_254 = vector.shape_cast %swap3A_253 : vector<1x16xf32> to vector<16xf32>
      %swap3A_255 = vector.shape_cast %broadcast_in_dim3A_3 : vector<16xf32> to vector<1x16xf32>
      tpu.vector_store %arg6[%swap3A_251, %swap3A_252], %swap3A_255 {strides = array<i32>} : memref<128x128xf32, #tpu.memory_space<vmem>>, vector<1x16xf32>,
      %swap3A_256 = arith.constant 0 : i32
      %swap3A_257 = arith.index_cast %swap3A_256 : i32 to index
      %swap3A_258 = arith.constant 80 : index
      %swap3A_259 = tpu.vector_load %arg6[%swap3A_257, %swap3A_258] {strides = array<i32>} : memref<128x128xf32, #tpu.memory_space<vmem>>, vector<1x16xf32>,
      %swap3A_260 = vector.shape_cast %swap3A_259 : vector<1x16xf32> to vector<16xf32>
      %swap3A_261 = vector.shape_cast %broadcast_in_dim3A_3 : vector<16xf32> to vector<1x16xf32>
      tpu.vector_store %arg6[%swap3A_257, %swap3A_258], %swap3A_261 {strides = array<i32>} : memref<128x128xf32, #tpu.memory_space<vmem>>, vector<1x16xf32>,
      %swap3A_262 = arith.constant 127 : i32
      %swap3A_263 = arith.index_cast %swap3A_262 : i32 to index
      %swap3A_264 = arith.constant 80 : index
      %swap3A_265 = tpu.vector_load %arg6[%swap3A_263, %swap3A_264] {strides = array<i32>} : memref<128x128xf32, #tpu.memory_space<vmem>>, vector<1x16xf32>,
      %swap3A_266 = vector.shape_cast %swap3A_265 : vector<1x16xf32> to vector<16xf32>
      %swap3A_267 = vector.shape_cast %broadcast_in_dim3A_3 : vector<16xf32> to vector<1x16xf32>
      tpu.vector_store %arg6[%swap3A_263, %swap3A_264], %swap3A_267 {strides = array<i32>} : memref<128x128xf32, #tpu.memory_space<vmem>>, vector<1x16xf32>,
      %swap3A_268 = arith.constant 0 : i32
      %swap3A_269 = arith.index_cast %swap3A_268 : i32 to index
      %swap3A_270 = arith.constant 96 : index
      %swap3A_271 = tpu.vector_load %arg6[%swap3A_269, %swap3A_270] {strides = array<i32>} : memref<128x128xf32, #tpu.memory_space<vmem>>, vector<1x16xf32>,
      %swap3A_272 = vector.shape_cast %swap3A_271 : vector<1x16xf32> to vector<16xf32>
      %swap3A_273 = vector.shape_cast %broadcast_in_dim3A_3 : vector<16xf32> to vector<1x16xf32>
      tpu.vector_store %arg6[%swap3A_269, %swap3A_270], %swap3A_273 {strides = array<i32>} : memref<128x128xf32, #tpu.memory_space<vmem>>, vector<1x16xf32>,
      %swap3A_274 = arith.constant 127 : i32
      %swap3A_275 = arith.index_cast %swap3A_274 : i32 to index
      %swap3A_276 = arith.constant 96 : index
      %swap3A_277 = tpu.vector_load %arg6[%swap3A_275, %swap3A_276] {strides = array<i32>} : memref<128x128xf32, #tpu.memory_space<vmem>>, vector<1x16xf32>,
      %swap3A_278 = vector.shape_cast %swap3A_277 : vector<1x16xf32> to vector<16xf32>
      %swap3A_279 = vector.shape_cast %broadcast_in_dim3A_3 : vector<16xf32> to vector<1x16xf32>
      tpu.vector_store %arg6[%swap3A_275, %swap3A_276], %swap3A_279 {strides = array<i32>} : memref<128x128xf32, #tpu.memory_space<vmem>>, vector<1x16xf32>,
      %swap3A_280 = arith.constant 0 : i32
      %swap3A_281 = arith.index_cast %swap3A_280 : i32 to index
      %swap3A_282 = arith.constant 112 : index
      %swap3A_283 = tpu.vector_load %arg6[%swap3A_281, %swap3A_282] {strides = array<i32>} : memref<128x128xf32, #tpu.memory_space<vmem>>, vector<1x16xf32>,
      %swap3A_284 = vector.shape_cast %swap3A_283 : vector<1x16xf32> to vector<16xf32>
      %swap3A_285 = vector.shape_cast %broadcast_in_dim3A_3 : vector<16xf32> to vector<1x16xf32>
      tpu.vector_store %arg6[%swap3A_281, %swap3A_282], %swap3A_285 {strides = array<i32>} : memref<128x128xf32, #tpu.memory_space<vmem>>, vector<1x16xf32>,
      %swap3A_286 = arith.constant 127 : i32
      %swap3A_287 = arith.index_cast %swap3A_286 : i32 to index
      %swap3A_288 = arith.constant 112 : index
      %swap3A_289 = tpu.vector_load %arg6[%swap3A_287, %swap3A_288] {strides = array<i32>} : memref<128x128xf32, #tpu.memory_space<vmem>>, vector<1x16xf32>,
      %swap3A_290 = vector.shape_cast %swap3A_289 : vector<1x16xf32> to vector<16xf32>
      %swap3A_291 = vector.shape_cast %broadcast_in_dim3A_3 : vector<16xf32> to vector<1x16xf32>
      tpu.vector_store %arg6[%swap3A_287, %swap3A_288], %swap3A_291 {strides = array<i32>} : memref<128x128xf32, #tpu.memory_space<vmem>>, vector<1x16xf32>,
      %scan3A = arith.constant 0 : i32
      %scan3A_292 = arith.constant 1 : i32
      %scan3A_293 = arith.constant 120 : i32
      %scan3A_294 = arith.addi %scan3A_292, %scan3A_293 : i32
      %scan3A_295 = arith.constant 8 : i32
      scf.for %scan3A_427 = %scan3A_292 to %scan3A_294 step %scan3A_295  : i32 {
        %get3A_428 = arith.index_cast %scan3A_427 : i32 to index
        %get3A_429 = arith.constant 0 : index
        %get3A_430 = tpu.vector_load %arg6[%get3A_428, %get3A_429] {strides = array<i32>} : memref<128x128xf32, #tpu.memory_space<vmem>>, vector<1x16xf32>,
        %get3A_431 = vector.shape_cast %get3A_430 : vector<1x16xf32> to vector<16xf32>
        %select_n3A_432 = arith.select %eq3A_5, %broadcast_in_dim3A_3, %get3A_431 : vector<16xi1>, vector<16xf32>
        %swap3A_433 = arith.index_cast %scan3A_427 : i32 to index
        %swap3A_434 = arith.constant 0 : index
        %swap3A_435 = tpu.vector_load %arg6[%swap3A_433, %swap3A_434] {strides = array<i32>} : memref<128x128xf32, #tpu.memory_space<vmem>>, vector<1x16xf32>,
        %swap3A_436 = vector.shape_cast %swap3A_435 : vector<1x16xf32> to vector<16xf32>
        %swap3A_437 = vector.shape_cast %select_n3A_432 : vector<16xf32> to vector<1x16xf32>
        tpu.vector_store %arg6[%swap3A_433, %swap3A_434], %swap3A_437 {strides = array<i32>} : memref<128x128xf32, #tpu.memory_space<vmem>>, vector<1x16xf32>,
        %get3A_438 = arith.index_cast %scan3A_427 : i32 to index
        %get3A_439 = arith.constant 112 : index
        %get3A_440 = tpu.vector_load %arg6[%get3A_438, %get3A_439] {strides = array<i32>} : memref<128x128xf32, #tpu.memory_space<vmem>>, vector<1x16xf32>,
        %get3A_441 = vector.shape_cast %get3A_440 : vector<1x16xf32> to vector<16xf32>
        %select_n3A_442 = arith.select %eq3A_8, %broadcast_in_dim3A_3, %get3A_441 : vector<16xi1>, vector<16xf32>
        %swap3A_443 = arith.index_cast %scan3A_427 : i32 to index
        %swap3A_444 = arith.constant 112 : index
        %swap3A_445 = tpu.vector_load %arg6[%swap3A_443, %swap3A_444] {strides = array<i32>} : memref<128x128xf32, #tpu.memory_space<vmem>>, vector<1x16xf32>,
        %swap3A_446 = vector.shape_cast %swap3A_445 : vector<1x16xf32> to vector<16xf32>
        %swap3A_447 = vector.shape_cast %select_n3A_442 : vector<16xf32> to vector<1x16xf32>
        tpu.vector_store %arg6[%swap3A_443, %swap3A_444], %swap3A_447 {strides = array<i32>} : memref<128x128xf32, #tpu.memory_space<vmem>>, vector<1x16xf32>,
        %scan3A_448 = arith.constant 1 : i32
        %scan3A_449 = arith.addi %scan3A_427, %scan3A_448 : i32
        %get3A_450 = arith.index_cast %scan3A_449 : i32 to index
        %get3A_451 = arith.constant 0 : index
        %get3A_452 = tpu.vector_load %arg6[%get3A_450, %get3A_451] {strides = array<i32>} : memref<128x128xf32, #tpu.memory_space<vmem>>, vector<1x16xf32>,
        %get3A_453 = vector.shape_cast %get3A_452 : vector<1x16xf32> to vector<16xf32>
        %select_n3A_454 = arith.select %eq3A_5, %broadcast_in_dim3A_3, %get3A_453 : vector<16xi1>, vector<16xf32>
        %swap3A_455 = arith.index_cast %scan3A_449 : i32 to index
        %swap3A_456 = arith.constant 0 : index
        %swap3A_457 = tpu.vector_load %arg6[%swap3A_455, %swap3A_456] {strides = array<i32>} : memref<128x128xf32, #tpu.memory_space<vmem>>, vector<1x16xf32>,
        %swap3A_458 = vector.shape_cast %swap3A_457 : vector<1x16xf32> to vector<16xf32>
        %swap3A_459 = vector.shape_cast %select_n3A_454 : vector<16xf32> to vector<1x16xf32>
        tpu.vector_store %arg6[%swap3A_455, %swap3A_456], %swap3A_459 {strides = array<i32>} : memref<128x128xf32, #tpu.memory_space<vmem>>, vector<1x16xf32>,
        %get3A_460 = arith.index_cast %scan3A_449 : i32 to index
        %get3A_461 = arith.constant 112 : index
        %get3A_462 = tpu.vector_load %arg6[%get3A_460, %get3A_461] {strides = array<i32>} : memref<128x128xf32, #tpu.memory_space<vmem>>, vector<1x16xf32>,
        %get3A_463 = vector.shape_cast %get3A_462 : vector<1x16xf32> to vector<16xf32>
        %select_n3A_464 = arith.select %eq3A_8, %broadcast_in_dim3A_3, %get3A_463 : vector<16xi1>, vector<16xf32>
        %swap3A_465 = arith.index_cast %scan3A_449 : i32 to index
        %swap3A_466 = arith.constant 112 : index
        %swap3A_467 = tpu.vector_load %arg6[%swap3A_465, %swap3A_466] {strides = array<i32>} : memref<128x128xf32, #tpu.memory_space<vmem>>, vector<1x16xf32>,
        %swap3A_468 = vector.shape_cast %swap3A_467 : vector<1x16xf32> to vector<16xf32>
        %swap3A_469 = vector.shape_cast %select_n3A_464 : vector<16xf32> to vector<1x16xf32>
        tpu.vector_store %arg6[%swap3A_465, %swap3A_466], %swap3A_469 {strides = array<i32>} : memref<128x128xf32, #tpu.memory_space<vmem>>, vector<1x16xf32>,
        %scan3A_470 = arith.constant 2 : i32
        %scan3A_471 = arith.addi %scan3A_427, %scan3A_470 : i32
        %get3A_472 = arith.index_cast %scan3A_471 : i32 to index
        %get3A_473 = arith.constant 0 : index
        %get3A_474 = tpu.vector_load %arg6[%get3A_472, %get3A_473] {strides = array<i32>} : memref<128x128xf32, #tpu.memory_space<vmem>>, vector<1x16xf32>,
        %get3A_475 = vector.shape_cast %get3A_474 : vector<1x16xf32> to vector<16xf32>
        %select_n3A_476 = arith.select %eq3A_5, %broadcast_in_dim3A_3, %get3A_475 : vector<16xi1>, vector<16xf32>
        %swap3A_477 = arith.index_cast %scan3A_471 : i32 to index
        %swap3A_478 = arith.constant 0 : index
        %swap3A_479 = tpu.vector_load %arg6[%swap3A_477, %swap3A_478] {strides = array<i32>} : memref<128x128xf32, #tpu.memory_space<vmem>>, vector<1x16xf32>,
        %swap3A_480 = vector.shape_cast %swap3A_479 : vector<1x16xf32> to vector<16xf32>
        %swap3A_481 = vector.shape_cast %select_n3A_476 : vector<16xf32> to vector<1x16xf32>
        tpu.vector_store %arg6[%swap3A_477, %swap3A_478], %swap3A_481 {strides = array<i32>} : memref<128x128xf32, #tpu.memory_space<vmem>>, vector<1x16xf32>,
        %get3A_482 = arith.index_cast %scan3A_471 : i32 to index
        %get3A_483 = arith.constant 112 : index
        %get3A_484 = tpu.vector_load %arg6[%get3A_482, %get3A_483] {strides = array<i32>} : memref<128x128xf32, #tpu.memory_space<vmem>>, vector<1x16xf32>,
        %get3A_485 = vector.shape_cast %get3A_484 : vector<1x16xf32> to vector<16xf32>
        %select_n3A_486 = arith.select %eq3A_8, %broadcast_in_dim3A_3, %get3A_485 : vector<16xi1>, vector<16xf32>
        %swap3A_487 = arith.index_cast %scan3A_471 : i32 to index
        %swap3A_488 = arith.constant 112 : index
        %swap3A_489 = tpu.vector_load %arg6[%swap3A_487, %swap3A_488] {strides = array<i32>} : memref<128x128xf32, #tpu.memory_space<vmem>>, vector<1x16xf32>,
        %swap3A_490 = vector.shape_cast %swap3A_489 : vector<1x16xf32> to vector<16xf32>
        %swap3A_491 = vector.shape_cast %select_n3A_486 : vector<16xf32> to vector<1x16xf32>
        tpu.vector_store %arg6[%swap3A_487, %swap3A_488], %swap3A_491 {strides = array<i32>} : memref<128x128xf32, #tpu.memory_space<vmem>>, vector<1x16xf32>,
        %scan3A_492 = arith.constant 3 : i32
        %scan3A_493 = arith.addi %scan3A_427, %scan3A_492 : i32
        %get3A_494 = arith.index_cast %scan3A_493 : i32 to index
        %get3A_495 = arith.constant 0 : index
        %get3A_496 = tpu.vector_load %arg6[%get3A_494, %get3A_495] {strides = array<i32>} : memref<128x128xf32, #tpu.memory_space<vmem>>, vector<1x16xf32>,
        %get3A_497 = vector.shape_cast %get3A_496 : vector<1x16xf32> to vector<16xf32>
        %select_n3A_498 = arith.select %eq3A_5, %broadcast_in_dim3A_3, %get3A_497 : vector<16xi1>, vector<16xf32>
        %swap3A_499 = arith.index_cast %scan3A_493 : i32 to index
        %swap3A_500 = arith.constant 0 : index
        %swap3A_501 = tpu.vector_load %arg6[%swap3A_499, %swap3A_500] {strides = array<i32>} : memref<128x128xf32, #tpu.memory_space<vmem>>, vector<1x16xf32>,
        %swap3A_502 = vector.shape_cast %swap3A_501 : vector<1x16xf32> to vector<16xf32>
        %swap3A_503 = vector.shape_cast %select_n3A_498 : vector<16xf32> to vector<1x16xf32>
        tpu.vector_store %arg6[%swap3A_499, %swap3A_500], %swap3A_503 {strides = array<i32>} : memref<128x128xf32, #tpu.memory_space<vmem>>, vector<1x16xf32>,
        %get3A_504 = arith.index_cast %scan3A_493 : i32 to index
        %get3A_505 = arith.constant 112 : index
        %get3A_506 = tpu.vector_load %arg6[%get3A_504, %get3A_505] {strides = array<i32>} : memref<128x128xf32, #tpu.memory_space<vmem>>, vector<1x16xf32>,
        %get3A_507 = vector.shape_cast %get3A_506 : vector<1x16xf32> to vector<16xf32>
        %select_n3A_508 = arith.select %eq3A_8, %broadcast_in_dim3A_3, %get3A_507 : vector<16xi1>, vector<16xf32>
        %swap3A_509 = arith.index_cast %scan3A_493 : i32 to index
        %swap3A_510 = arith.constant 112 : index
        %swap3A_511 = tpu.vector_load %arg6[%swap3A_509, %swap3A_510] {strides = array<i32>} : memref<128x128xf32, #tpu.memory_space<vmem>>, vector<1x16xf32>,
        %swap3A_512 = vector.shape_cast %swap3A_511 : vector<1x16xf32> to vector<16xf32>
        %swap3A_513 = vector.shape_cast %select_n3A_508 : vector<16xf32> to vector<1x16xf32>
        tpu.vector_store %arg6[%swap3A_509, %swap3A_510], %swap3A_513 {strides = array<i32>} : memref<128x128xf32, #tpu.memory_space<vmem>>, vector<1x16xf32>,
        %scan3A_514 = arith.constant 4 : i32
        %scan3A_515 = arith.addi %scan3A_427, %scan3A_514 : i32
        %get3A_516 = arith.index_cast %scan3A_515 : i32 to index
        %get3A_517 = arith.constant 0 : index
        %get3A_518 = tpu.vector_load %arg6[%get3A_516, %get3A_517] {strides = array<i32>} : memref<128x128xf32, #tpu.memory_space<vmem>>, vector<1x16xf32>,
        %get3A_519 = vector.shape_cast %get3A_518 : vector<1x16xf32> to vector<16xf32>
        %select_n3A_520 = arith.select %eq3A_5, %broadcast_in_dim3A_3, %get3A_519 : vector<16xi1>, vector<16xf32>
        %swap3A_521 = arith.index_cast %scan3A_515 : i32 to index
        %swap3A_522 = arith.constant 0 : index
        %swap3A_523 = tpu.vector_load %arg6[%swap3A_521, %swap3A_522] {strides = array<i32>} : memref<128x128xf32, #tpu.memory_space<vmem>>, vector<1x16xf32>,
        %swap3A_524 = vector.shape_cast %swap3A_523 : vector<1x16xf32> to vector<16xf32>
        %swap3A_525 = vector.shape_cast %select_n3A_520 : vector<16xf32> to vector<1x16xf32>
        tpu.vector_store %arg6[%swap3A_521, %swap3A_522], %swap3A_525 {strides = array<i32>} : memref<128x128xf32, #tpu.memory_space<vmem>>, vector<1x16xf32>,
        %get3A_526 = arith.index_cast %scan3A_515 : i32 to index
        %get3A_527 = arith.constant 112 : index
        %get3A_528 = tpu.vector_load %arg6[%get3A_526, %get3A_527] {strides = array<i32>} : memref<128x128xf32, #tpu.memory_space<vmem>>, vector<1x16xf32>,
        %get3A_529 = vector.shape_cast %get3A_528 : vector<1x16xf32> to vector<16xf32>
        %select_n3A_530 = arith.select %eq3A_8, %broadcast_in_dim3A_3, %get3A_529 : vector<16xi1>, vector<16xf32>
        %swap3A_531 = arith.index_cast %scan3A_515 : i32 to index
        %swap3A_532 = arith.constant 112 : index
        %swap3A_533 = tpu.vector_load %arg6[%swap3A_531, %swap3A_532] {strides = array<i32>} : memref<128x128xf32, #tpu.memory_space<vmem>>, vector<1x16xf32>,
        %swap3A_534 = vector.shape_cast %swap3A_533 : vector<1x16xf32> to vector<16xf32>
        %swap3A_535 = vector.shape_cast %select_n3A_530 : vector<16xf32> to vector<1x16xf32>
        tpu.vector_store %arg6[%swap3A_531, %swap3A_532], %swap3A_535 {strides = array<i32>} : memref<128x128xf32, #tpu.memory_space<vmem>>, vector<1x16xf32>,
        %scan3A_536 = arith.constant 5 : i32
        %scan3A_537 = arith.addi %scan3A_427, %scan3A_536 : i32
        %get3A_538 = arith.index_cast %scan3A_537 : i32 to index
        %get3A_539 = arith.constant 0 : index
        %get3A_540 = tpu.vector_load %arg6[%get3A_538, %get3A_539] {strides = array<i32>} : memref<128x128xf32, #tpu.memory_space<vmem>>, vector<1x16xf32>,
        %get3A_541 = vector.shape_cast %get3A_540 : vector<1x16xf32> to vector<16xf32>
        %select_n3A_542 = arith.select %eq3A_5, %broadcast_in_dim3A_3, %get3A_541 : vector<16xi1>, vector<16xf32>
        %swap3A_543 = arith.index_cast %scan3A_537 : i32 to index
        %swap3A_544 = arith.constant 0 : index
        %swap3A_545 = tpu.vector_load %arg6[%swap3A_543, %swap3A_544] {strides = array<i32>} : memref<128x128xf32, #tpu.memory_space<vmem>>, vector<1x16xf32>,
        %swap3A_546 = vector.shape_cast %swap3A_545 : vector<1x16xf32> to vector<16xf32>
        %swap3A_547 = vector.shape_cast %select_n3A_542 : vector<16xf32> to vector<1x16xf32>
        tpu.vector_store %arg6[%swap3A_543, %swap3A_544], %swap3A_547 {strides = array<i32>} : memref<128x128xf32, #tpu.memory_space<vmem>>, vector<1x16xf32>,
        %get3A_548 = arith.index_cast %scan3A_537 : i32 to index
        %get3A_549 = arith.constant 112 : index
        %get3A_550 = tpu.vector_load %arg6[%get3A_548, %get3A_549] {strides = array<i32>} : memref<128x128xf32, #tpu.memory_space<vmem>>, vector<1x16xf32>,
        %get3A_551 = vector.shape_cast %get3A_550 : vector<1x16xf32> to vector<16xf32>
        %select_n3A_552 = arith.select %eq3A_8, %broadcast_in_dim3A_3, %get3A_551 : vector<16xi1>, vector<16xf32>
        %swap3A_553 = arith.index_cast %scan3A_537 : i32 to index
        %swap3A_554 = arith.constant 112 : index
        %swap3A_555 = tpu.vector_load %arg6[%swap3A_553, %swap3A_554] {strides = array<i32>} : memref<128x128xf32, #tpu.memory_space<vmem>>, vector<1x16xf32>,
        %swap3A_556 = vector.shape_cast %swap3A_555 : vector<1x16xf32> to vector<16xf32>
        %swap3A_557 = vector.shape_cast %select_n3A_552 : vector<16xf32> to vector<1x16xf32>
        tpu.vector_store %arg6[%swap3A_553, %swap3A_554], %swap3A_557 {strides = array<i32>} : memref<128x128xf32, #tpu.memory_space<vmem>>, vector<1x16xf32>,
        %scan3A_558 = arith.constant 6 : i32
        %scan3A_559 = arith.addi %scan3A_427, %scan3A_558 : i32
        %get3A_560 = arith.index_cast %scan3A_559 : i32 to index
        %get3A_561 = arith.constant 0 : index
        %get3A_562 = tpu.vector_load %arg6[%get3A_560, %get3A_561] {strides = array<i32>} : memref<128x128xf32, #tpu.memory_space<vmem>>, vector<1x16xf32>,
        %get3A_563 = vector.shape_cast %get3A_562 : vector<1x16xf32> to vector<16xf32>
        %select_n3A_564 = arith.select %eq3A_5, %broadcast_in_dim3A_3, %get3A_563 : vector<16xi1>, vector<16xf32>
        %swap3A_565 = arith.index_cast %scan3A_559 : i32 to index
        %swap3A_566 = arith.constant 0 : index
        %swap3A_567 = tpu.vector_load %arg6[%swap3A_565, %swap3A_566] {strides = array<i32>} : memref<128x128xf32, #tpu.memory_space<vmem>>, vector<1x16xf32>,
        %swap3A_568 = vector.shape_cast %swap3A_567 : vector<1x16xf32> to vector<16xf32>
        %swap3A_569 = vector.shape_cast %select_n3A_564 : vector<16xf32> to vector<1x16xf32>
        tpu.vector_store %arg6[%swap3A_565, %swap3A_566], %swap3A_569 {strides = array<i32>} : memref<128x128xf32, #tpu.memory_space<vmem>>, vector<1x16xf32>,
        %get3A_570 = arith.index_cast %scan3A_559 : i32 to index
        %get3A_571 = arith.constant 112 : index
        %get3A_572 = tpu.vector_load %arg6[%get3A_570, %get3A_571] {strides = array<i32>} : memref<128x128xf32, #tpu.memory_space<vmem>>, vector<1x16xf32>,
        %get3A_573 = vector.shape_cast %get3A_572 : vector<1x16xf32> to vector<16xf32>
        %select_n3A_574 = arith.select %eq3A_8, %broadcast_in_dim3A_3, %get3A_573 : vector<16xi1>, vector<16xf32>
        %swap3A_575 = arith.index_cast %scan3A_559 : i32 to index
        %swap3A_576 = arith.constant 112 : index
        %swap3A_577 = tpu.vector_load %arg6[%swap3A_575, %swap3A_576] {strides = array<i32>} : memref<128x128xf32, #tpu.memory_space<vmem>>, vector<1x16xf32>,
        %swap3A_578 = vector.shape_cast %swap3A_577 : vector<1x16xf32> to vector<16xf32>
        %swap3A_579 = vector.shape_cast %select_n3A_574 : vector<16xf32> to vector<1x16xf32>
        tpu.vector_store %arg6[%swap3A_575, %swap3A_576], %swap3A_579 {strides = array<i32>} : memref<128x128xf32, #tpu.memory_space<vmem>>, vector<1x16xf32>,
        %scan3A_580 = arith.constant 7 : i32
        %scan3A_581 = arith.addi %scan3A_427, %scan3A_580 : i32
        %get3A_582 = arith.index_cast %scan3A_581 : i32 to index
        %get3A_583 = arith.constant 0 : index
        %get3A_584 = tpu.vector_load %arg6[%get3A_582, %get3A_583] {strides = array<i32>} : memref<128x128xf32, #tpu.memory_space<vmem>>, vector<1x16xf32>,
        %get3A_585 = vector.shape_cast %get3A_584 : vector<1x16xf32> to vector<16xf32>
        %select_n3A_586 = arith.select %eq3A_5, %broadcast_in_dim3A_3, %get3A_585 : vector<16xi1>, vector<16xf32>
        %swap3A_587 = arith.index_cast %scan3A_581 : i32 to index
        %swap3A_588 = arith.constant 0 : index
        %swap3A_589 = tpu.vector_load %arg6[%swap3A_587, %swap3A_588] {strides = array<i32>} : memref<128x128xf32, #tpu.memory_space<vmem>>, vector<1x16xf32>,
        %swap3A_590 = vector.shape_cast %swap3A_589 : vector<1x16xf32> to vector<16xf32>
        %swap3A_591 = vector.shape_cast %select_n3A_586 : vector<16xf32> to vector<1x16xf32>
        tpu.vector_store %arg6[%swap3A_587, %swap3A_588], %swap3A_591 {strides = array<i32>} : memref<128x128xf32, #tpu.memory_space<vmem>>, vector<1x16xf32>,
        %get3A_592 = arith.index_cast %scan3A_581 : i32 to index
        %get3A_593 = arith.constant 112 : index
        %get3A_594 = tpu.vector_load %arg6[%get3A_592, %get3A_593] {strides = array<i32>} : memref<128x128xf32, #tpu.memory_space<vmem>>, vector<1x16xf32>,
        %get3A_595 = vector.shape_cast %get3A_594 : vector<1x16xf32> to vector<16xf32>
        %select_n3A_596 = arith.select %eq3A_8, %broadcast_in_dim3A_3, %get3A_595 : vector<16xi1>, vector<16xf32>
        %swap3A_597 = arith.index_cast %scan3A_581 : i32 to index
        %swap3A_598 = arith.constant 112 : index
        %swap3A_599 = tpu.vector_load %arg6[%swap3A_597, %swap3A_598] {strides = array<i32>} : memref<128x128xf32, #tpu.memory_space<vmem>>, vector<1x16xf32>,
        %swap3A_600 = vector.shape_cast %swap3A_599 : vector<1x16xf32> to vector<16xf32>
        %swap3A_601 = vector.shape_cast %select_n3A_596 : vector<16xf32> to vector<1x16xf32>
        tpu.vector_store %arg6[%swap3A_597, %swap3A_598], %swap3A_601 {strides = array<i32>} : memref<128x128xf32, #tpu.memory_space<vmem>>, vector<1x16xf32>,
      }
      %scan3A_296 = arith.constant 120 : i32
      %scan3A_297 = arith.addi %scan3A_292, %scan3A_296 : i32
      %get3A = arith.index_cast %scan3A_297 : i32 to index
      %get3A_298 = arith.constant 0 : index
      %get3A_299 = tpu.vector_load %arg6[%get3A, %get3A_298] {strides = array<i32>} : memref<128x128xf32, #tpu.memory_space<vmem>>, vector<1x16xf32>,
      %get3A_300 = vector.shape_cast %get3A_299 : vector<1x16xf32> to vector<16xf32>
      %select_n3A = arith.select %eq3A_5, %broadcast_in_dim3A_3, %get3A_300 : vector<16xi1>, vector<16xf32>
      %swap3A_301 = arith.index_cast %scan3A_297 : i32 to index
      %swap3A_302 = arith.constant 0 : index
      %swap3A_303 = tpu.vector_load %arg6[%swap3A_301, %swap3A_302] {strides = array<i32>} : memref<128x128xf32, #tpu.memory_space<vmem>>, vector<1x16xf32>,
      %swap3A_304 = vector.shape_cast %swap3A_303 : vector<1x16xf32> to vector<16xf32>
      %swap3A_305 = vector.shape_cast %select_n3A : vector<16xf32> to vector<1x16xf32>
      tpu.vector_store %arg6[%swap3A_301, %swap3A_302], %swap3A_305 {strides = array<i32>} : memref<128x128xf32, #tpu.memory_space<vmem>>, vector<1x16xf32>,
      %get3A_306 = arith.index_cast %scan3A_297 : i32 to index
      %get3A_307 = arith.constant 112 : index
      %get3A_308 = tpu.vector_load %arg6[%get3A_306, %get3A_307] {strides = array<i32>} : memref<128x128xf32, #tpu.memory_space<vmem>>, vector<1x16xf32>,
      %get3A_309 = vector.shape_cast %get3A_308 : vector<1x16xf32> to vector<16xf32>
      %select_n3A_310 = arith.select %eq3A_8, %broadcast_in_dim3A_3, %get3A_309 : vector<16xi1>, vector<16xf32>
      %swap3A_311 = arith.index_cast %scan3A_297 : i32 to index
      %swap3A_312 = arith.constant 112 : index
      %swap3A_313 = tpu.vector_load %arg6[%swap3A_311, %swap3A_312] {strides = array<i32>} : memref<128x128xf32, #tpu.memory_space<vmem>>, vector<1x16xf32>,
      %swap3A_314 = vector.shape_cast %swap3A_313 : vector<1x16xf32> to vector<16xf32>
      %swap3A_315 = vector.shape_cast %select_n3A_310 : vector<16xf32> to vector<1x16xf32>
      tpu.vector_store %arg6[%swap3A_311, %swap3A_312], %swap3A_315 {strides = array<i32>} : memref<128x128xf32, #tpu.memory_space<vmem>>, vector<1x16xf32>,
      %scan3A_316 = arith.constant 121 : i32
      %scan3A_317 = arith.addi %scan3A_292, %scan3A_316 : i32
      %get3A_318 = arith.index_cast %scan3A_317 : i32 to index
      %get3A_319 = arith.constant 0 : index
      %get3A_320 = tpu.vector_load %arg6[%get3A_318, %get3A_319] {strides = array<i32>} : memref<128x128xf32, #tpu.memory_space<vmem>>, vector<1x16xf32>,
      %get3A_321 = vector.shape_cast %get3A_320 : vector<1x16xf32> to vector<16xf32>
      %select_n3A_322 = arith.select %eq3A_5, %broadcast_in_dim3A_3, %get3A_321 : vector<16xi1>, vector<16xf32>
      %swap3A_323 = arith.index_cast %scan3A_317 : i32 to index
      %swap3A_324 = arith.constant 0 : index
      %swap3A_325 = tpu.vector_load %arg6[%swap3A_323, %swap3A_324] {strides = array<i32>} : memref<128x128xf32, #tpu.memory_space<vmem>>, vector<1x16xf32>,
      %swap3A_326 = vector.shape_cast %swap3A_325 : vector<1x16xf32> to vector<16xf32>
      %swap3A_327 = vector.shape_cast %select_n3A_322 : vector<16xf32> to vector<1x16xf32>
      tpu.vector_store %arg6[%swap3A_323, %swap3A_324], %swap3A_327 {strides = array<i32>} : memref<128x128xf32, #tpu.memory_space<vmem>>, vector<1x16xf32>,
      %get3A_328 = arith.index_cast %scan3A_317 : i32 to index
      %get3A_329 = arith.constant 112 : index
      %get3A_330 = tpu.vector_load %arg6[%get3A_328, %get3A_329] {strides = array<i32>} : memref<128x128xf32, #tpu.memory_space<vmem>>, vector<1x16xf32>,
      %get3A_331 = vector.shape_cast %get3A_330 : vector<1x16xf32> to vector<16xf32>
      %select_n3A_332 = arith.select %eq3A_8, %broadcast_in_dim3A_3, %get3A_331 : vector<16xi1>, vector<16xf32>
      %swap3A_333 = arith.index_cast %scan3A_317 : i32 to index
      %swap3A_334 = arith.constant 112 : index
      %swap3A_335 = tpu.vector_load %arg6[%swap3A_333, %swap3A_334] {strides = array<i32>} : memref<128x128xf32, #tpu.memory_space<vmem>>, vector<1x16xf32>,
      %swap3A_336 = vector.shape_cast %swap3A_335 : vector<1x16xf32> to vector<16xf32>
      %swap3A_337 = vector.shape_cast %select_n3A_332 : vector<16xf32> to vector<1x16xf32>
      tpu.vector_store %arg6[%swap3A_333, %swap3A_334], %swap3A_337 {strides = array<i32>} : memref<128x128xf32, #tpu.memory_space<vmem>>, vector<1x16xf32>,
      %scan3A_338 = arith.constant 122 : i32
      %scan3A_339 = arith.addi %scan3A_292, %scan3A_338 : i32
      %get3A_340 = arith.index_cast %scan3A_339 : i32 to index
      %get3A_341 = arith.constant 0 : index
      %get3A_342 = tpu.vector_load %arg6[%get3A_340, %get3A_341] {strides = array<i32>} : memref<128x128xf32, #tpu.memory_space<vmem>>, vector<1x16xf32>,
      %get3A_343 = vector.shape_cast %get3A_342 : vector<1x16xf32> to vector<16xf32>
      %select_n3A_344 = arith.select %eq3A_5, %broadcast_in_dim3A_3, %get3A_343 : vector<16xi1>, vector<16xf32>
      %swap3A_345 = arith.index_cast %scan3A_339 : i32 to index
      %swap3A_346 = arith.constant 0 : index
      %swap3A_347 = tpu.vector_load %arg6[%swap3A_345, %swap3A_346] {strides = array<i32>} : memref<128x128xf32, #tpu.memory_space<vmem>>, vector<1x16xf32>,
      %swap3A_348 = vector.shape_cast %swap3A_347 : vector<1x16xf32> to vector<16xf32>
      %swap3A_349 = vector.shape_cast %select_n3A_344 : vector<16xf32> to vector<1x16xf32>
      tpu.vector_store %arg6[%swap3A_345, %swap3A_346], %swap3A_349 {strides = array<i32>} : memref<128x128xf32, #tpu.memory_space<vmem>>, vector<1x16xf32>,
      %get3A_350 = arith.index_cast %scan3A_339 : i32 to index
      %get3A_351 = arith.constant 112 : index
      %get3A_352 = tpu.vector_load %arg6[%get3A_350, %get3A_351] {strides = array<i32>} : memref<128x128xf32, #tpu.memory_space<vmem>>, vector<1x16xf32>,
      %get3A_353 = vector.shape_cast %get3A_352 : vector<1x16xf32> to vector<16xf32>
      %select_n3A_354 = arith.select %eq3A_8, %broadcast_in_dim3A_3, %get3A_353 : vector<16xi1>, vector<16xf32>
      %swap3A_355 = arith.index_cast %scan3A_339 : i32 to index
      %swap3A_356 = arith.constant 112 : index
      %swap3A_357 = tpu.vector_load %arg6[%swap3A_355, %swap3A_356] {strides = array<i32>} : memref<128x128xf32, #tpu.memory_space<vmem>>, vector<1x16xf32>,
      %swap3A_358 = vector.shape_cast %swap3A_357 : vector<1x16xf32> to vector<16xf32>
      %swap3A_359 = vector.shape_cast %select_n3A_354 : vector<16xf32> to vector<1x16xf32>
      tpu.vector_store %arg6[%swap3A_355, %swap3A_356], %swap3A_359 {strides = array<i32>} : memref<128x128xf32, #tpu.memory_space<vmem>>, vector<1x16xf32>,
      %scan3A_360 = arith.constant 123 : i32
      %scan3A_361 = arith.addi %scan3A_292, %scan3A_360 : i32
      %get3A_362 = arith.index_cast %scan3A_361 : i32 to index
      %get3A_363 = arith.constant 0 : index
      %get3A_364 = tpu.vector_load %arg6[%get3A_362, %get3A_363] {strides = array<i32>} : memref<128x128xf32, #tpu.memory_space<vmem>>, vector<1x16xf32>,
      %get3A_365 = vector.shape_cast %get3A_364 : vector<1x16xf32> to vector<16xf32>
      %select_n3A_366 = arith.select %eq3A_5, %broadcast_in_dim3A_3, %get3A_365 : vector<16xi1>, vector<16xf32>
      %swap3A_367 = arith.index_cast %scan3A_361 : i32 to index
      %swap3A_368 = arith.constant 0 : index
      %swap3A_369 = tpu.vector_load %arg6[%swap3A_367, %swap3A_368] {strides = array<i32>} : memref<128x128xf32, #tpu.memory_space<vmem>>, vector<1x16xf32>,
      %swap3A_370 = vector.shape_cast %swap3A_369 : vector<1x16xf32> to vector<16xf32>
      %swap3A_371 = vector.shape_cast %select_n3A_366 : vector<16xf32> to vector<1x16xf32>
      tpu.vector_store %arg6[%swap3A_367, %swap3A_368], %swap3A_371 {strides = array<i32>} : memref<128x128xf32, #tpu.memory_space<vmem>>, vector<1x16xf32>,
      %get3A_372 = arith.index_cast %scan3A_361 : i32 to index
      %get3A_373 = arith.constant 112 : index
      %get3A_374 = tpu.vector_load %arg6[%get3A_372, %get3A_373] {strides = array<i32>} : memref<128x128xf32, #tpu.memory_space<vmem>>, vector<1x16xf32>,
      %get3A_375 = vector.shape_cast %get3A_374 : vector<1x16xf32> to vector<16xf32>
      %select_n3A_376 = arith.select %eq3A_8, %broadcast_in_dim3A_3, %get3A_375 : vector<16xi1>, vector<16xf32>
      %swap3A_377 = arith.index_cast %scan3A_361 : i32 to index
      %swap3A_378 = arith.constant 112 : index
      %swap3A_379 = tpu.vector_load %arg6[%swap3A_377, %swap3A_378] {strides = array<i32>} : memref<128x128xf32, #tpu.memory_space<vmem>>, vector<1x16xf32>,
      %swap3A_380 = vector.shape_cast %swap3A_379 : vector<1x16xf32> to vector<16xf32>
      %swap3A_381 = vector.shape_cast %select_n3A_376 : vector<16xf32> to vector<1x16xf32>
      tpu.vector_store %arg6[%swap3A_377, %swap3A_378], %swap3A_381 {strides = array<i32>} : memref<128x128xf32, #tpu.memory_space<vmem>>, vector<1x16xf32>,
      %scan3A_382 = arith.constant 124 : i32
      %scan3A_383 = arith.addi %scan3A_292, %scan3A_382 : i32
      %get3A_384 = arith.index_cast %scan3A_383 : i32 to index
      %get3A_385 = arith.constant 0 : index
      %get3A_386 = tpu.vector_load %arg6[%get3A_384, %get3A_385] {strides = array<i32>} : memref<128x128xf32, #tpu.memory_space<vmem>>, vector<1x16xf32>,
      %get3A_387 = vector.shape_cast %get3A_386 : vector<1x16xf32> to vector<16xf32>
      %select_n3A_388 = arith.select %eq3A_5, %broadcast_in_dim3A_3, %get3A_387 : vector<16xi1>, vector<16xf32>
      %swap3A_389 = arith.index_cast %scan3A_383 : i32 to index
      %swap3A_390 = arith.constant 0 : index
      %swap3A_391 = tpu.vector_load %arg6[%swap3A_389, %swap3A_390] {strides = array<i32>} : memref<128x128xf32, #tpu.memory_space<vmem>>, vector<1x16xf32>,
      %swap3A_392 = vector.shape_cast %swap3A_391 : vector<1x16xf32> to vector<16xf32>
      %swap3A_393 = vector.shape_cast %select_n3A_388 : vector<16xf32> to vector<1x16xf32>
      tpu.vector_store %arg6[%swap3A_389, %swap3A_390], %swap3A_393 {strides = array<i32>} : memref<128x128xf32, #tpu.memory_space<vmem>>, vector<1x16xf32>,
      %get3A_394 = arith.index_cast %scan3A_383 : i32 to index
      %get3A_395 = arith.constant 112 : index
      %get3A_396 = tpu.vector_load %arg6[%get3A_394, %get3A_395] {strides = array<i32>} : memref<128x128xf32, #tpu.memory_space<vmem>>, vector<1x16xf32>,
      %get3A_397 = vector.shape_cast %get3A_396 : vector<1x16xf32> to vector<16xf32>
      %select_n3A_398 = arith.select %eq3A_8, %broadcast_in_dim3A_3, %get3A_397 : vector<16xi1>, vector<16xf32>
      %swap3A_399 = arith.index_cast %scan3A_383 : i32 to index
      %swap3A_400 = arith.constant 112 : index
      %swap3A_401 = tpu.vector_load %arg6[%swap3A_399, %swap3A_400] {strides = array<i32>} : memref<128x128xf32, #tpu.memory_space<vmem>>, vector<1x16xf32>,
      %swap3A_402 = vector.shape_cast %swap3A_401 : vector<1x16xf32> to vector<16xf32>
      %swap3A_403 = vector.shape_cast %select_n3A_398 : vector<16xf32> to vector<1x16xf32>
      tpu.vector_store %arg6[%swap3A_399, %swap3A_400], %swap3A_403 {strides = array<i32>} : memref<128x128xf32, #tpu.memory_space<vmem>>, vector<1x16xf32>,
      %scan3A_404 = arith.constant 125 : i32
      %scan3A_405 = arith.addi %scan3A_292, %scan3A_404 : i32
      %get3A_406 = arith.index_cast %scan3A_405 : i32 to index
      %get3A_407 = arith.constant 0 : index
      %get3A_408 = tpu.vector_load %arg6[%get3A_406, %get3A_407] {strides = array<i32>} : memref<128x128xf32, #tpu.memory_space<vmem>>, vector<1x16xf32>,
      %get3A_409 = vector.shape_cast %get3A_408 : vector<1x16xf32> to vector<16xf32>
      %select_n3A_410 = arith.select %eq3A_5, %broadcast_in_dim3A_3, %get3A_409 : vector<16xi1>, vector<16xf32>
      %swap3A_411 = arith.index_cast %scan3A_405 : i32 to index
      %swap3A_412 = arith.constant 0 : index
      %swap3A_413 = tpu.vector_load %arg6[%swap3A_411, %swap3A_412] {strides = array<i32>} : memref<128x128xf32, #tpu.memory_space<vmem>>, vector<1x16xf32>,
      %swap3A_414 = vector.shape_cast %swap3A_413 : vector<1x16xf32> to vector<16xf32>
      %swap3A_415 = vector.shape_cast %select_n3A_410 : vector<16xf32> to vector<1x16xf32>
      tpu.vector_store %arg6[%swap3A_411, %swap3A_412], %swap3A_415 {strides = array<i32>} : memref<128x128xf32, #tpu.memory_space<vmem>>, vector<1x16xf32>,
      %get3A_416 = arith.index_cast %scan3A_405 : i32 to index
      %get3A_417 = arith.constant 112 : index
      %get3A_418 = tpu.vector_load %arg6[%get3A_416, %get3A_417] {strides = array<i32>} : memref<128x128xf32, #tpu.memory_space<vmem>>, vector<1x16xf32>,
      %get3A_419 = vector.shape_cast %get3A_418 : vector<1x16xf32> to vector<16xf32>
      %select_n3A_420 = arith.select %eq3A_8, %broadcast_in_dim3A_3, %get3A_419 : vector<16xi1>, vector<16xf32>
      %swap3A_421 = arith.index_cast %scan3A_405 : i32 to index
      %swap3A_422 = arith.constant 112 : index
      %swap3A_423 = tpu.vector_load %arg6[%swap3A_421, %swap3A_422] {strides = array<i32>} : memref<128x128xf32, #tpu.memory_space<vmem>>, vector<1x16xf32>,
      %swap3A_424 = vector.shape_cast %swap3A_423 : vector<1x16xf32> to vector<16xf32>
      %swap3A_425 = vector.shape_cast %select_n3A_420 : vector<16xf32> to vector<1x16xf32>
      tpu.vector_store %arg6[%swap3A_421, %swap3A_422], %swap3A_425 {strides = array<i32>} : memref<128x128xf32, #tpu.memory_space<vmem>>, vector<1x16xf32>,
      %scan3A_426 = arith.constant 126 : i32
    } else {
    }
    %not3A_121 = arith.constant true
    %not3A_122 = arith.xori %and3A_117, %not3A_121 : i1
    %convert_element_type3A_123 = arith.extui %not3A_122 : i1 to i32
    %cond3A_124 = arith.constant 0 : i32
    %cond3A_125 = arith.cmpi ne, %convert_element_type3A_123, %cond3A_124 : i32
    scf.if %cond3A_125 {
      %scan3A = arith.constant 0 : i32
      %scan3A_197 = arith.constant 0 : i32
      %scan3A_198 = arith.constant 128 : i32
      %scan3A_199 = arith.addi %scan3A_197, %scan3A_198 : i32
      %scan3A_200 = arith.constant 2 : i32
      scf.for %scan3A_202 = %scan3A_197 to %scan3A_199 step %scan3A_200  : i32 {
        %swap3A = arith.index_cast %scan3A_202 : i32 to index
        %swap3A_203 = arith.constant 0 : index
        %swap3A_204 = tpu.vector_load %arg6[%swap3A, %swap3A_203] {strides = array<i32>} : memref<128x128xf32, #tpu.memory_space<vmem>>, vector<1x16xf32>,
        %swap3A_205 = vector.shape_cast %swap3A_204 : vector<1x16xf32> to vector<16xf32>
        %swap3A_206 = vector.shape_cast %broadcast_in_dim3A_3 : vector<16xf32> to vector<1x16xf32>
        tpu.vector_store %arg6[%swap3A, %swap3A_203], %swap3A_206 {strides = array<i32>} : memref<128x128xf32, #tpu.memory_space<vmem>>, vector<1x16xf32>,
        %swap3A_207 = arith.index_cast %scan3A_202 : i32 to index
        %swap3A_208 = arith.constant 16 : index
        %swap3A_209 = tpu.vector_load %arg6[%swap3A_207, %swap3A_208] {strides = array<i32>} : memref<128x128xf32, #tpu.memory_space<vmem>>, vector<1x16xf32>,
        %swap3A_210 = vector.shape_cast %swap3A_209 : vector<1x16xf32> to vector<16xf32>
        %swap3A_211 = vector.shape_cast %broadcast_in_dim3A_3 : vector<16xf32> to vector<1x16xf32>
        tpu.vector_store %arg6[%swap3A_207, %swap3A_208], %swap3A_211 {strides = array<i32>} : memref<128x128xf32, #tpu.memory_space<vmem>>, vector<1x16xf32>,
        %swap3A_212 = arith.index_cast %scan3A_202 : i32 to index
        %swap3A_213 = arith.constant 32 : index
        %swap3A_214 = tpu.vector_load %arg6[%swap3A_212, %swap3A_213] {strides = array<i32>} : memref<128x128xf32, #tpu.memory_space<vmem>>, vector<1x16xf32>,
        %swap3A_215 = vector.shape_cast %swap3A_214 : vector<1x16xf32> to vector<16xf32>
        %swap3A_216 = vector.shape_cast %broadcast_in_dim3A_3 : vector<16xf32> to vector<1x16xf32>
        tpu.vector_store %arg6[%swap3A_212, %swap3A_213], %swap3A_216 {strides = array<i32>} : memref<128x128xf32, #tpu.memory_space<vmem>>, vector<1x16xf32>,
        %swap3A_217 = arith.index_cast %scan3A_202 : i32 to index
        %swap3A_218 = arith.constant 48 : index
        %swap3A_219 = tpu.vector_load %arg6[%swap3A_217, %swap3A_218] {strides = array<i32>} : memref<128x128xf32, #tpu.memory_space<vmem>>, vector<1x16xf32>,
        %swap3A_220 = vector.shape_cast %swap3A_219 : vector<1x16xf32> to vector<16xf32>
        %swap3A_221 = vector.shape_cast %broadcast_in_dim3A_3 : vector<16xf32> to vector<1x16xf32>
        tpu.vector_store %arg6[%swap3A_217, %swap3A_218], %swap3A_221 {strides = array<i32>} : memref<128x128xf32, #tpu.memory_space<vmem>>, vector<1x16xf32>,
        %swap3A_222 = arith.index_cast %scan3A_202 : i32 to index
        %swap3A_223 = arith.constant 64 : index
        %swap3A_224 = tpu.vector_load %arg6[%swap3A_222, %swap3A_223] {strides = array<i32>} : memref<128x128xf32, #tpu.memory_space<vmem>>, vector<1x16xf32>,
        %swap3A_225 = vector.shape_cast %swap3A_224 : vector<1x16xf32> to vector<16xf32>
        %swap3A_226 = vector.shape_cast %broadcast_in_dim3A_3 : vector<16xf32> to vector<1x16xf32>
        tpu.vector_store %arg6[%swap3A_222, %swap3A_223], %swap3A_226 {strides = array<i32>} : memref<128x128xf32, #tpu.memory_space<vmem>>, vector<1x16xf32>,
        %swap3A_227 = arith.index_cast %scan3A_202 : i32 to index
        %swap3A_228 = arith.constant 80 : index
        %swap3A_229 = tpu.vector_load %arg6[%swap3A_227, %swap3A_228] {strides = array<i32>} : memref<128x128xf32, #tpu.memory_space<vmem>>, vector<1x16xf32>,
        %swap3A_230 = vector.shape_cast %swap3A_229 : vector<1x16xf32> to vector<16xf32>
        %swap3A_231 = vector.shape_cast %broadcast_in_dim3A_3 : vector<16xf32> to vector<1x16xf32>
        tpu.vector_store %arg6[%swap3A_227, %swap3A_228], %swap3A_231 {strides = array<i32>} : memref<128x128xf32, #tpu.memory_space<vmem>>, vector<1x16xf32>,
        %swap3A_232 = arith.index_cast %scan3A_202 : i32 to index
        %swap3A_233 = arith.constant 96 : index
        %swap3A_234 = tpu.vector_load %arg6[%swap3A_232, %swap3A_233] {strides = array<i32>} : memref<128x128xf32, #tpu.memory_space<vmem>>, vector<1x16xf32>,
        %swap3A_235 = vector.shape_cast %swap3A_234 : vector<1x16xf32> to vector<16xf32>
        %swap3A_236 = vector.shape_cast %broadcast_in_dim3A_3 : vector<16xf32> to vector<1x16xf32>
        tpu.vector_store %arg6[%swap3A_232, %swap3A_233], %swap3A_236 {strides = array<i32>} : memref<128x128xf32, #tpu.memory_space<vmem>>, vector<1x16xf32>,
        %swap3A_237 = arith.index_cast %scan3A_202 : i32 to index
        %swap3A_238 = arith.constant 112 : index
        %swap3A_239 = tpu.vector_load %arg6[%swap3A_237, %swap3A_238] {strides = array<i32>} : memref<128x128xf32, #tpu.memory_space<vmem>>, vector<1x16xf32>,
        %swap3A_240 = vector.shape_cast %swap3A_239 : vector<1x16xf32> to vector<16xf32>
        %swap3A_241 = vector.shape_cast %broadcast_in_dim3A_3 : vector<16xf32> to vector<1x16xf32>
        tpu.vector_store %arg6[%swap3A_237, %swap3A_238], %swap3A_241 {strides = array<i32>} : memref<128x128xf32, #tpu.memory_space<vmem>>, vector<1x16xf32>,
        %scan3A_242 = arith.constant 1 : i32
        %scan3A_243 = arith.addi %scan3A_202, %scan3A_242 : i32
        %swap3A_244 = arith.index_cast %scan3A_243 : i32 to index
        %swap3A_245 = arith.constant 0 : index
        %swap3A_246 = tpu.vector_load %arg6[%swap3A_244, %swap3A_245] {strides = array<i32>} : memref<128x128xf32, #tpu.memory_space<vmem>>, vector<1x16xf32>,
        %swap3A_247 = vector.shape_cast %swap3A_246 : vector<1x16xf32> to vector<16xf32>
        %swap3A_248 = vector.shape_cast %broadcast_in_dim3A_3 : vector<16xf32> to vector<1x16xf32>
        tpu.vector_store %arg6[%swap3A_244, %swap3A_245], %swap3A_248 {strides = array<i32>} : memref<128x128xf32, #tpu.memory_space<vmem>>, vector<1x16xf32>,
        %swap3A_249 = arith.index_cast %scan3A_243 : i32 to index
        %swap3A_250 = arith.constant 16 : index
        %swap3A_251 = tpu.vector_load %arg6[%swap3A_249, %swap3A_250] {strides = array<i32>} : memref<128x128xf32, #tpu.memory_space<vmem>>, vector<1x16xf32>,
        %swap3A_252 = vector.shape_cast %swap3A_251 : vector<1x16xf32> to vector<16xf32>
        %swap3A_253 = vector.shape_cast %broadcast_in_dim3A_3 : vector<16xf32> to vector<1x16xf32>
        tpu.vector_store %arg6[%swap3A_249, %swap3A_250], %swap3A_253 {strides = array<i32>} : memref<128x128xf32, #tpu.memory_space<vmem>>, vector<1x16xf32>,
        %swap3A_254 = arith.index_cast %scan3A_243 : i32 to index
        %swap3A_255 = arith.constant 32 : index
        %swap3A_256 = tpu.vector_load %arg6[%swap3A_254, %swap3A_255] {strides = array<i32>} : memref<128x128xf32, #tpu.memory_space<vmem>>, vector<1x16xf32>,
        %swap3A_257 = vector.shape_cast %swap3A_256 : vector<1x16xf32> to vector<16xf32>
        %swap3A_258 = vector.shape_cast %broadcast_in_dim3A_3 : vector<16xf32> to vector<1x16xf32>
        tpu.vector_store %arg6[%swap3A_254, %swap3A_255], %swap3A_258 {strides = array<i32>} : memref<128x128xf32, #tpu.memory_space<vmem>>, vector<1x16xf32>,
        %swap3A_259 = arith.index_cast %scan3A_243 : i32 to index
        %swap3A_260 = arith.constant 48 : index
        %swap3A_261 = tpu.vector_load %arg6[%swap3A_259, %swap3A_260] {strides = array<i32>} : memref<128x128xf32, #tpu.memory_space<vmem>>, vector<1x16xf32>,
        %swap3A_262 = vector.shape_cast %swap3A_261 : vector<1x16xf32> to vector<16xf32>
        %swap3A_263 = vector.shape_cast %broadcast_in_dim3A_3 : vector<16xf32> to vector<1x16xf32>
        tpu.vector_store %arg6[%swap3A_259, %swap3A_260], %swap3A_263 {strides = array<i32>} : memref<128x128xf32, #tpu.memory_space<vmem>>, vector<1x16xf32>,
        %swap3A_264 = arith.index_cast %scan3A_243 : i32 to index
        %swap3A_265 = arith.constant 64 : index
        %swap3A_266 = tpu.vector_load %arg6[%swap3A_264, %swap3A_265] {strides = array<i32>} : memref<128x128xf32, #tpu.memory_space<vmem>>, vector<1x16xf32>,
        %swap3A_267 = vector.shape_cast %swap3A_266 : vector<1x16xf32> to vector<16xf32>
        %swap3A_268 = vector.shape_cast %broadcast_in_dim3A_3 : vector<16xf32> to vector<1x16xf32>
        tpu.vector_store %arg6[%swap3A_264, %swap3A_265], %swap3A_268 {strides = array<i32>} : memref<128x128xf32, #tpu.memory_space<vmem>>, vector<1x16xf32>,
        %swap3A_269 = arith.index_cast %scan3A_243 : i32 to index
        %swap3A_270 = arith.constant 80 : index
        %swap3A_271 = tpu.vector_load %arg6[%swap3A_269, %swap3A_270] {strides = array<i32>} : memref<128x128xf32, #tpu.memory_space<vmem>>, vector<1x16xf32>,
        %swap3A_272 = vector.shape_cast %swap3A_271 : vector<1x16xf32> to vector<16xf32>
        %swap3A_273 = vector.shape_cast %broadcast_in_dim3A_3 : vector<16xf32> to vector<1x16xf32>
        tpu.vector_store %arg6[%swap3A_269, %swap3A_270], %swap3A_273 {strides = array<i32>} : memref<128x128xf32, #tpu.memory_space<vmem>>, vector<1x16xf32>,
        %swap3A_274 = arith.index_cast %scan3A_243 : i32 to index
        %swap3A_275 = arith.constant 96 : index
        %swap3A_276 = tpu.vector_load %arg6[%swap3A_274, %swap3A_275] {strides = array<i32>} : memref<128x128xf32, #tpu.memory_space<vmem>>, vector<1x16xf32>,
        %swap3A_277 = vector.shape_cast %swap3A_276 : vector<1x16xf32> to vector<16xf32>
        %swap3A_278 = vector.shape_cast %broadcast_in_dim3A_3 : vector<16xf32> to vector<1x16xf32>
        tpu.vector_store %arg6[%swap3A_274, %swap3A_275], %swap3A_278 {strides = array<i32>} : memref<128x128xf32, #tpu.memory_space<vmem>>, vector<1x16xf32>,
        %swap3A_279 = arith.index_cast %scan3A_243 : i32 to index
        %swap3A_280 = arith.constant 112 : index
        %swap3A_281 = tpu.vector_load %arg6[%swap3A_279, %swap3A_280] {strides = array<i32>} : memref<128x128xf32, #tpu.memory_space<vmem>>, vector<1x16xf32>,
        %swap3A_282 = vector.shape_cast %swap3A_281 : vector<1x16xf32> to vector<16xf32>
        %swap3A_283 = vector.shape_cast %broadcast_in_dim3A_3 : vector<16xf32> to vector<1x16xf32>
        tpu.vector_store %arg6[%swap3A_279, %swap3A_280], %swap3A_283 {strides = array<i32>} : memref<128x128xf32, #tpu.memory_space<vmem>>, vector<1x16xf32>,
      }
      %scan3A_201 = arith.constant 128 : i32
    } else {
    }
    %dma_start3A_126 = arith.constant 0 : i32
    %dma_start3A_127 = arith.constant 0 : i32
    %dma_start3A_128 = tpu.memref_slice %arg3[%add3A_104, %dma_start3A_126, %dma_start3A_127] : memref<128x128x128xf32, #tpu.memory_space<hbm>> -> memref<1x128x128xf32, #tpu.memory_space<hbm>>
    %dma_start3A_129 = tpu.memref_squeeze %dma_start3A_128 : memref<1x128x128xf32, #tpu.memory_space<hbm>> -> memref<128x128xf32, #tpu.memory_space<hbm>>
    %dma_start3A_130 = arith.constant 0 : i32
    %dma_start3A_131 = arith.constant 0 : i32
    %dma_start3A_132 = tpu.memref_slice %arg3[%add3A_104, %dma_start3A_130, %dma_start3A_131] : memref<128x128x128xf32, #tpu.memory_space<hbm>> -> memref<1x128x128xf32, #tpu.memory_space<hbm>>
    %dma_start3A_133 = tpu.memref_squeeze %dma_start3A_132 : memref<1x128x128xf32, #tpu.memory_space<hbm>> -> memref<128x128xf32, #tpu.memory_space<hbm>>
    tpu.enqueue_dma source(%arg6 : memref<128x128xf32, #tpu.memory_space<vmem>>) target(%dma_start3A_133 : memref<128x128xf32, #tpu.memory_space<hbm>>) target_semaphore(%arg14 : memref<!tpu.dma_semaphore, #tpu.memory_space<semaphore_mem>>)
    %add3A_134 = arith.constant 3 : i32
    %add3A_135 = arith.addi %mul3A_2, %add3A_134 : i32
    %dma_wait3A_136 = arith.constant 0 : i32
    %dma_wait3A_137 = arith.constant 0 : i32
    %dma_wait3A_138 = tpu.memref_slice %arg2[%add3A_39, %dma_wait3A_136, %dma_wait3A_137] : memref<128x128x128xf32, #tpu.memory_space<hbm>> -> memref<1x128x128xf32, #tpu.memory_space<hbm>>
    %dma_wait3A_139 = tpu.memref_squeeze %dma_wait3A_138 : memref<1x128x128xf32, #tpu.memory_space<hbm>> -> memref<128x128xf32, #tpu.memory_space<hbm>>
    %dma_wait3A_140 = arith.constant 0 : i32
    %dma_wait3A_141 = arith.constant 0 : i32
    %dma_wait3A_142 = tpu.memref_slice %arg2[%add3A_39, %dma_wait3A_140, %dma_wait3A_141] : memref<128x128x128xf32, #tpu.memory_space<hbm>> -> memref<1x128x128xf32, #tpu.memory_space<hbm>>
    %dma_wait3A_143 = tpu.memref_squeeze %dma_wait3A_142 : memref<1x128x128xf32, #tpu.memory_space<hbm>> -> memref<128x128xf32, #tpu.memory_space<hbm>>
    tpu.wait_dma2 semaphore(%arg11 : memref<!tpu.dma_semaphore, #tpu.memory_space<semaphore_mem>>) src(%dma_wait3A_143 : memref<128x128xf32, #tpu.memory_space<hbm>>) dst(%arg7 : memref<128x128xf32, #tpu.memory_space<vmem>>)
    %ge3A_144 = arith.constant 1 : i32
    %ge3A_145 = arith.cmpi sge, %add3A_135, %ge3A_144 : i32
    %le3A_146 = arith.constant 126 : i32
    %le3A_147 = arith.cmpi sle, %add3A_135, %le3A_146 : i32
    %and3A_148 = arith.andi %ge3A_145, %le3A_147 : i1
    %convert_element_type3A_149 = arith.extui %and3A_148 : i1 to i32
    %cond3A_150 = arith.constant 0 : i32
    %cond3A_151 = arith.cmpi ne, %convert_element_type3A_149, %cond3A_150 : i32
    scf.if %cond3A_151 {
      %swap3A = arith.constant 0 : i32
      %swap3A_197 = arith.index_cast %swap3A : i32 to index
      %swap3A_198 = arith.constant 0 : index
      %swap3A_199 = tpu.vector_load %arg7[%swap3A_197, %swap3A_198] {strides = array<i32>} : memref<128x128xf32, #tpu.memory_space<vmem>>, vector<1x16xf32>,
      %swap3A_200 = vector.shape_cast %swap3A_199 : vector<1x16xf32> to vector<16xf32>
      %swap3A_201 = vector.shape_cast %broadcast_in_dim3A_3 : vector<16xf32> to vector<1x16xf32>
      tpu.vector_store %arg7[%swap3A_197, %swap3A_198], %swap3A_201 {strides = array<i32>} : memref<128x128xf32, #tpu.memory_space<vmem>>, vector<1x16xf32>,
      %swap3A_202 = arith.constant 127 : i32
      %swap3A_203 = arith.index_cast %swap3A_202 : i32 to index
      %swap3A_204 = arith.constant 0 : index
      %swap3A_205 = tpu.vector_load %arg7[%swap3A_203, %swap3A_204] {strides = array<i32>} : memref<128x128xf32, #tpu.memory_space<vmem>>, vector<1x16xf32>,
      %swap3A_206 = vector.shape_cast %swap3A_205 : vector<1x16xf32> to vector<16xf32>
      %swap3A_207 = vector.shape_cast %broadcast_in_dim3A_3 : vector<16xf32> to vector<1x16xf32>
      tpu.vector_store %arg7[%swap3A_203, %swap3A_204], %swap3A_207 {strides = array<i32>} : memref<128x128xf32, #tpu.memory_space<vmem>>, vector<1x16xf32>,
      %swap3A_208 = arith.constant 0 : i32
      %swap3A_209 = arith.index_cast %swap3A_208 : i32 to index
      %swap3A_210 = arith.constant 16 : index
      %swap3A_211 = tpu.vector_load %arg7[%swap3A_209, %swap3A_210] {strides = array<i32>} : memref<128x128xf32, #tpu.memory_space<vmem>>, vector<1x16xf32>,
      %swap3A_212 = vector.shape_cast %swap3A_211 : vector<1x16xf32> to vector<16xf32>
      %swap3A_213 = vector.shape_cast %broadcast_in_dim3A_3 : vector<16xf32> to vector<1x16xf32>
      tpu.vector_store %arg7[%swap3A_209, %swap3A_210], %swap3A_213 {strides = array<i32>} : memref<128x128xf32, #tpu.memory_space<vmem>>, vector<1x16xf32>,
      %swap3A_214 = arith.constant 127 : i32
      %swap3A_215 = arith.index_cast %swap3A_214 : i32 to index
      %swap3A_216 = arith.constant 16 : index
      %swap3A_217 = tpu.vector_load %arg7[%swap3A_215, %swap3A_216] {strides = array<i32>} : memref<128x128xf32, #tpu.memory_space<vmem>>, vector<1x16xf32>,
      %swap3A_218 = vector.shape_cast %swap3A_217 : vector<1x16xf32> to vector<16xf32>
      %swap3A_219 = vector.shape_cast %broadcast_in_dim3A_3 : vector<16xf32> to vector<1x16xf32>
      tpu.vector_store %arg7[%swap3A_215, %swap3A_216], %swap3A_219 {strides = array<i32>} : memref<128x128xf32, #tpu.memory_space<vmem>>, vector<1x16xf32>,
      %swap3A_220 = arith.constant 0 : i32
      %swap3A_221 = arith.index_cast %swap3A_220 : i32 to index
      %swap3A_222 = arith.constant 32 : index
      %swap3A_223 = tpu.vector_load %arg7[%swap3A_221, %swap3A_222] {strides = array<i32>} : memref<128x128xf32, #tpu.memory_space<vmem>>, vector<1x16xf32>,
      %swap3A_224 = vector.shape_cast %swap3A_223 : vector<1x16xf32> to vector<16xf32>
      %swap3A_225 = vector.shape_cast %broadcast_in_dim3A_3 : vector<16xf32> to vector<1x16xf32>
      tpu.vector_store %arg7[%swap3A_221, %swap3A_222], %swap3A_225 {strides = array<i32>} : memref<128x128xf32, #tpu.memory_space<vmem>>, vector<1x16xf32>,
      %swap3A_226 = arith.constant 127 : i32
      %swap3A_227 = arith.index_cast %swap3A_226 : i32 to index
      %swap3A_228 = arith.constant 32 : index
      %swap3A_229 = tpu.vector_load %arg7[%swap3A_227, %swap3A_228] {strides = array<i32>} : memref<128x128xf32, #tpu.memory_space<vmem>>, vector<1x16xf32>,
      %swap3A_230 = vector.shape_cast %swap3A_229 : vector<1x16xf32> to vector<16xf32>
      %swap3A_231 = vector.shape_cast %broadcast_in_dim3A_3 : vector<16xf32> to vector<1x16xf32>
      tpu.vector_store %arg7[%swap3A_227, %swap3A_228], %swap3A_231 {strides = array<i32>} : memref<128x128xf32, #tpu.memory_space<vmem>>, vector<1x16xf32>,
      %swap3A_232 = arith.constant 0 : i32
      %swap3A_233 = arith.index_cast %swap3A_232 : i32 to index
      %swap3A_234 = arith.constant 48 : index
      %swap3A_235 = tpu.vector_load %arg7[%swap3A_233, %swap3A_234] {strides = array<i32>} : memref<128x128xf32, #tpu.memory_space<vmem>>, vector<1x16xf32>,
      %swap3A_236 = vector.shape_cast %swap3A_235 : vector<1x16xf32> to vector<16xf32>
      %swap3A_237 = vector.shape_cast %broadcast_in_dim3A_3 : vector<16xf32> to vector<1x16xf32>
      tpu.vector_store %arg7[%swap3A_233, %swap3A_234], %swap3A_237 {strides = array<i32>} : memref<128x128xf32, #tpu.memory_space<vmem>>, vector<1x16xf32>,
      %swap3A_238 = arith.constant 127 : i32
      %swap3A_239 = arith.index_cast %swap3A_238 : i32 to index
      %swap3A_240 = arith.constant 48 : index
      %swap3A_241 = tpu.vector_load %arg7[%swap3A_239, %swap3A_240] {strides = array<i32>} : memref<128x128xf32, #tpu.memory_space<vmem>>, vector<1x16xf32>,
      %swap3A_242 = vector.shape_cast %swap3A_241 : vector<1x16xf32> to vector<16xf32>
      %swap3A_243 = vector.shape_cast %broadcast_in_dim3A_3 : vector<16xf32> to vector<1x16xf32>
      tpu.vector_store %arg7[%swap3A_239, %swap3A_240], %swap3A_243 {strides = array<i32>} : memref<128x128xf32, #tpu.memory_space<vmem>>, vector<1x16xf32>,
      %swap3A_244 = arith.constant 0 : i32
      %swap3A_245 = arith.index_cast %swap3A_244 : i32 to index
      %swap3A_246 = arith.constant 64 : index
      %swap3A_247 = tpu.vector_load %arg7[%swap3A_245, %swap3A_246] {strides = array<i32>} : memref<128x128xf32, #tpu.memory_space<vmem>>, vector<1x16xf32>,
      %swap3A_248 = vector.shape_cast %swap3A_247 : vector<1x16xf32> to vector<16xf32>
      %swap3A_249 = vector.shape_cast %broadcast_in_dim3A_3 : vector<16xf32> to vector<1x16xf32>
      tpu.vector_store %arg7[%swap3A_245, %swap3A_246], %swap3A_249 {strides = array<i32>} : memref<128x128xf32, #tpu.memory_space<vmem>>, vector<1x16xf32>,
      %swap3A_250 = arith.constant 127 : i32
      %swap3A_251 = arith.index_cast %swap3A_250 : i32 to index
      %swap3A_252 = arith.constant 64 : index
      %swap3A_253 = tpu.vector_load %arg7[%swap3A_251, %swap3A_252] {strides = array<i32>} : memref<128x128xf32, #tpu.memory_space<vmem>>, vector<1x16xf32>,
      %swap3A_254 = vector.shape_cast %swap3A_253 : vector<1x16xf32> to vector<16xf32>
      %swap3A_255 = vector.shape_cast %broadcast_in_dim3A_3 : vector<16xf32> to vector<1x16xf32>
      tpu.vector_store %arg7[%swap3A_251, %swap3A_252], %swap3A_255 {strides = array<i32>} : memref<128x128xf32, #tpu.memory_space<vmem>>, vector<1x16xf32>,
      %swap3A_256 = arith.constant 0 : i32
      %swap3A_257 = arith.index_cast %swap3A_256 : i32 to index
      %swap3A_258 = arith.constant 80 : index
      %swap3A_259 = tpu.vector_load %arg7[%swap3A_257, %swap3A_258] {strides = array<i32>} : memref<128x128xf32, #tpu.memory_space<vmem>>, vector<1x16xf32>,
      %swap3A_260 = vector.shape_cast %swap3A_259 : vector<1x16xf32> to vector<16xf32>
      %swap3A_261 = vector.shape_cast %broadcast_in_dim3A_3 : vector<16xf32> to vector<1x16xf32>
      tpu.vector_store %arg7[%swap3A_257, %swap3A_258], %swap3A_261 {strides = array<i32>} : memref<128x128xf32, #tpu.memory_space<vmem>>, vector<1x16xf32>,
      %swap3A_262 = arith.constant 127 : i32
      %swap3A_263 = arith.index_cast %swap3A_262 : i32 to index
      %swap3A_264 = arith.constant 80 : index
      %swap3A_265 = tpu.vector_load %arg7[%swap3A_263, %swap3A_264] {strides = array<i32>} : memref<128x128xf32, #tpu.memory_space<vmem>>, vector<1x16xf32>,
      %swap3A_266 = vector.shape_cast %swap3A_265 : vector<1x16xf32> to vector<16xf32>
      %swap3A_267 = vector.shape_cast %broadcast_in_dim3A_3 : vector<16xf32> to vector<1x16xf32>
      tpu.vector_store %arg7[%swap3A_263, %swap3A_264], %swap3A_267 {strides = array<i32>} : memref<128x128xf32, #tpu.memory_space<vmem>>, vector<1x16xf32>,
      %swap3A_268 = arith.constant 0 : i32
      %swap3A_269 = arith.index_cast %swap3A_268 : i32 to index
      %swap3A_270 = arith.constant 96 : index
      %swap3A_271 = tpu.vector_load %arg7[%swap3A_269, %swap3A_270] {strides = array<i32>} : memref<128x128xf32, #tpu.memory_space<vmem>>, vector<1x16xf32>,
      %swap3A_272 = vector.shape_cast %swap3A_271 : vector<1x16xf32> to vector<16xf32>
      %swap3A_273 = vector.shape_cast %broadcast_in_dim3A_3 : vector<16xf32> to vector<1x16xf32>
      tpu.vector_store %arg7[%swap3A_269, %swap3A_270], %swap3A_273 {strides = array<i32>} : memref<128x128xf32, #tpu.memory_space<vmem>>, vector<1x16xf32>,
      %swap3A_274 = arith.constant 127 : i32
      %swap3A_275 = arith.index_cast %swap3A_274 : i32 to index
      %swap3A_276 = arith.constant 96 : index
      %swap3A_277 = tpu.vector_load %arg7[%swap3A_275, %swap3A_276] {strides = array<i32>} : memref<128x128xf32, #tpu.memory_space<vmem>>, vector<1x16xf32>,
      %swap3A_278 = vector.shape_cast %swap3A_277 : vector<1x16xf32> to vector<16xf32>
      %swap3A_279 = vector.shape_cast %broadcast_in_dim3A_3 : vector<16xf32> to vector<1x16xf32>
      tpu.vector_store %arg7[%swap3A_275, %swap3A_276], %swap3A_279 {strides = array<i32>} : memref<128x128xf32, #tpu.memory_space<vmem>>, vector<1x16xf32>,
      %swap3A_280 = arith.constant 0 : i32
      %swap3A_281 = arith.index_cast %swap3A_280 : i32 to index
      %swap3A_282 = arith.constant 112 : index
      %swap3A_283 = tpu.vector_load %arg7[%swap3A_281, %swap3A_282] {strides = array<i32>} : memref<128x128xf32, #tpu.memory_space<vmem>>, vector<1x16xf32>,
      %swap3A_284 = vector.shape_cast %swap3A_283 : vector<1x16xf32> to vector<16xf32>
      %swap3A_285 = vector.shape_cast %broadcast_in_dim3A_3 : vector<16xf32> to vector<1x16xf32>
      tpu.vector_store %arg7[%swap3A_281, %swap3A_282], %swap3A_285 {strides = array<i32>} : memref<128x128xf32, #tpu.memory_space<vmem>>, vector<1x16xf32>,
      %swap3A_286 = arith.constant 127 : i32
      %swap3A_287 = arith.index_cast %swap3A_286 : i32 to index
      %swap3A_288 = arith.constant 112 : index
      %swap3A_289 = tpu.vector_load %arg7[%swap3A_287, %swap3A_288] {strides = array<i32>} : memref<128x128xf32, #tpu.memory_space<vmem>>, vector<1x16xf32>,
      %swap3A_290 = vector.shape_cast %swap3A_289 : vector<1x16xf32> to vector<16xf32>
      %swap3A_291 = vector.shape_cast %broadcast_in_dim3A_3 : vector<16xf32> to vector<1x16xf32>
      tpu.vector_store %arg7[%swap3A_287, %swap3A_288], %swap3A_291 {strides = array<i32>} : memref<128x128xf32, #tpu.memory_space<vmem>>, vector<1x16xf32>,
      %scan3A = arith.constant 0 : i32
      %scan3A_292 = arith.constant 1 : i32
      %scan3A_293 = arith.constant 120 : i32
      %scan3A_294 = arith.addi %scan3A_292, %scan3A_293 : i32
      %scan3A_295 = arith.constant 8 : i32
      scf.for %scan3A_427 = %scan3A_292 to %scan3A_294 step %scan3A_295  : i32 {
        %get3A_428 = arith.index_cast %scan3A_427 : i32 to index
        %get3A_429 = arith.constant 0 : index
        %get3A_430 = tpu.vector_load %arg7[%get3A_428, %get3A_429] {strides = array<i32>} : memref<128x128xf32, #tpu.memory_space<vmem>>, vector<1x16xf32>,
        %get3A_431 = vector.shape_cast %get3A_430 : vector<1x16xf32> to vector<16xf32>
        %select_n3A_432 = arith.select %eq3A_5, %broadcast_in_dim3A_3, %get3A_431 : vector<16xi1>, vector<16xf32>
        %swap3A_433 = arith.index_cast %scan3A_427 : i32 to index
        %swap3A_434 = arith.constant 0 : index
        %swap3A_435 = tpu.vector_load %arg7[%swap3A_433, %swap3A_434] {strides = array<i32>} : memref<128x128xf32, #tpu.memory_space<vmem>>, vector<1x16xf32>,
        %swap3A_436 = vector.shape_cast %swap3A_435 : vector<1x16xf32> to vector<16xf32>
        %swap3A_437 = vector.shape_cast %select_n3A_432 : vector<16xf32> to vector<1x16xf32>
        tpu.vector_store %arg7[%swap3A_433, %swap3A_434], %swap3A_437 {strides = array<i32>} : memref<128x128xf32, #tpu.memory_space<vmem>>, vector<1x16xf32>,
        %get3A_438 = arith.index_cast %scan3A_427 : i32 to index
        %get3A_439 = arith.constant 112 : index
        %get3A_440 = tpu.vector_load %arg7[%get3A_438, %get3A_439] {strides = array<i32>} : memref<128x128xf32, #tpu.memory_space<vmem>>, vector<1x16xf32>,
        %get3A_441 = vector.shape_cast %get3A_440 : vector<1x16xf32> to vector<16xf32>
        %select_n3A_442 = arith.select %eq3A_8, %broadcast_in_dim3A_3, %get3A_441 : vector<16xi1>, vector<16xf32>
        %swap3A_443 = arith.index_cast %scan3A_427 : i32 to index
        %swap3A_444 = arith.constant 112 : index
        %swap3A_445 = tpu.vector_load %arg7[%swap3A_443, %swap3A_444] {strides = array<i32>} : memref<128x128xf32, #tpu.memory_space<vmem>>, vector<1x16xf32>,
        %swap3A_446 = vector.shape_cast %swap3A_445 : vector<1x16xf32> to vector<16xf32>
        %swap3A_447 = vector.shape_cast %select_n3A_442 : vector<16xf32> to vector<1x16xf32>
        tpu.vector_store %arg7[%swap3A_443, %swap3A_444], %swap3A_447 {strides = array<i32>} : memref<128x128xf32, #tpu.memory_space<vmem>>, vector<1x16xf32>,
        %scan3A_448 = arith.constant 1 : i32
        %scan3A_449 = arith.addi %scan3A_427, %scan3A_448 : i32
        %get3A_450 = arith.index_cast %scan3A_449 : i32 to index
        %get3A_451 = arith.constant 0 : index
        %get3A_452 = tpu.vector_load %arg7[%get3A_450, %get3A_451] {strides = array<i32>} : memref<128x128xf32, #tpu.memory_space<vmem>>, vector<1x16xf32>,
        %get3A_453 = vector.shape_cast %get3A_452 : vector<1x16xf32> to vector<16xf32>
        %select_n3A_454 = arith.select %eq3A_5, %broadcast_in_dim3A_3, %get3A_453 : vector<16xi1>, vector<16xf32>
        %swap3A_455 = arith.index_cast %scan3A_449 : i32 to index
        %swap3A_456 = arith.constant 0 : index
        %swap3A_457 = tpu.vector_load %arg7[%swap3A_455, %swap3A_456] {strides = array<i32>} : memref<128x128xf32, #tpu.memory_space<vmem>>, vector<1x16xf32>,
        %swap3A_458 = vector.shape_cast %swap3A_457 : vector<1x16xf32> to vector<16xf32>
        %swap3A_459 = vector.shape_cast %select_n3A_454 : vector<16xf32> to vector<1x16xf32>
        tpu.vector_store %arg7[%swap3A_455, %swap3A_456], %swap3A_459 {strides = array<i32>} : memref<128x128xf32, #tpu.memory_space<vmem>>, vector<1x16xf32>,
        %get3A_460 = arith.index_cast %scan3A_449 : i32 to index
        %get3A_461 = arith.constant 112 : index
        %get3A_462 = tpu.vector_load %arg7[%get3A_460, %get3A_461] {strides = array<i32>} : memref<128x128xf32, #tpu.memory_space<vmem>>, vector<1x16xf32>,
        %get3A_463 = vector.shape_cast %get3A_462 : vector<1x16xf32> to vector<16xf32>
        %select_n3A_464 = arith.select %eq3A_8, %broadcast_in_dim3A_3, %get3A_463 : vector<16xi1>, vector<16xf32>
        %swap3A_465 = arith.index_cast %scan3A_449 : i32 to index
        %swap3A_466 = arith.constant 112 : index
        %swap3A_467 = tpu.vector_load %arg7[%swap3A_465, %swap3A_466] {strides = array<i32>} : memref<128x128xf32, #tpu.memory_space<vmem>>, vector<1x16xf32>,
        %swap3A_468 = vector.shape_cast %swap3A_467 : vector<1x16xf32> to vector<16xf32>
        %swap3A_469 = vector.shape_cast %select_n3A_464 : vector<16xf32> to vector<1x16xf32>
        tpu.vector_store %arg7[%swap3A_465, %swap3A_466], %swap3A_469 {strides = array<i32>} : memref<128x128xf32, #tpu.memory_space<vmem>>, vector<1x16xf32>,
        %scan3A_470 = arith.constant 2 : i32
        %scan3A_471 = arith.addi %scan3A_427, %scan3A_470 : i32
        %get3A_472 = arith.index_cast %scan3A_471 : i32 to index
        %get3A_473 = arith.constant 0 : index
        %get3A_474 = tpu.vector_load %arg7[%get3A_472, %get3A_473] {strides = array<i32>} : memref<128x128xf32, #tpu.memory_space<vmem>>, vector<1x16xf32>,
        %get3A_475 = vector.shape_cast %get3A_474 : vector<1x16xf32> to vector<16xf32>
        %select_n3A_476 = arith.select %eq3A_5, %broadcast_in_dim3A_3, %get3A_475 : vector<16xi1>, vector<16xf32>
        %swap3A_477 = arith.index_cast %scan3A_471 : i32 to index
        %swap3A_478 = arith.constant 0 : index
        %swap3A_479 = tpu.vector_load %arg7[%swap3A_477, %swap3A_478] {strides = array<i32>} : memref<128x128xf32, #tpu.memory_space<vmem>>, vector<1x16xf32>,
        %swap3A_480 = vector.shape_cast %swap3A_479 : vector<1x16xf32> to vector<16xf32>
        %swap3A_481 = vector.shape_cast %select_n3A_476 : vector<16xf32> to vector<1x16xf32>
        tpu.vector_store %arg7[%swap3A_477, %swap3A_478], %swap3A_481 {strides = array<i32>} : memref<128x128xf32, #tpu.memory_space<vmem>>, vector<1x16xf32>,
        %get3A_482 = arith.index_cast %scan3A_471 : i32 to index
        %get3A_483 = arith.constant 112 : index
        %get3A_484 = tpu.vector_load %arg7[%get3A_482, %get3A_483] {strides = array<i32>} : memref<128x128xf32, #tpu.memory_space<vmem>>, vector<1x16xf32>,
        %get3A_485 = vector.shape_cast %get3A_484 : vector<1x16xf32> to vector<16xf32>
        %select_n3A_486 = arith.select %eq3A_8, %broadcast_in_dim3A_3, %get3A_485 : vector<16xi1>, vector<16xf32>
        %swap3A_487 = arith.index_cast %scan3A_471 : i32 to index
        %swap3A_488 = arith.constant 112 : index
        %swap3A_489 = tpu.vector_load %arg7[%swap3A_487, %swap3A_488] {strides = array<i32>} : memref<128x128xf32, #tpu.memory_space<vmem>>, vector<1x16xf32>,
        %swap3A_490 = vector.shape_cast %swap3A_489 : vector<1x16xf32> to vector<16xf32>
        %swap3A_491 = vector.shape_cast %select_n3A_486 : vector<16xf32> to vector<1x16xf32>
        tpu.vector_store %arg7[%swap3A_487, %swap3A_488], %swap3A_491 {strides = array<i32>} : memref<128x128xf32, #tpu.memory_space<vmem>>, vector<1x16xf32>,
        %scan3A_492 = arith.constant 3 : i32
        %scan3A_493 = arith.addi %scan3A_427, %scan3A_492 : i32
        %get3A_494 = arith.index_cast %scan3A_493 : i32 to index
        %get3A_495 = arith.constant 0 : index
        %get3A_496 = tpu.vector_load %arg7[%get3A_494, %get3A_495] {strides = array<i32>} : memref<128x128xf32, #tpu.memory_space<vmem>>, vector<1x16xf32>,
        %get3A_497 = vector.shape_cast %get3A_496 : vector<1x16xf32> to vector<16xf32>
        %select_n3A_498 = arith.select %eq3A_5, %broadcast_in_dim3A_3, %get3A_497 : vector<16xi1>, vector<16xf32>
        %swap3A_499 = arith.index_cast %scan3A_493 : i32 to index
        %swap3A_500 = arith.constant 0 : index
        %swap3A_501 = tpu.vector_load %arg7[%swap3A_499, %swap3A_500] {strides = array<i32>} : memref<128x128xf32, #tpu.memory_space<vmem>>, vector<1x16xf32>,
        %swap3A_502 = vector.shape_cast %swap3A_501 : vector<1x16xf32> to vector<16xf32>
        %swap3A_503 = vector.shape_cast %select_n3A_498 : vector<16xf32> to vector<1x16xf32>
        tpu.vector_store %arg7[%swap3A_499, %swap3A_500], %swap3A_503 {strides = array<i32>} : memref<128x128xf32, #tpu.memory_space<vmem>>, vector<1x16xf32>,
        %get3A_504 = arith.index_cast %scan3A_493 : i32 to index
        %get3A_505 = arith.constant 112 : index
        %get3A_506 = tpu.vector_load %arg7[%get3A_504, %get3A_505] {strides = array<i32>} : memref<128x128xf32, #tpu.memory_space<vmem>>, vector<1x16xf32>,
        %get3A_507 = vector.shape_cast %get3A_506 : vector<1x16xf32> to vector<16xf32>
        %select_n3A_508 = arith.select %eq3A_8, %broadcast_in_dim3A_3, %get3A_507 : vector<16xi1>, vector<16xf32>
        %swap3A_509 = arith.index_cast %scan3A_493 : i32 to index
        %swap3A_510 = arith.constant 112 : index
        %swap3A_511 = tpu.vector_load %arg7[%swap3A_509, %swap3A_510] {strides = array<i32>} : memref<128x128xf32, #tpu.memory_space<vmem>>, vector<1x16xf32>,
        %swap3A_512 = vector.shape_cast %swap3A_511 : vector<1x16xf32> to vector<16xf32>
        %swap3A_513 = vector.shape_cast %select_n3A_508 : vector<16xf32> to vector<1x16xf32>
        tpu.vector_store %arg7[%swap3A_509, %swap3A_510], %swap3A_513 {strides = array<i32>} : memref<128x128xf32, #tpu.memory_space<vmem>>, vector<1x16xf32>,
        %scan3A_514 = arith.constant 4 : i32
        %scan3A_515 = arith.addi %scan3A_427, %scan3A_514 : i32
        %get3A_516 = arith.index_cast %scan3A_515 : i32 to index
        %get3A_517 = arith.constant 0 : index
        %get3A_518 = tpu.vector_load %arg7[%get3A_516, %get3A_517] {strides = array<i32>} : memref<128x128xf32, #tpu.memory_space<vmem>>, vector<1x16xf32>,
        %get3A_519 = vector.shape_cast %get3A_518 : vector<1x16xf32> to vector<16xf32>
        %select_n3A_520 = arith.select %eq3A_5, %broadcast_in_dim3A_3, %get3A_519 : vector<16xi1>, vector<16xf32>
        %swap3A_521 = arith.index_cast %scan3A_515 : i32 to index
        %swap3A_522 = arith.constant 0 : index
        %swap3A_523 = tpu.vector_load %arg7[%swap3A_521, %swap3A_522] {strides = array<i32>} : memref<128x128xf32, #tpu.memory_space<vmem>>, vector<1x16xf32>,
        %swap3A_524 = vector.shape_cast %swap3A_523 : vector<1x16xf32> to vector<16xf32>
        %swap3A_525 = vector.shape_cast %select_n3A_520 : vector<16xf32> to vector<1x16xf32>
        tpu.vector_store %arg7[%swap3A_521, %swap3A_522], %swap3A_525 {strides = array<i32>} : memref<128x128xf32, #tpu.memory_space<vmem>>, vector<1x16xf32>,
        %get3A_526 = arith.index_cast %scan3A_515 : i32 to index
        %get3A_527 = arith.constant 112 : index
        %get3A_528 = tpu.vector_load %arg7[%get3A_526, %get3A_527] {strides = array<i32>} : memref<128x128xf32, #tpu.memory_space<vmem>>, vector<1x16xf32>,
        %get3A_529 = vector.shape_cast %get3A_528 : vector<1x16xf32> to vector<16xf32>
        %select_n3A_530 = arith.select %eq3A_8, %broadcast_in_dim3A_3, %get3A_529 : vector<16xi1>, vector<16xf32>
        %swap3A_531 = arith.index_cast %scan3A_515 : i32 to index
        %swap3A_532 = arith.constant 112 : index
        %swap3A_533 = tpu.vector_load %arg7[%swap3A_531, %swap3A_532] {strides = array<i32>} : memref<128x128xf32, #tpu.memory_space<vmem>>, vector<1x16xf32>,
        %swap3A_534 = vector.shape_cast %swap3A_533 : vector<1x16xf32> to vector<16xf32>
        %swap3A_535 = vector.shape_cast %select_n3A_530 : vector<16xf32> to vector<1x16xf32>
        tpu.vector_store %arg7[%swap3A_531, %swap3A_532], %swap3A_535 {strides = array<i32>} : memref<128x128xf32, #tpu.memory_space<vmem>>, vector<1x16xf32>,
        %scan3A_536 = arith.constant 5 : i32
        %scan3A_537 = arith.addi %scan3A_427, %scan3A_536 : i32
        %get3A_538 = arith.index_cast %scan3A_537 : i32 to index
        %get3A_539 = arith.constant 0 : index
        %get3A_540 = tpu.vector_load %arg7[%get3A_538, %get3A_539] {strides = array<i32>} : memref<128x128xf32, #tpu.memory_space<vmem>>, vector<1x16xf32>,
        %get3A_541 = vector.shape_cast %get3A_540 : vector<1x16xf32> to vector<16xf32>
        %select_n3A_542 = arith.select %eq3A_5, %broadcast_in_dim3A_3, %get3A_541 : vector<16xi1>, vector<16xf32>
        %swap3A_543 = arith.index_cast %scan3A_537 : i32 to index
        %swap3A_544 = arith.constant 0 : index
        %swap3A_545 = tpu.vector_load %arg7[%swap3A_543, %swap3A_544] {strides = array<i32>} : memref<128x128xf32, #tpu.memory_space<vmem>>, vector<1x16xf32>,
        %swap3A_546 = vector.shape_cast %swap3A_545 : vector<1x16xf32> to vector<16xf32>
        %swap3A_547 = vector.shape_cast %select_n3A_542 : vector<16xf32> to vector<1x16xf32>
        tpu.vector_store %arg7[%swap3A_543, %swap3A_544], %swap3A_547 {strides = array<i32>} : memref<128x128xf32, #tpu.memory_space<vmem>>, vector<1x16xf32>,
        %get3A_548 = arith.index_cast %scan3A_537 : i32 to index
        %get3A_549 = arith.constant 112 : index
        %get3A_550 = tpu.vector_load %arg7[%get3A_548, %get3A_549] {strides = array<i32>} : memref<128x128xf32, #tpu.memory_space<vmem>>, vector<1x16xf32>,
        %get3A_551 = vector.shape_cast %get3A_550 : vector<1x16xf32> to vector<16xf32>
        %select_n3A_552 = arith.select %eq3A_8, %broadcast_in_dim3A_3, %get3A_551 : vector<16xi1>, vector<16xf32>
        %swap3A_553 = arith.index_cast %scan3A_537 : i32 to index
        %swap3A_554 = arith.constant 112 : index
        %swap3A_555 = tpu.vector_load %arg7[%swap3A_553, %swap3A_554] {strides = array<i32>} : memref<128x128xf32, #tpu.memory_space<vmem>>, vector<1x16xf32>,
        %swap3A_556 = vector.shape_cast %swap3A_555 : vector<1x16xf32> to vector<16xf32>
        %swap3A_557 = vector.shape_cast %select_n3A_552 : vector<16xf32> to vector<1x16xf32>
        tpu.vector_store %arg7[%swap3A_553, %swap3A_554], %swap3A_557 {strides = array<i32>} : memref<128x128xf32, #tpu.memory_space<vmem>>, vector<1x16xf32>,
        %scan3A_558 = arith.constant 6 : i32
        %scan3A_559 = arith.addi %scan3A_427, %scan3A_558 : i32
        %get3A_560 = arith.index_cast %scan3A_559 : i32 to index
        %get3A_561 = arith.constant 0 : index
        %get3A_562 = tpu.vector_load %arg7[%get3A_560, %get3A_561] {strides = array<i32>} : memref<128x128xf32, #tpu.memory_space<vmem>>, vector<1x16xf32>,
        %get3A_563 = vector.shape_cast %get3A_562 : vector<1x16xf32> to vector<16xf32>
        %select_n3A_564 = arith.select %eq3A_5, %broadcast_in_dim3A_3, %get3A_563 : vector<16xi1>, vector<16xf32>
        %swap3A_565 = arith.index_cast %scan3A_559 : i32 to index
        %swap3A_566 = arith.constant 0 : index
        %swap3A_567 = tpu.vector_load %arg7[%swap3A_565, %swap3A_566] {strides = array<i32>} : memref<128x128xf32, #tpu.memory_space<vmem>>, vector<1x16xf32>,
        %swap3A_568 = vector.shape_cast %swap3A_567 : vector<1x16xf32> to vector<16xf32>
        %swap3A_569 = vector.shape_cast %select_n3A_564 : vector<16xf32> to vector<1x16xf32>
        tpu.vector_store %arg7[%swap3A_565, %swap3A_566], %swap3A_569 {strides = array<i32>} : memref<128x128xf32, #tpu.memory_space<vmem>>, vector<1x16xf32>,
        %get3A_570 = arith.index_cast %scan3A_559 : i32 to index
        %get3A_571 = arith.constant 112 : index
        %get3A_572 = tpu.vector_load %arg7[%get3A_570, %get3A_571] {strides = array<i32>} : memref<128x128xf32, #tpu.memory_space<vmem>>, vector<1x16xf32>,
        %get3A_573 = vector.shape_cast %get3A_572 : vector<1x16xf32> to vector<16xf32>
        %select_n3A_574 = arith.select %eq3A_8, %broadcast_in_dim3A_3, %get3A_573 : vector<16xi1>, vector<16xf32>
        %swap3A_575 = arith.index_cast %scan3A_559 : i32 to index
        %swap3A_576 = arith.constant 112 : index
        %swap3A_577 = tpu.vector_load %arg7[%swap3A_575, %swap3A_576] {strides = array<i32>} : memref<128x128xf32, #tpu.memory_space<vmem>>, vector<1x16xf32>,
        %swap3A_578 = vector.shape_cast %swap3A_577 : vector<1x16xf32> to vector<16xf32>
        %swap3A_579 = vector.shape_cast %select_n3A_574 : vector<16xf32> to vector<1x16xf32>
        tpu.vector_store %arg7[%swap3A_575, %swap3A_576], %swap3A_579 {strides = array<i32>} : memref<128x128xf32, #tpu.memory_space<vmem>>, vector<1x16xf32>,
        %scan3A_580 = arith.constant 7 : i32
        %scan3A_581 = arith.addi %scan3A_427, %scan3A_580 : i32
        %get3A_582 = arith.index_cast %scan3A_581 : i32 to index
        %get3A_583 = arith.constant 0 : index
        %get3A_584 = tpu.vector_load %arg7[%get3A_582, %get3A_583] {strides = array<i32>} : memref<128x128xf32, #tpu.memory_space<vmem>>, vector<1x16xf32>,
        %get3A_585 = vector.shape_cast %get3A_584 : vector<1x16xf32> to vector<16xf32>
        %select_n3A_586 = arith.select %eq3A_5, %broadcast_in_dim3A_3, %get3A_585 : vector<16xi1>, vector<16xf32>
        %swap3A_587 = arith.index_cast %scan3A_581 : i32 to index
        %swap3A_588 = arith.constant 0 : index
        %swap3A_589 = tpu.vector_load %arg7[%swap3A_587, %swap3A_588] {strides = array<i32>} : memref<128x128xf32, #tpu.memory_space<vmem>>, vector<1x16xf32>,
        %swap3A_590 = vector.shape_cast %swap3A_589 : vector<1x16xf32> to vector<16xf32>
        %swap3A_591 = vector.shape_cast %select_n3A_586 : vector<16xf32> to vector<1x16xf32>
        tpu.vector_store %arg7[%swap3A_587, %swap3A_588], %swap3A_591 {strides = array<i32>} : memref<128x128xf32, #tpu.memory_space<vmem>>, vector<1x16xf32>,
        %get3A_592 = arith.index_cast %scan3A_581 : i32 to index
        %get3A_593 = arith.constant 112 : index
        %get3A_594 = tpu.vector_load %arg7[%get3A_592, %get3A_593] {strides = array<i32>} : memref<128x128xf32, #tpu.memory_space<vmem>>, vector<1x16xf32>,
        %get3A_595 = vector.shape_cast %get3A_594 : vector<1x16xf32> to vector<16xf32>
        %select_n3A_596 = arith.select %eq3A_8, %broadcast_in_dim3A_3, %get3A_595 : vector<16xi1>, vector<16xf32>
        %swap3A_597 = arith.index_cast %scan3A_581 : i32 to index
        %swap3A_598 = arith.constant 112 : index
        %swap3A_599 = tpu.vector_load %arg7[%swap3A_597, %swap3A_598] {strides = array<i32>} : memref<128x128xf32, #tpu.memory_space<vmem>>, vector<1x16xf32>,
        %swap3A_600 = vector.shape_cast %swap3A_599 : vector<1x16xf32> to vector<16xf32>
        %swap3A_601 = vector.shape_cast %select_n3A_596 : vector<16xf32> to vector<1x16xf32>
        tpu.vector_store %arg7[%swap3A_597, %swap3A_598], %swap3A_601 {strides = array<i32>} : memref<128x128xf32, #tpu.memory_space<vmem>>, vector<1x16xf32>,
      }
      %scan3A_296 = arith.constant 120 : i32
      %scan3A_297 = arith.addi %scan3A_292, %scan3A_296 : i32
      %get3A = arith.index_cast %scan3A_297 : i32 to index
      %get3A_298 = arith.constant 0 : index
      %get3A_299 = tpu.vector_load %arg7[%get3A, %get3A_298] {strides = array<i32>} : memref<128x128xf32, #tpu.memory_space<vmem>>, vector<1x16xf32>,
      %get3A_300 = vector.shape_cast %get3A_299 : vector<1x16xf32> to vector<16xf32>
      %select_n3A = arith.select %eq3A_5, %broadcast_in_dim3A_3, %get3A_300 : vector<16xi1>, vector<16xf32>
      %swap3A_301 = arith.index_cast %scan3A_297 : i32 to index
      %swap3A_302 = arith.constant 0 : index
      %swap3A_303 = tpu.vector_load %arg7[%swap3A_301, %swap3A_302] {strides = array<i32>} : memref<128x128xf32, #tpu.memory_space<vmem>>, vector<1x16xf32>,
      %swap3A_304 = vector.shape_cast %swap3A_303 : vector<1x16xf32> to vector<16xf32>
      %swap3A_305 = vector.shape_cast %select_n3A : vector<16xf32> to vector<1x16xf32>
      tpu.vector_store %arg7[%swap3A_301, %swap3A_302], %swap3A_305 {strides = array<i32>} : memref<128x128xf32, #tpu.memory_space<vmem>>, vector<1x16xf32>,
      %get3A_306 = arith.index_cast %scan3A_297 : i32 to index
      %get3A_307 = arith.constant 112 : index
      %get3A_308 = tpu.vector_load %arg7[%get3A_306, %get3A_307] {strides = array<i32>} : memref<128x128xf32, #tpu.memory_space<vmem>>, vector<1x16xf32>,
      %get3A_309 = vector.shape_cast %get3A_308 : vector<1x16xf32> to vector<16xf32>
      %select_n3A_310 = arith.select %eq3A_8, %broadcast_in_dim3A_3, %get3A_309 : vector<16xi1>, vector<16xf32>
      %swap3A_311 = arith.index_cast %scan3A_297 : i32 to index
      %swap3A_312 = arith.constant 112 : index
      %swap3A_313 = tpu.vector_load %arg7[%swap3A_311, %swap3A_312] {strides = array<i32>} : memref<128x128xf32, #tpu.memory_space<vmem>>, vector<1x16xf32>,
      %swap3A_314 = vector.shape_cast %swap3A_313 : vector<1x16xf32> to vector<16xf32>
      %swap3A_315 = vector.shape_cast %select_n3A_310 : vector<16xf32> to vector<1x16xf32>
      tpu.vector_store %arg7[%swap3A_311, %swap3A_312], %swap3A_315 {strides = array<i32>} : memref<128x128xf32, #tpu.memory_space<vmem>>, vector<1x16xf32>,
      %scan3A_316 = arith.constant 121 : i32
      %scan3A_317 = arith.addi %scan3A_292, %scan3A_316 : i32
      %get3A_318 = arith.index_cast %scan3A_317 : i32 to index
      %get3A_319 = arith.constant 0 : index
      %get3A_320 = tpu.vector_load %arg7[%get3A_318, %get3A_319] {strides = array<i32>} : memref<128x128xf32, #tpu.memory_space<vmem>>, vector<1x16xf32>,
      %get3A_321 = vector.shape_cast %get3A_320 : vector<1x16xf32> to vector<16xf32>
      %select_n3A_322 = arith.select %eq3A_5, %broadcast_in_dim3A_3, %get3A_321 : vector<16xi1>, vector<16xf32>
      %swap3A_323 = arith.index_cast %scan3A_317 : i32 to index
      %swap3A_324 = arith.constant 0 : index
      %swap3A_325 = tpu.vector_load %arg7[%swap3A_323, %swap3A_324] {strides = array<i32>} : memref<128x128xf32, #tpu.memory_space<vmem>>, vector<1x16xf32>,
      %swap3A_326 = vector.shape_cast %swap3A_325 : vector<1x16xf32> to vector<16xf32>
      %swap3A_327 = vector.shape_cast %select_n3A_322 : vector<16xf32> to vector<1x16xf32>
      tpu.vector_store %arg7[%swap3A_323, %swap3A_324], %swap3A_327 {strides = array<i32>} : memref<128x128xf32, #tpu.memory_space<vmem>>, vector<1x16xf32>,
      %get3A_328 = arith.index_cast %scan3A_317 : i32 to index
      %get3A_329 = arith.constant 112 : index
      %get3A_330 = tpu.vector_load %arg7[%get3A_328, %get3A_329] {strides = array<i32>} : memref<128x128xf32, #tpu.memory_space<vmem>>, vector<1x16xf32>,
      %get3A_331 = vector.shape_cast %get3A_330 : vector<1x16xf32> to vector<16xf32>
      %select_n3A_332 = arith.select %eq3A_8, %broadcast_in_dim3A_3, %get3A_331 : vector<16xi1>, vector<16xf32>
      %swap3A_333 = arith.index_cast %scan3A_317 : i32 to index
      %swap3A_334 = arith.constant 112 : index
      %swap3A_335 = tpu.vector_load %arg7[%swap3A_333, %swap3A_334] {strides = array<i32>} : memref<128x128xf32, #tpu.memory_space<vmem>>, vector<1x16xf32>,
      %swap3A_336 = vector.shape_cast %swap3A_335 : vector<1x16xf32> to vector<16xf32>
      %swap3A_337 = vector.shape_cast %select_n3A_332 : vector<16xf32> to vector<1x16xf32>
      tpu.vector_store %arg7[%swap3A_333, %swap3A_334], %swap3A_337 {strides = array<i32>} : memref<128x128xf32, #tpu.memory_space<vmem>>, vector<1x16xf32>,
      %scan3A_338 = arith.constant 122 : i32
      %scan3A_339 = arith.addi %scan3A_292, %scan3A_338 : i32
      %get3A_340 = arith.index_cast %scan3A_339 : i32 to index
      %get3A_341 = arith.constant 0 : index
      %get3A_342 = tpu.vector_load %arg7[%get3A_340, %get3A_341] {strides = array<i32>} : memref<128x128xf32, #tpu.memory_space<vmem>>, vector<1x16xf32>,
      %get3A_343 = vector.shape_cast %get3A_342 : vector<1x16xf32> to vector<16xf32>
      %select_n3A_344 = arith.select %eq3A_5, %broadcast_in_dim3A_3, %get3A_343 : vector<16xi1>, vector<16xf32>
      %swap3A_345 = arith.index_cast %scan3A_339 : i32 to index
      %swap3A_346 = arith.constant 0 : index
      %swap3A_347 = tpu.vector_load %arg7[%swap3A_345, %swap3A_346] {strides = array<i32>} : memref<128x128xf32, #tpu.memory_space<vmem>>, vector<1x16xf32>,
      %swap3A_348 = vector.shape_cast %swap3A_347 : vector<1x16xf32> to vector<16xf32>
      %swap3A_349 = vector.shape_cast %select_n3A_344 : vector<16xf32> to vector<1x16xf32>
      tpu.vector_store %arg7[%swap3A_345, %swap3A_346], %swap3A_349 {strides = array<i32>} : memref<128x128xf32, #tpu.memory_space<vmem>>, vector<1x16xf32>,
      %get3A_350 = arith.index_cast %scan3A_339 : i32 to index
      %get3A_351 = arith.constant 112 : index
      %get3A_352 = tpu.vector_load %arg7[%get3A_350, %get3A_351] {strides = array<i32>} : memref<128x128xf32, #tpu.memory_space<vmem>>, vector<1x16xf32>,
      %get3A_353 = vector.shape_cast %get3A_352 : vector<1x16xf32> to vector<16xf32>
      %select_n3A_354 = arith.select %eq3A_8, %broadcast_in_dim3A_3, %get3A_353 : vector<16xi1>, vector<16xf32>
      %swap3A_355 = arith.index_cast %scan3A_339 : i32 to index
      %swap3A_356 = arith.constant 112 : index
      %swap3A_357 = tpu.vector_load %arg7[%swap3A_355, %swap3A_356] {strides = array<i32>} : memref<128x128xf32, #tpu.memory_space<vmem>>, vector<1x16xf32>,
      %swap3A_358 = vector.shape_cast %swap3A_357 : vector<1x16xf32> to vector<16xf32>
      %swap3A_359 = vector.shape_cast %select_n3A_354 : vector<16xf32> to vector<1x16xf32>
      tpu.vector_store %arg7[%swap3A_355, %swap3A_356], %swap3A_359 {strides = array<i32>} : memref<128x128xf32, #tpu.memory_space<vmem>>, vector<1x16xf32>,
      %scan3A_360 = arith.constant 123 : i32
      %scan3A_361 = arith.addi %scan3A_292, %scan3A_360 : i32
      %get3A_362 = arith.index_cast %scan3A_361 : i32 to index
      %get3A_363 = arith.constant 0 : index
      %get3A_364 = tpu.vector_load %arg7[%get3A_362, %get3A_363] {strides = array<i32>} : memref<128x128xf32, #tpu.memory_space<vmem>>, vector<1x16xf32>,
      %get3A_365 = vector.shape_cast %get3A_364 : vector<1x16xf32> to vector<16xf32>
      %select_n3A_366 = arith.select %eq3A_5, %broadcast_in_dim3A_3, %get3A_365 : vector<16xi1>, vector<16xf32>
      %swap3A_367 = arith.index_cast %scan3A_361 : i32 to index
      %swap3A_368 = arith.constant 0 : index
      %swap3A_369 = tpu.vector_load %arg7[%swap3A_367, %swap3A_368] {strides = array<i32>} : memref<128x128xf32, #tpu.memory_space<vmem>>, vector<1x16xf32>,
      %swap3A_370 = vector.shape_cast %swap3A_369 : vector<1x16xf32> to vector<16xf32>
      %swap3A_371 = vector.shape_cast %select_n3A_366 : vector<16xf32> to vector<1x16xf32>
      tpu.vector_store %arg7[%swap3A_367, %swap3A_368], %swap3A_371 {strides = array<i32>} : memref<128x128xf32, #tpu.memory_space<vmem>>, vector<1x16xf32>,
      %get3A_372 = arith.index_cast %scan3A_361 : i32 to index
      %get3A_373 = arith.constant 112 : index
      %get3A_374 = tpu.vector_load %arg7[%get3A_372, %get3A_373] {strides = array<i32>} : memref<128x128xf32, #tpu.memory_space<vmem>>, vector<1x16xf32>,
      %get3A_375 = vector.shape_cast %get3A_374 : vector<1x16xf32> to vector<16xf32>
      %select_n3A_376 = arith.select %eq3A_8, %broadcast_in_dim3A_3, %get3A_375 : vector<16xi1>, vector<16xf32>
      %swap3A_377 = arith.index_cast %scan3A_361 : i32 to index
      %swap3A_378 = arith.constant 112 : index
      %swap3A_379 = tpu.vector_load %arg7[%swap3A_377, %swap3A_378] {strides = array<i32>} : memref<128x128xf32, #tpu.memory_space<vmem>>, vector<1x16xf32>,
      %swap3A_380 = vector.shape_cast %swap3A_379 : vector<1x16xf32> to vector<16xf32>
      %swap3A_381 = vector.shape_cast %select_n3A_376 : vector<16xf32> to vector<1x16xf32>
      tpu.vector_store %arg7[%swap3A_377, %swap3A_378], %swap3A_381 {strides = array<i32>} : memref<128x128xf32, #tpu.memory_space<vmem>>, vector<1x16xf32>,
      %scan3A_382 = arith.constant 124 : i32
      %scan3A_383 = arith.addi %scan3A_292, %scan3A_382 : i32
      %get3A_384 = arith.index_cast %scan3A_383 : i32 to index
      %get3A_385 = arith.constant 0 : index
      %get3A_386 = tpu.vector_load %arg7[%get3A_384, %get3A_385] {strides = array<i32>} : memref<128x128xf32, #tpu.memory_space<vmem>>, vector<1x16xf32>,
      %get3A_387 = vector.shape_cast %get3A_386 : vector<1x16xf32> to vector<16xf32>
      %select_n3A_388 = arith.select %eq3A_5, %broadcast_in_dim3A_3, %get3A_387 : vector<16xi1>, vector<16xf32>
      %swap3A_389 = arith.index_cast %scan3A_383 : i32 to index
      %swap3A_390 = arith.constant 0 : index
      %swap3A_391 = tpu.vector_load %arg7[%swap3A_389, %swap3A_390] {strides = array<i32>} : memref<128x128xf32, #tpu.memory_space<vmem>>, vector<1x16xf32>,
      %swap3A_392 = vector.shape_cast %swap3A_391 : vector<1x16xf32> to vector<16xf32>
      %swap3A_393 = vector.shape_cast %select_n3A_388 : vector<16xf32> to vector<1x16xf32>
      tpu.vector_store %arg7[%swap3A_389, %swap3A_390], %swap3A_393 {strides = array<i32>} : memref<128x128xf32, #tpu.memory_space<vmem>>, vector<1x16xf32>,
      %get3A_394 = arith.index_cast %scan3A_383 : i32 to index
      %get3A_395 = arith.constant 112 : index
      %get3A_396 = tpu.vector_load %arg7[%get3A_394, %get3A_395] {strides = array<i32>} : memref<128x128xf32, #tpu.memory_space<vmem>>, vector<1x16xf32>,
      %get3A_397 = vector.shape_cast %get3A_396 : vector<1x16xf32> to vector<16xf32>
      %select_n3A_398 = arith.select %eq3A_8, %broadcast_in_dim3A_3, %get3A_397 : vector<16xi1>, vector<16xf32>
      %swap3A_399 = arith.index_cast %scan3A_383 : i32 to index
      %swap3A_400 = arith.constant 112 : index
      %swap3A_401 = tpu.vector_load %arg7[%swap3A_399, %swap3A_400] {strides = array<i32>} : memref<128x128xf32, #tpu.memory_space<vmem>>, vector<1x16xf32>,
      %swap3A_402 = vector.shape_cast %swap3A_401 : vector<1x16xf32> to vector<16xf32>
      %swap3A_403 = vector.shape_cast %select_n3A_398 : vector<16xf32> to vector<1x16xf32>
      tpu.vector_store %arg7[%swap3A_399, %swap3A_400], %swap3A_403 {strides = array<i32>} : memref<128x128xf32, #tpu.memory_space<vmem>>, vector<1x16xf32>,
      %scan3A_404 = arith.constant 125 : i32
      %scan3A_405 = arith.addi %scan3A_292, %scan3A_404 : i32
      %get3A_406 = arith.index_cast %scan3A_405 : i32 to index
      %get3A_407 = arith.constant 0 : index
      %get3A_408 = tpu.vector_load %arg7[%get3A_406, %get3A_407] {strides = array<i32>} : memref<128x128xf32, #tpu.memory_space<vmem>>, vector<1x16xf32>,
      %get3A_409 = vector.shape_cast %get3A_408 : vector<1x16xf32> to vector<16xf32>
      %select_n3A_410 = arith.select %eq3A_5, %broadcast_in_dim3A_3, %get3A_409 : vector<16xi1>, vector<16xf32>
      %swap3A_411 = arith.index_cast %scan3A_405 : i32 to index
      %swap3A_412 = arith.constant 0 : index
      %swap3A_413 = tpu.vector_load %arg7[%swap3A_411, %swap3A_412] {strides = array<i32>} : memref<128x128xf32, #tpu.memory_space<vmem>>, vector<1x16xf32>,
      %swap3A_414 = vector.shape_cast %swap3A_413 : vector<1x16xf32> to vector<16xf32>
      %swap3A_415 = vector.shape_cast %select_n3A_410 : vector<16xf32> to vector<1x16xf32>
      tpu.vector_store %arg7[%swap3A_411, %swap3A_412], %swap3A_415 {strides = array<i32>} : memref<128x128xf32, #tpu.memory_space<vmem>>, vector<1x16xf32>,
      %get3A_416 = arith.index_cast %scan3A_405 : i32 to index
      %get3A_417 = arith.constant 112 : index
      %get3A_418 = tpu.vector_load %arg7[%get3A_416, %get3A_417] {strides = array<i32>} : memref<128x128xf32, #tpu.memory_space<vmem>>, vector<1x16xf32>,
      %get3A_419 = vector.shape_cast %get3A_418 : vector<1x16xf32> to vector<16xf32>
      %select_n3A_420 = arith.select %eq3A_8, %broadcast_in_dim3A_3, %get3A_419 : vector<16xi1>, vector<16xf32>
      %swap3A_421 = arith.index_cast %scan3A_405 : i32 to index
      %swap3A_422 = arith.constant 112 : index
      %swap3A_423 = tpu.vector_load %arg7[%swap3A_421, %swap3A_422] {strides = array<i32>} : memref<128x128xf32, #tpu.memory_space<vmem>>, vector<1x16xf32>,
      %swap3A_424 = vector.shape_cast %swap3A_423 : vector<1x16xf32> to vector<16xf32>
      %swap3A_425 = vector.shape_cast %select_n3A_420 : vector<16xf32> to vector<1x16xf32>
      tpu.vector_store %arg7[%swap3A_421, %swap3A_422], %swap3A_425 {strides = array<i32>} : memref<128x128xf32, #tpu.memory_space<vmem>>, vector<1x16xf32>,
      %scan3A_426 = arith.constant 126 : i32
    } else {
    }
    %not3A_152 = arith.constant true
    %not3A_153 = arith.xori %and3A_148, %not3A_152 : i1
    %convert_element_type3A_154 = arith.extui %not3A_153 : i1 to i32
    %cond3A_155 = arith.constant 0 : i32
    %cond3A_156 = arith.cmpi ne, %convert_element_type3A_154, %cond3A_155 : i32
    scf.if %cond3A_156 {
      %scan3A = arith.constant 0 : i32
      %scan3A_197 = arith.constant 0 : i32
      %scan3A_198 = arith.constant 128 : i32
      %scan3A_199 = arith.addi %scan3A_197, %scan3A_198 : i32
      %scan3A_200 = arith.constant 2 : i32
      scf.for %scan3A_202 = %scan3A_197 to %scan3A_199 step %scan3A_200  : i32 {
        %swap3A = arith.index_cast %scan3A_202 : i32 to index
        %swap3A_203 = arith.constant 0 : index
        %swap3A_204 = tpu.vector_load %arg7[%swap3A, %swap3A_203] {strides = array<i32>} : memref<128x128xf32, #tpu.memory_space<vmem>>, vector<1x16xf32>,
        %swap3A_205 = vector.shape_cast %swap3A_204 : vector<1x16xf32> to vector<16xf32>
        %swap3A_206 = vector.shape_cast %broadcast_in_dim3A_3 : vector<16xf32> to vector<1x16xf32>
        tpu.vector_store %arg7[%swap3A, %swap3A_203], %swap3A_206 {strides = array<i32>} : memref<128x128xf32, #tpu.memory_space<vmem>>, vector<1x16xf32>,
        %swap3A_207 = arith.index_cast %scan3A_202 : i32 to index
        %swap3A_208 = arith.constant 16 : index
        %swap3A_209 = tpu.vector_load %arg7[%swap3A_207, %swap3A_208] {strides = array<i32>} : memref<128x128xf32, #tpu.memory_space<vmem>>, vector<1x16xf32>,
        %swap3A_210 = vector.shape_cast %swap3A_209 : vector<1x16xf32> to vector<16xf32>
        %swap3A_211 = vector.shape_cast %broadcast_in_dim3A_3 : vector<16xf32> to vector<1x16xf32>
        tpu.vector_store %arg7[%swap3A_207, %swap3A_208], %swap3A_211 {strides = array<i32>} : memref<128x128xf32, #tpu.memory_space<vmem>>, vector<1x16xf32>,
        %swap3A_212 = arith.index_cast %scan3A_202 : i32 to index
        %swap3A_213 = arith.constant 32 : index
        %swap3A_214 = tpu.vector_load %arg7[%swap3A_212, %swap3A_213] {strides = array<i32>} : memref<128x128xf32, #tpu.memory_space<vmem>>, vector<1x16xf32>,
        %swap3A_215 = vector.shape_cast %swap3A_214 : vector<1x16xf32> to vector<16xf32>
        %swap3A_216 = vector.shape_cast %broadcast_in_dim3A_3 : vector<16xf32> to vector<1x16xf32>
        tpu.vector_store %arg7[%swap3A_212, %swap3A_213], %swap3A_216 {strides = array<i32>} : memref<128x128xf32, #tpu.memory_space<vmem>>, vector<1x16xf32>,
        %swap3A_217 = arith.index_cast %scan3A_202 : i32 to index
        %swap3A_218 = arith.constant 48 : index
        %swap3A_219 = tpu.vector_load %arg7[%swap3A_217, %swap3A_218] {strides = array<i32>} : memref<128x128xf32, #tpu.memory_space<vmem>>, vector<1x16xf32>,
        %swap3A_220 = vector.shape_cast %swap3A_219 : vector<1x16xf32> to vector<16xf32>
        %swap3A_221 = vector.shape_cast %broadcast_in_dim3A_3 : vector<16xf32> to vector<1x16xf32>
        tpu.vector_store %arg7[%swap3A_217, %swap3A_218], %swap3A_221 {strides = array<i32>} : memref<128x128xf32, #tpu.memory_space<vmem>>, vector<1x16xf32>,
        %swap3A_222 = arith.index_cast %scan3A_202 : i32 to index
        %swap3A_223 = arith.constant 64 : index
        %swap3A_224 = tpu.vector_load %arg7[%swap3A_222, %swap3A_223] {strides = array<i32>} : memref<128x128xf32, #tpu.memory_space<vmem>>, vector<1x16xf32>,
        %swap3A_225 = vector.shape_cast %swap3A_224 : vector<1x16xf32> to vector<16xf32>
        %swap3A_226 = vector.shape_cast %broadcast_in_dim3A_3 : vector<16xf32> to vector<1x16xf32>
        tpu.vector_store %arg7[%swap3A_222, %swap3A_223], %swap3A_226 {strides = array<i32>} : memref<128x128xf32, #tpu.memory_space<vmem>>, vector<1x16xf32>,
        %swap3A_227 = arith.index_cast %scan3A_202 : i32 to index
        %swap3A_228 = arith.constant 80 : index
        %swap3A_229 = tpu.vector_load %arg7[%swap3A_227, %swap3A_228] {strides = array<i32>} : memref<128x128xf32, #tpu.memory_space<vmem>>, vector<1x16xf32>,
        %swap3A_230 = vector.shape_cast %swap3A_229 : vector<1x16xf32> to vector<16xf32>
        %swap3A_231 = vector.shape_cast %broadcast_in_dim3A_3 : vector<16xf32> to vector<1x16xf32>
        tpu.vector_store %arg7[%swap3A_227, %swap3A_228], %swap3A_231 {strides = array<i32>} : memref<128x128xf32, #tpu.memory_space<vmem>>, vector<1x16xf32>,
        %swap3A_232 = arith.index_cast %scan3A_202 : i32 to index
        %swap3A_233 = arith.constant 96 : index
        %swap3A_234 = tpu.vector_load %arg7[%swap3A_232, %swap3A_233] {strides = array<i32>} : memref<128x128xf32, #tpu.memory_space<vmem>>, vector<1x16xf32>,
        %swap3A_235 = vector.shape_cast %swap3A_234 : vector<1x16xf32> to vector<16xf32>
        %swap3A_236 = vector.shape_cast %broadcast_in_dim3A_3 : vector<16xf32> to vector<1x16xf32>
        tpu.vector_store %arg7[%swap3A_232, %swap3A_233], %swap3A_236 {strides = array<i32>} : memref<128x128xf32, #tpu.memory_space<vmem>>, vector<1x16xf32>,
        %swap3A_237 = arith.index_cast %scan3A_202 : i32 to index
        %swap3A_238 = arith.constant 112 : index
        %swap3A_239 = tpu.vector_load %arg7[%swap3A_237, %swap3A_238] {strides = array<i32>} : memref<128x128xf32, #tpu.memory_space<vmem>>, vector<1x16xf32>,
        %swap3A_240 = vector.shape_cast %swap3A_239 : vector<1x16xf32> to vector<16xf32>
        %swap3A_241 = vector.shape_cast %broadcast_in_dim3A_3 : vector<16xf32> to vector<1x16xf32>
        tpu.vector_store %arg7[%swap3A_237, %swap3A_238], %swap3A_241 {strides = array<i32>} : memref<128x128xf32, #tpu.memory_space<vmem>>, vector<1x16xf32>,
        %scan3A_242 = arith.constant 1 : i32
        %scan3A_243 = arith.addi %scan3A_202, %scan3A_242 : i32
        %swap3A_244 = arith.index_cast %scan3A_243 : i32 to index
        %swap3A_245 = arith.constant 0 : index
        %swap3A_246 = tpu.vector_load %arg7[%swap3A_244, %swap3A_245] {strides = array<i32>} : memref<128x128xf32, #tpu.memory_space<vmem>>, vector<1x16xf32>,
        %swap3A_247 = vector.shape_cast %swap3A_246 : vector<1x16xf32> to vector<16xf32>
        %swap3A_248 = vector.shape_cast %broadcast_in_dim3A_3 : vector<16xf32> to vector<1x16xf32>
        tpu.vector_store %arg7[%swap3A_244, %swap3A_245], %swap3A_248 {strides = array<i32>} : memref<128x128xf32, #tpu.memory_space<vmem>>, vector<1x16xf32>,
        %swap3A_249 = arith.index_cast %scan3A_243 : i32 to index
        %swap3A_250 = arith.constant 16 : index
        %swap3A_251 = tpu.vector_load %arg7[%swap3A_249, %swap3A_250] {strides = array<i32>} : memref<128x128xf32, #tpu.memory_space<vmem>>, vector<1x16xf32>,
        %swap3A_252 = vector.shape_cast %swap3A_251 : vector<1x16xf32> to vector<16xf32>
        %swap3A_253 = vector.shape_cast %broadcast_in_dim3A_3 : vector<16xf32> to vector<1x16xf32>
        tpu.vector_store %arg7[%swap3A_249, %swap3A_250], %swap3A_253 {strides = array<i32>} : memref<128x128xf32, #tpu.memory_space<vmem>>, vector<1x16xf32>,
        %swap3A_254 = arith.index_cast %scan3A_243 : i32 to index
        %swap3A_255 = arith.constant 32 : index
        %swap3A_256 = tpu.vector_load %arg7[%swap3A_254, %swap3A_255] {strides = array<i32>} : memref<128x128xf32, #tpu.memory_space<vmem>>, vector<1x16xf32>,
        %swap3A_257 = vector.shape_cast %swap3A_256 : vector<1x16xf32> to vector<16xf32>
        %swap3A_258 = vector.shape_cast %broadcast_in_dim3A_3 : vector<16xf32> to vector<1x16xf32>
        tpu.vector_store %arg7[%swap3A_254, %swap3A_255], %swap3A_258 {strides = array<i32>} : memref<128x128xf32, #tpu.memory_space<vmem>>, vector<1x16xf32>,
        %swap3A_259 = arith.index_cast %scan3A_243 : i32 to index
        %swap3A_260 = arith.constant 48 : index
        %swap3A_261 = tpu.vector_load %arg7[%swap3A_259, %swap3A_260] {strides = array<i32>} : memref<128x128xf32, #tpu.memory_space<vmem>>, vector<1x16xf32>,
        %swap3A_262 = vector.shape_cast %swap3A_261 : vector<1x16xf32> to vector<16xf32>
        %swap3A_263 = vector.shape_cast %broadcast_in_dim3A_3 : vector<16xf32> to vector<1x16xf32>
        tpu.vector_store %arg7[%swap3A_259, %swap3A_260], %swap3A_263 {strides = array<i32>} : memref<128x128xf32, #tpu.memory_space<vmem>>, vector<1x16xf32>,
        %swap3A_264 = arith.index_cast %scan3A_243 : i32 to index
        %swap3A_265 = arith.constant 64 : index
        %swap3A_266 = tpu.vector_load %arg7[%swap3A_264, %swap3A_265] {strides = array<i32>} : memref<128x128xf32, #tpu.memory_space<vmem>>, vector<1x16xf32>,
        %swap3A_267 = vector.shape_cast %swap3A_266 : vector<1x16xf32> to vector<16xf32>
        %swap3A_268 = vector.shape_cast %broadcast_in_dim3A_3 : vector<16xf32> to vector<1x16xf32>
        tpu.vector_store %arg7[%swap3A_264, %swap3A_265], %swap3A_268 {strides = array<i32>} : memref<128x128xf32, #tpu.memory_space<vmem>>, vector<1x16xf32>,
        %swap3A_269 = arith.index_cast %scan3A_243 : i32 to index
        %swap3A_270 = arith.constant 80 : index
        %swap3A_271 = tpu.vector_load %arg7[%swap3A_269, %swap3A_270] {strides = array<i32>} : memref<128x128xf32, #tpu.memory_space<vmem>>, vector<1x16xf32>,
        %swap3A_272 = vector.shape_cast %swap3A_271 : vector<1x16xf32> to vector<16xf32>
        %swap3A_273 = vector.shape_cast %broadcast_in_dim3A_3 : vector<16xf32> to vector<1x16xf32>
        tpu.vector_store %arg7[%swap3A_269, %swap3A_270], %swap3A_273 {strides = array<i32>} : memref<128x128xf32, #tpu.memory_space<vmem>>, vector<1x16xf32>,
        %swap3A_274 = arith.index_cast %scan3A_243 : i32 to index
        %swap3A_275 = arith.constant 96 : index
        %swap3A_276 = tpu.vector_load %arg7[%swap3A_274, %swap3A_275] {strides = array<i32>} : memref<128x128xf32, #tpu.memory_space<vmem>>, vector<1x16xf32>,
        %swap3A_277 = vector.shape_cast %swap3A_276 : vector<1x16xf32> to vector<16xf32>
        %swap3A_278 = vector.shape_cast %broadcast_in_dim3A_3 : vector<16xf32> to vector<1x16xf32>
        tpu.vector_store %arg7[%swap3A_274, %swap3A_275], %swap3A_278 {strides = array<i32>} : memref<128x128xf32, #tpu.memory_space<vmem>>, vector<1x16xf32>,
        %swap3A_279 = arith.index_cast %scan3A_243 : i32 to index
        %swap3A_280 = arith.constant 112 : index
        %swap3A_281 = tpu.vector_load %arg7[%swap3A_279, %swap3A_280] {strides = array<i32>} : memref<128x128xf32, #tpu.memory_space<vmem>>, vector<1x16xf32>,
        %swap3A_282 = vector.shape_cast %swap3A_281 : vector<1x16xf32> to vector<16xf32>
        %swap3A_283 = vector.shape_cast %broadcast_in_dim3A_3 : vector<16xf32> to vector<1x16xf32>
        tpu.vector_store %arg7[%swap3A_279, %swap3A_280], %swap3A_283 {strides = array<i32>} : memref<128x128xf32, #tpu.memory_space<vmem>>, vector<1x16xf32>,
      }
      %scan3A_201 = arith.constant 128 : i32
    } else {
    }
    %dma_start3A_157 = arith.constant 0 : i32
    %dma_start3A_158 = arith.constant 0 : i32
    %dma_start3A_159 = tpu.memref_slice %arg3[%add3A_135, %dma_start3A_157, %dma_start3A_158] : memref<128x128x128xf32, #tpu.memory_space<hbm>> -> memref<1x128x128xf32, #tpu.memory_space<hbm>>
    %dma_start3A_160 = tpu.memref_squeeze %dma_start3A_159 : memref<1x128x128xf32, #tpu.memory_space<hbm>> -> memref<128x128xf32, #tpu.memory_space<hbm>>
    %dma_start3A_161 = arith.constant 0 : i32
    %dma_start3A_162 = arith.constant 0 : i32
    %dma_start3A_163 = tpu.memref_slice %arg3[%add3A_135, %dma_start3A_161, %dma_start3A_162] : memref<128x128x128xf32, #tpu.memory_space<hbm>> -> memref<1x128x128xf32, #tpu.memory_space<hbm>>
    %dma_start3A_164 = tpu.memref_squeeze %dma_start3A_163 : memref<1x128x128xf32, #tpu.memory_space<hbm>> -> memref<128x128xf32, #tpu.memory_space<hbm>>
    tpu.enqueue_dma source(%arg7 : memref<128x128xf32, #tpu.memory_space<vmem>>) target(%dma_start3A_164 : memref<128x128xf32, #tpu.memory_space<hbm>>) target_semaphore(%arg15 : memref<!tpu.dma_semaphore, #tpu.memory_space<semaphore_mem>>)
    %dma_wait3A_165 = arith.constant 0 : i32
    %dma_wait3A_166 = arith.constant 0 : i32
    %dma_wait3A_167 = tpu.memref_slice %arg3[%add3A_49, %dma_wait3A_165, %dma_wait3A_166] : memref<128x128x128xf32, #tpu.memory_space<hbm>> -> memref<1x128x128xf32, #tpu.memory_space<hbm>>
    %dma_wait3A_168 = tpu.memref_squeeze %dma_wait3A_167 : memref<1x128x128xf32, #tpu.memory_space<hbm>> -> memref<128x128xf32, #tpu.memory_space<hbm>>
    %dma_wait3A_169 = arith.constant 0 : i32
    %dma_wait3A_170 = arith.constant 0 : i32
    %dma_wait3A_171 = tpu.memref_slice %arg3[%add3A_49, %dma_wait3A_169, %dma_wait3A_170] : memref<128x128x128xf32, #tpu.memory_space<hbm>> -> memref<1x128x128xf32, #tpu.memory_space<hbm>>
    %dma_wait3A_172 = tpu.memref_squeeze %dma_wait3A_171 : memref<1x128x128xf32, #tpu.memory_space<hbm>> -> memref<128x128xf32, #tpu.memory_space<hbm>>
    tpu.wait_dma2 semaphore(%arg12 : memref<!tpu.dma_semaphore, #tpu.memory_space<semaphore_mem>>) src(%arg4 : memref<128x128xf32, #tpu.memory_space<vmem>>) dst(%dma_wait3A_172 : memref<128x128xf32, #tpu.memory_space<hbm>>)
    %dma_wait3A_173 = arith.constant 0 : i32
    %dma_wait3A_174 = arith.constant 0 : i32
    %dma_wait3A_175 = tpu.memref_slice %arg3[%add3A_73, %dma_wait3A_173, %dma_wait3A_174] : memref<128x128x128xf32, #tpu.memory_space<hbm>> -> memref<1x128x128xf32, #tpu.memory_space<hbm>>
    %dma_wait3A_176 = tpu.memref_squeeze %dma_wait3A_175 : memref<1x128x128xf32, #tpu.memory_space<hbm>> -> memref<128x128xf32, #tpu.memory_space<hbm>>
    %dma_wait3A_177 = arith.constant 0 : i32
    %dma_wait3A_178 = arith.constant 0 : i32
    %dma_wait3A_179 = tpu.memref_slice %arg3[%add3A_73, %dma_wait3A_177, %dma_wait3A_178] : memref<128x128x128xf32, #tpu.memory_space<hbm>> -> memref<1x128x128xf32, #tpu.memory_space<hbm>>
    %dma_wait3A_180 = tpu.memref_squeeze %dma_wait3A_179 : memref<1x128x128xf32, #tpu.memory_space<hbm>> -> memref<128x128xf32, #tpu.memory_space<hbm>>
    tpu.wait_dma2 semaphore(%arg13 : memref<!tpu.dma_semaphore, #tpu.memory_space<semaphore_mem>>) src(%arg5 : memref<128x128xf32, #tpu.memory_space<vmem>>) dst(%dma_wait3A_180 : memref<128x128xf32, #tpu.memory_space<hbm>>)
    %dma_wait3A_181 = arith.constant 0 : i32
    %dma_wait3A_182 = arith.constant 0 : i32
    %dma_wait3A_183 = tpu.memref_slice %arg3[%add3A_104, %dma_wait3A_181, %dma_wait3A_182] : memref<128x128x128xf32, #tpu.memory_space<hbm>> -> memref<1x128x128xf32, #tpu.memory_space<hbm>>
    %dma_wait3A_184 = tpu.memref_squeeze %dma_wait3A_183 : memref<1x128x128xf32, #tpu.memory_space<hbm>> -> memref<128x128xf32, #tpu.memory_space<hbm>>
    %dma_wait3A_185 = arith.constant 0 : i32
    %dma_wait3A_186 = arith.constant 0 : i32
    %dma_wait3A_187 = tpu.memref_slice %arg3[%add3A_104, %dma_wait3A_185, %dma_wait3A_186] : memref<128x128x128xf32, #tpu.memory_space<hbm>> -> memref<1x128x128xf32, #tpu.memory_space<hbm>>
    %dma_wait3A_188 = tpu.memref_squeeze %dma_wait3A_187 : memref<1x128x128xf32, #tpu.memory_space<hbm>> -> memref<128x128xf32, #tpu.memory_space<hbm>>
    tpu.wait_dma2 semaphore(%arg14 : memref<!tpu.dma_semaphore, #tpu.memory_space<semaphore_mem>>) src(%arg6 : memref<128x128xf32, #tpu.memory_space<vmem>>) dst(%dma_wait3A_188 : memref<128x128xf32, #tpu.memory_space<hbm>>)
    %dma_wait3A_189 = arith.constant 0 : i32
    %dma_wait3A_190 = arith.constant 0 : i32
    %dma_wait3A_191 = tpu.memref_slice %arg3[%add3A_135, %dma_wait3A_189, %dma_wait3A_190] : memref<128x128x128xf32, #tpu.memory_space<hbm>> -> memref<1x128x128xf32, #tpu.memory_space<hbm>>
    %dma_wait3A_192 = tpu.memref_squeeze %dma_wait3A_191 : memref<1x128x128xf32, #tpu.memory_space<hbm>> -> memref<128x128xf32, #tpu.memory_space<hbm>>
    %dma_wait3A_193 = arith.constant 0 : i32
    %dma_wait3A_194 = arith.constant 0 : i32
    %dma_wait3A_195 = tpu.memref_slice %arg3[%add3A_135, %dma_wait3A_193, %dma_wait3A_194] : memref<128x128x128xf32, #tpu.memory_space<hbm>> -> memref<1x128x128xf32, #tpu.memory_space<hbm>>
    %dma_wait3A_196 = tpu.memref_squeeze %dma_wait3A_195 : memref<1x128x128xf32, #tpu.memory_space<hbm>> -> memref<128x128xf32, #tpu.memory_space<hbm>>
    tpu.wait_dma2 semaphore(%arg15 : memref<!tpu.dma_semaphore, #tpu.memory_space<semaphore_mem>>) src(%arg7 : memref<128x128xf32, #tpu.memory_space<vmem>>) dst(%dma_wait3A_196 : memref<128x128xf32, #tpu.memory_space<hbm>>)
    return
  }
}

module attributes {stable_mosaic.version = 14 : i64} {
  func.func @_tc_kernel(%arg0: i32, %arg1: memref<16x128x128xf32, #tpu.memory_space<vmem>>, %arg2: memref<16x128x128xf32, #tpu.memory_space<vmem>>, %arg3: memref<16x128x128xf32, #tpu.memory_space<vmem>>, %arg4: memref<16x128x128xf32, #tpu.memory_space<vmem>>) attributes {dimension_semantics = [#tpu.dimension_semantics<arbitrary>], iteration_bounds = array<i64: 8>, scalar_prefetch = 0 : i64, scratch_operands = 0 : i64, tpu.core_type = #tpu.core_type<tc>, window_params = [{transform_indices = @transform_0, window_bounds = array<i64: 16, 128, 128>}, {transform_indices = @transform_1, window_bounds = array<i64: 16, 128, 128>}, {transform_indices = @transform_2, window_bounds = array<i64: 16, 128, 128>}, {transform_indices = @transform_3, window_bounds = array<i64: 16, 128, 128>}]} {
    %get3A = arith.constant 0 : index
    %get3A_0 = arith.constant 0 : index
    %get3A_1 = arith.constant 0 : index
    %get3A_2 = vector.load %arg1[%get3A, %get3A_0, %get3A_1] : memref<16x128x128xf32, #tpu.memory_space<vmem>>, vector<16x128x128xf32>
    %get3A_3 = arith.constant 0 : index
    %get3A_4 = arith.constant 0 : index
    %get3A_5 = arith.constant 0 : index
    %get3A_6 = vector.load %arg2[%get3A_3, %get3A_4, %get3A_5] : memref<16x128x128xf32, #tpu.memory_space<vmem>>, vector<16x128x128xf32>
    %iota3A = tpu.iota {dimensions = array<i32: 0>} : vector<16x1x1xi32>
    %mul3A = arith.constant 16 : i32
    %mul3A_7 = arith.muli %arg0, %mul3A : i32
    %add3A = vector.broadcast %mul3A_7 : i32 to vector<16x1x1xi32>
    %add3A_8 = arith.addi %iota3A, %add3A : vector<16x1x1xi32>
    %iota3A_9 = tpu.iota {dimensions = array<i32: 1>} : vector<1x128x1xi32>
    %iota3A_10 = tpu.iota {dimensions = array<i32: 2>} : vector<1x1x128xi32>
    %eq3A = arith.constant 0 : i32
    %eq3A_11 = vector.broadcast %eq3A : i32 to vector<1x128x1xi32>
    %eq3A_12 = arith.cmpi eq, %iota3A_9, %eq3A_11 : vector<1x128x1xi32>
    %slice3A = vector.extract_strided_slice %get3A_2 {offsets = [0, 1, 0], sizes = [16, 1, 128], strides = [1, 1, 1]} : vector<16x128x128xf32> to vector<16x1x128xf32>
    %eq3A_13 = arith.constant 127 : i32
    %eq3A_14 = vector.broadcast %eq3A_13 : i32 to vector<1x128x1xi32>
    %eq3A_15 = arith.cmpi eq, %iota3A_9, %eq3A_14 : vector<1x128x1xi32>
    %slice3A_16 = vector.extract_strided_slice %get3A_2 {offsets = [0, 126, 0], sizes = [16, 1, 128], strides = [1, 1, 1]} : vector<16x128x128xf32> to vector<16x1x128xf32>
    %broadcast_in_dim3A = vector.shape_cast %eq3A_15 : vector<1x128x1xi1> to vector<1x128x1xi1>
    %broadcast_in_dim3A_17 = vector.broadcast %broadcast_in_dim3A : vector<1x128x1xi1> to vector<16x128x128xi1>
    %broadcast_in_dim3A_18 = vector.shape_cast %slice3A_16 : vector<16x1x128xf32> to vector<16x1x128xf32>
    %broadcast_in_dim3A_19 = vector.broadcast %broadcast_in_dim3A_18 : vector<16x1x128xf32> to vector<16x128x128xf32>
    %select_n3A = arith.select %broadcast_in_dim3A_17, %broadcast_in_dim3A_19, %get3A_2 : vector<16x128x128xi1>, vector<16x128x128xf32>
    %broadcast_in_dim3A_20 = vector.shape_cast %eq3A_12 : vector<1x128x1xi1> to vector<1x128x1xi1>
    %broadcast_in_dim3A_21 = vector.broadcast %broadcast_in_dim3A_20 : vector<1x128x1xi1> to vector<16x128x128xi1>
    %broadcast_in_dim3A_22 = vector.shape_cast %slice3A : vector<16x1x128xf32> to vector<16x1x128xf32>
    %broadcast_in_dim3A_23 = vector.broadcast %broadcast_in_dim3A_22 : vector<16x1x128xf32> to vector<16x128x128xf32>
    %select_n3A_24 = arith.select %broadcast_in_dim3A_21, %broadcast_in_dim3A_23, %select_n3A : vector<16x128x128xi1>, vector<16x128x128xf32>
    %eq3A_25 = arith.constant 0 : i32
    %eq3A_26 = vector.broadcast %eq3A_25 : i32 to vector<1x1x128xi32>
    %eq3A_27 = arith.cmpi eq, %iota3A_10, %eq3A_26 : vector<1x1x128xi32>
    %eq3A_28 = arith.constant 127 : i32
    %eq3A_29 = vector.broadcast %eq3A_28 : i32 to vector<1x1x128xi32>
    %eq3A_30 = arith.cmpi eq, %iota3A_10, %eq3A_29 : vector<1x1x128xi32>
    %or3A = arith.ori %eq3A_27, %eq3A_30 : vector<1x1x128xi1>
    %ge3A = arith.constant 1 : i32
    %ge3A_31 = vector.broadcast %ge3A : i32 to vector<1x128x1xi32>
    %ge3A_32 = arith.cmpi sge, %iota3A_9, %ge3A_31 : vector<1x128x1xi32>
    %le3A = arith.constant 126 : i32
    %le3A_33 = vector.broadcast %le3A : i32 to vector<1x128x1xi32>
    %le3A_34 = arith.cmpi sle, %iota3A_9, %le3A_33 : vector<1x128x1xi32>
    %and3A = arith.andi %ge3A_32, %le3A_34 : vector<1x128x1xi1>
    %and3A_35 = vector.broadcast %or3A : vector<1x1x128xi1> to vector<1x128x128xi1>
    %and3A_36 = vector.broadcast %and3A : vector<1x128x1xi1> to vector<1x128x128xi1>
    %and3A_37 = arith.andi %and3A_35, %and3A_36 : vector<1x128x128xi1>
    %jit3A = arith.constant 1.000000e+00 : f32
    %broadcast_in_dim3A_38 = vector.shape_cast %and3A_37 : vector<1x128x128xi1> to vector<1x128x128xi1>
    %broadcast_in_dim3A_39 = vector.broadcast %broadcast_in_dim3A_38 : vector<1x128x128xi1> to vector<16x128x128xi1>
    %broadcast_in_dim3A_40 = vector.broadcast %jit3A : f32 to vector<16x128x128xf32>
    %select_n3A_41 = arith.select %broadcast_in_dim3A_39, %broadcast_in_dim3A_40, %select_n3A_24 : vector<16x128x128xi1>, vector<16x128x128xf32>
    %eq3A_42 = arith.constant 0 : i32
    %eq3A_43 = vector.broadcast %eq3A_42 : i32 to vector<16x1x1xi32>
    %eq3A_44 = arith.cmpi eq, %add3A_8, %eq3A_43 : vector<16x1x1xi32>
    %slice3A_45 = vector.extract_strided_slice %get3A_2 {offsets = [1, 0, 0], sizes = [1, 128, 128], strides = [1, 1, 1]} : vector<16x128x128xf32> to vector<1x128x128xf32>
    %broadcast_in_dim3A_46 = vector.shape_cast %eq3A_44 : vector<16x1x1xi1> to vector<16x1x1xi1>
    %broadcast_in_dim3A_47 = vector.broadcast %broadcast_in_dim3A_46 : vector<16x1x1xi1> to vector<16x128x128xi1>
    %broadcast_in_dim3A_48 = vector.shape_cast %slice3A_45 : vector<1x128x128xf32> to vector<1x128x128xf32>
    %broadcast_in_dim3A_49 = vector.broadcast %broadcast_in_dim3A_48 : vector<1x128x128xf32> to vector<16x128x128xf32>
    %select_n3A_50 = arith.select %broadcast_in_dim3A_47, %broadcast_in_dim3A_49, %select_n3A_41 : vector<16x128x128xi1>, vector<16x128x128xf32>
    %eq3A_51 = arith.constant 127 : i32
    %eq3A_52 = vector.broadcast %eq3A_51 : i32 to vector<16x1x1xi32>
    %eq3A_53 = arith.cmpi eq, %add3A_8, %eq3A_52 : vector<16x1x1xi32>
    %slice3A_54 = vector.extract_strided_slice %get3A_2 {offsets = [14, 0, 0], sizes = [1, 128, 128], strides = [1, 1, 1]} : vector<16x128x128xf32> to vector<1x128x128xf32>
    %broadcast_in_dim3A_55 = vector.shape_cast %eq3A_53 : vector<16x1x1xi1> to vector<16x1x1xi1>
    %broadcast_in_dim3A_56 = vector.broadcast %broadcast_in_dim3A_55 : vector<16x1x1xi1> to vector<16x128x128xi1>
    %broadcast_in_dim3A_57 = vector.shape_cast %slice3A_54 : vector<1x128x128xf32> to vector<1x128x128xf32>
    %broadcast_in_dim3A_58 = vector.broadcast %broadcast_in_dim3A_57 : vector<1x128x128xf32> to vector<16x128x128xf32>
    %select_n3A_59 = arith.select %broadcast_in_dim3A_56, %broadcast_in_dim3A_58, %select_n3A_50 : vector<16x128x128xi1>, vector<16x128x128xf32>
    %eq3A_60 = arith.constant 0 : i32
    %eq3A_61 = vector.broadcast %eq3A_60 : i32 to vector<16x1x1xi32>
    %eq3A_62 = arith.cmpi eq, %add3A_8, %eq3A_61 : vector<16x1x1xi32>
    %eq3A_63 = arith.constant 127 : i32
    %eq3A_64 = vector.broadcast %eq3A_63 : i32 to vector<16x1x1xi32>
    %eq3A_65 = arith.cmpi eq, %add3A_8, %eq3A_64 : vector<16x1x1xi32>
    %or3A_66 = arith.ori %eq3A_62, %eq3A_65 : vector<16x1x1xi1>
    %eq3A_67 = arith.constant 0 : i32
    %eq3A_68 = vector.broadcast %eq3A_67 : i32 to vector<1x128x1xi32>
    %eq3A_69 = arith.cmpi eq, %iota3A_9, %eq3A_68 : vector<1x128x1xi32>
    %or3A_70 = vector.broadcast %or3A_66 : vector<16x1x1xi1> to vector<16x128x1xi1>
    %or3A_71 = vector.broadcast %eq3A_69 : vector<1x128x1xi1> to vector<16x128x1xi1>
    %or3A_72 = arith.ori %or3A_70, %or3A_71 : vector<16x128x1xi1>
    %eq3A_73 = arith.constant 127 : i32
    %eq3A_74 = vector.broadcast %eq3A_73 : i32 to vector<1x128x1xi32>
    %eq3A_75 = arith.cmpi eq, %iota3A_9, %eq3A_74 : vector<1x128x1xi32>
    %or3A_76 = vector.broadcast %eq3A_75 : vector<1x128x1xi1> to vector<16x128x1xi1>
    %or3A_77 = arith.ori %or3A_72, %or3A_76 : vector<16x128x1xi1>
    %or3A_78 = vector.broadcast %or3A_77 : vector<16x128x1xi1> to vector<16x128x128xi1>
    %or3A_79 = vector.broadcast %or3A : vector<1x1x128xi1> to vector<16x128x128xi1>
    %or3A_80 = arith.ori %or3A_78, %or3A_79 : vector<16x128x128xi1>
    %swap3A = arith.constant 0 : index
    %swap3A_81 = arith.constant 0 : index
    %swap3A_82 = arith.constant 0 : index
    %swap3A_83 = vector.load %arg3[%swap3A, %swap3A_81, %swap3A_82] : memref<16x128x128xf32, #tpu.memory_space<vmem>>, vector<16x128x128xf32>
    tpu.vector_store %arg3[%swap3A, %swap3A_81, %swap3A_82], %select_n3A_59 {strides = array<i32>} : memref<16x128x128xf32, #tpu.memory_space<vmem>>, vector<16x128x128xf32>,
    %jit3A_84 = arith.constant 0.000000e+00 : f32
    %broadcast_in_dim3A_85 = vector.broadcast %jit3A_84 : f32 to vector<16x128x128xf32>
    %select_n3A_86 = arith.select %or3A_80, %broadcast_in_dim3A_85, %get3A_6 : vector<16x128x128xi1>, vector<16x128x128xf32>
    %swap3A_87 = arith.constant 0 : index
    %swap3A_88 = arith.constant 0 : index
    %swap3A_89 = arith.constant 0 : index
    %swap3A_90 = vector.load %arg4[%swap3A_87, %swap3A_88, %swap3A_89] : memref<16x128x128xf32, #tpu.memory_space<vmem>>, vector<16x128x128xf32>
    tpu.vector_store %arg4[%swap3A_87, %swap3A_88, %swap3A_89], %select_n3A_86 {strides = array<i32>} : memref<16x128x128xf32, #tpu.memory_space<vmem>>, vector<16x128x128xf32>,
    return
  }
  func.func @transform_0(%arg0: i32) -> (i32, i32, i32) {
    %c0_i32 = arith.constant 0 : i32
    %c0_i32_0 = arith.constant 0 : i32
    %c0_i32_1 = arith.constant 0 : i32
    return %arg0, %c0_i32, %c0_i32_0 : i32, i32, i32
  }
  func.func @transform_1(%arg0: i32) -> (i32, i32, i32) {
    %c0_i32 = arith.constant 0 : i32
    %c0_i32_0 = arith.constant 0 : i32
    %c0_i32_1 = arith.constant 0 : i32
    return %arg0, %c0_i32, %c0_i32_0 : i32, i32, i32
  }
  func.func @transform_2(%arg0: i32) -> (i32, i32, i32) {
    %c0_i32 = arith.constant 0 : i32
    %c0_i32_0 = arith.constant 0 : i32
    %c0_i32_1 = arith.constant 0 : i32
    return %arg0, %c0_i32, %c0_i32_0 : i32, i32, i32
  }
  func.func @transform_3(%arg0: i32) -> (i32, i32, i32) {
    %c0_i32 = arith.constant 0 : i32
    %c0_i32_0 = arith.constant 0 : i32
    %c0_i32_1 = arith.constant 0 : i32
    return %arg0, %c0_i32, %c0_i32_0 : i32, i32, i32
  }
}

</mosaic_0001>

<sc_bundles>
// kernel: kernel.4.cloned.1.call-start
scs
__scs_entry_jumppad:
0x0: {  	(pc) =	sbr.rel $0x88, $3  }
0x1: {  	(tag) =	ssettag $0x0;
	lr =	simm.s32 $0x1  }
0x2: {  	[smem:$0x3F9E] =	sst lr;
	_ =	strace $0xD0000000  }
0x3: {  	_ = 	snop  }
0x4: {  	_ = 	snop  }
0x5: {  	_ = 	snop  }
0x6: {  	_ = 	snop  }
0x7: {  	_ = 	snop  }
__scs_overlays_trampoline_lowered:
0x8: {  	[smem:$0x3FAD] =	sst s0  }
0x9: {  	[smem:$0x3FAE] =	sst s1  }
0xa: {  	[smem:$0x3FAF] =	sst s2  }
0xb: {  	[smem:$0x3FB0] =	sst s3  }
0xc: {  	[smem:$0x3FB1] =	sst s4  }
0xd: {  	[smem:$0x3FB2] =	sst s5  }
0xe: {  	[smem:$0x3FB3] =	sst s6  }
0xf: {  	[smem:$0x3FB4] =	sst s7  }
0x10: {  	[smem:$0x3FB5] =	sst s8  }
0x11: {  	[smem:$0x3FB6] =	sst s9;
	s0 =	simm.s32 @!p0 $0x0  }
0x12: {  	s1 =	sld [smem:$0x3F9C];
	s0 =	simm.s32 @p0 $0x1  }
0x13: {  	[smem:$0x3FB7] =	sst s0;
	s0 =	simm.s32 @!p1 $0x0  }
0x14: {  	s2 =	sld [smem:$0x3F9B];
	s0 =	simm.s32 @p1 $0x1  }
0x15: {  	[smem:$0x3FB8] =	sst s0;
	s0 =	simm.s32 @!p2 $0x0  }
0x16: {  	s3 =	sld [smem:$0x3FDB];
	s0 =	simm.s32 @p2 $0x1  }
0x17: {  	s4 =	simm.s32 $0x1BF5;
	[smem:$0x3FBA] =	sst s0  }
0x18: {  	s0 =	sld [smem:$0x3F9D];
	_ =	swait.ge [sflag:s4], $0x0  }
0x19: {  	s7 =	sld [smem:$0x3F9E]  }
0x1a: {  	s8 =	sadd.s32 $0xFFFFE003, lr  }
0x1b: {  	s9 =	sadd.s32 $0xFFFFFEF7, lr;
	s5 =	simm.s32 $0xFFFFFFFF;
	p2 =	slt.u32 s8, $0xFFFFF086  }
0x1c: {  	p1 =	slt.u32 s9, $0xF7A;
	s5 =	simm.s32 @!p2 $0x0  }
0x1d: {  	s5 =	simm.s32 @p1 $0x1;
	p0 =	seq.s32 s7, s2  }
0x1e: {  	s7 =	smul.u32 @!p0 $0xF7A, s2;
	p2 =	seq.s32 @!p0 s5, $0x0  }
0x1f: {  	s9 =	smul.u32 $0xF7A, s1;
	s8 =	simm.s32 @!p0 $0x1BF5;
	p2 =	por !p2, p0  }
0x20: {  	[sflag:s8] =	ssyncset.s32 @!p0 $0xFFFFF086;
	s6 =	sadd.s32 @!p0 s3, s7;
	s7 =	simm.s32 @!p0 $0x108  }
0x21: {  	s3 =	sadd.s32 s3, s9;
	s6 =	sadd.s32 @!p0 $0x88, s6;
	s7 =	simm.s32 @p2 $0x1082  }
0x22: {  	[simem:s7], [sflag:s8] =	dma.local @!p0 [hbm:s6], $0xF7A  }
0x23: {  	s9 =	sor.u32 $0xD0000000, s2;
	s6 =	simm.s32 $0x108;
	_ =	swait.ge @!p0 [sflag:s8], $0x0  }
0x24: {  	s3 =	sadd.s32 $0x88, s3;
	s6 =	simm.s32 @!p1 $0x1082;
	[sflag:s4] =	ssyncset.s32 $0xFFFFF086  }
0x25: {  	[simem:s6], [sflag:s4] =	dma.local [hbm:s3], $0xF7A  }
0x26: {  	[smem:$0x3F9E] =	sst s1;
	(tag) =	ssettag s2;
	_ =	strace s9  }
0x27: {  	s1 =	sld [smem:$0x3FAE]  }
0x28: {  	s2 =	sld [smem:$0x3FAF]  }
0x29: {  	s4 =	sld [smem:$0x3FB1]  }
0x2a: {  	p0 =	seq.s32 s5, $0x0;
	s5 =	sld [smem:$0x3FB2]  }
0x2b: {  	s6 =	sld [smem:$0x3FB3]  }
0x2c: {  	s7 =	sld [smem:$0x3FB4]  }
0x2d: {  	s3 =	simm.s32 $0x108;
	s8 =	sld [smem:$0x3FB5]  }
0x2e: {  	s3 =	simm.s32 @!p0 $0x1082;
	s9 =	sld [smem:$0x3FB6]  }
0x2f: {  	lr =	sadd.s32 s0, s3;
	s0 =	sld [smem:$0x3FAD]  }
0x30: {  	s3 =	sld [smem:$0x3FB0]  }
0x31: {  	[smem:$0x3FB9] =	sst s10  }
0x32: {  	s10 =	sld [smem:$0x3FB7];
	_ =	sdelay $0x3  }
0x33: {  	p0 =	seq.s32 s10, $0x1;
	s10 =	sld [smem:$0x3FB9];
	_ =	sdelay $0x3  }
0x34: {  	[smem:$0x3FB9] =	sst s10  }
0x35: {  	s10 =	sld [smem:$0x3FB8];
	_ =	sdelay $0x3  }
0x36: {  	p1 =	seq.s32 s10, $0x1;
	s10 =	sld [smem:$0x3FB9];
	_ =	sdelay $0x3  }
0x37: {  	[smem:$0x3FB9] =	sst s10  }
0x38: {  	s10 =	sld [smem:$0x3FBA]  }
0x39: {  	_ = 	snop;
	(pc) =	sbr.ind lr, $3  }
0x3a: {  	_ = 	snop  }
0x3b: {  	_ = 	snop  }
0x3c: {  	p2 =	seq.s32 s10, $0x1;
	s10 =	sld [smem:$0x3FB9]  }
0x3d: {  	_ =	shalt  }
0x3e: {  	_ =	shalt  }
0x3f: {  	_ =	shalt  }
0x40: {  	_ =	shalt  }
0x41: {  	_ =	shalt  }
0x42: {  	_ =	shalt  }
0x43: {  	_ =	shalt  }
0x44: {  	_ =	shalt  }
0x45: {  	_ =	shalt  }
0x46: {  	_ =	shalt  }
0x47: {  	_ =	shalt  }
0x48: {  	_ =	shalt  }
0x49: {  	_ =	shalt  }
0x4a: {  	_ =	shalt  }
0x4b: {  	_ =	shalt  }
0x4c: {  	_ =	shalt  }
0x4d: {  	_ =	shalt  }
0x4e: {  	_ =	shalt  }
0x4f: {  	_ =	shalt  }
0x50: {  	_ =	shalt  }
0x51: {  	_ =	shalt  }
0x52: {  	_ =	shalt  }
0x53: {  	_ =	shalt  }
0x54: {  	_ =	shalt  }
0x55: {  	_ =	shalt  }
0x56: {  	_ =	shalt  }
0x57: {  	_ =	shalt  }
0x58: {  	_ =	shalt  }
0x59: {  	_ =	shalt  }
0x5a: {  	_ =	shalt  }
0x5b: {  	_ =	shalt  }
0x5c: {  	_ =	shalt  }
0x5d: {  	_ =	shalt  }
0x5e: {  	_ =	shalt  }
0x5f: {  	_ =	shalt  }
0x60: {  	_ =	shalt  }
0x61: {  	_ =	shalt  }
0x62: {  	_ =	shalt  }
0x63: {  	_ =	shalt  }
0x64: {  	_ =	shalt  }
0x65: {  	_ =	shalt  }
0x66: {  	_ =	shalt  }
0x67: {  	_ =	shalt  }
0x68: {  	_ =	shalt  }
0x69: {  	_ =	shalt  }
0x6a: {  	_ =	shalt  }
0x6b: {  	_ =	shalt  }
0x6c: {  	_ =	shalt  }
0x6d: {  	_ =	shalt  }
0x6e: {  	_ =	shalt  }
0x6f: {  	_ =	shalt  }
0x70: {  	_ =	shalt  }
0x71: {  	_ =	shalt  }
0x72: {  	_ =	shalt  }
0x73: {  	_ =	shalt  }
0x74: {  	_ =	shalt  }
0x75: {  	_ =	shalt  }
0x76: {  	_ =	shalt  }
0x77: {  	_ =	shalt  }
0x78: {  	_ =	shalt  }
0x79: {  	_ =	shalt  }
0x7a: {  	_ =	shalt  }
0x7b: {  	_ =	shalt  }
0x7c: {  	_ =	shalt  }
0x7d: {  	_ =	shalt  }
0x7e: {  	_ =	shalt  }
0x7f: {  	_ =	shalt  }
0x80: {  	_ =	shalt  }
0x81: {  	_ =	shalt  }
0x82: {  	_ =	shalt  }
0x83: {  	_ =	shalt  }
0x84: {  	_ =	shalt  }
0x85: {  	_ =	shalt  }
0x86: {  	_ =	shalt  }
0x87: {  	_ =	shalt  }
.Lfunc_end0:
.L_simem_size_0:
called_computation_lowered:
.L_overlay_start_0:
0x88: {  	s2 =	sld [smem:$0x3FD9]  }
0x89: {  	s3 =	sld [smem:$0x3FFE];
	_ =	sdelay $0x1  }
0x8a: {  	s1 =	srdreg.scid  }
0x8b: {  	s0 =	sand.u32 $0x1, s1  }
0x8c: {  	s15 =	sshll.u32 s0, $0xA;
	s2 =	sadd.s32 s3, s2  }
0x8d: {  	s2 =	sadd.s32 s2, s15  }
0x8e: {  	[smem:$0x3FC5] =	sst s2  }
0x8f: {  	_ = 	snop  }
0x90: {  	s2 =	sld [smem:$0x3FD0];
	_ =	sdelay $0x2  }
0x91: {  	s4 =	simm.s32 $0xA;
	s5 =	simm.s32 $0x10;
	s16 =	sld [smem:$0x3FC7]  }
0x92: {  	[smem:s5], [sflag:s4] =	dma.local [hbm:s2], $0x1  }
0x93: {  	_ =	swait.eq [sflag:s4], $0x1  }
0x94: {  	[sflag:s4] =	ssyncset.done $0x0  }
0x95: {  	[sflag:s4] =	ssyncadd.s32 $0xFFFFFFFF  }
0x96: {  	s17 =	sld [smem:$0x12];
	(tm) =	ssettm $0x1  }
0x97: {  	s18 =	sld [smem:$0x3FFB];
	_ =	sdelay $0x3  }
0x98: {  	_ =	strace s18  }
0x99: {  	s4 =	sld [smem:$0x3FFC];
	_ =	sdelay $0x3  }
0x9a: {  	_ =	strace s4  }
0x9b: {  	s4 =	sld [smem:$0x3FFD];
	_ =	sdelay $0x3  }
0x9c: {  	_ =	strace s4  }
0x9d: {  	_ =	strace $0x8FFFFFFF  }
0x9e: {  	s19 =	sld [smem:$0x3FDB];
	_ =	sdelay $0x1  }
0x9f: {  	s20 =	simm.s32 $_scs_section_size  }
0xa0: {  	s6 =	simm.s32 $_size__tile_overlayer_lowered;
	s7 =	simm.s32 $_tile_overlayer_lowered  }
0xa1: {  	s23 =	simm.s32 $0x1BFF;
	s22 =	sshll.u32 s7, $0x1;
	s4 =	sadd.s32 s20, s19  }
0xa2: {  	s8 =	simm.s32 $0x0;
	s21 =	sshll.u32 s6, $0x1;
	s6 =	sadd.s32 s22, s4  }
0xa3: {  	[timem:s8], [sflag:s23] =	dma.local [hbm:s6], s21  }
0xa4: {  	_ =	swait.ge [sflag:s23], s21  }
0xa5: {  	s5 =	ssub.s32 $0x0, s21;
	[sflag:s23] =	ssyncset.done $0x0  }
0xa6: {  	[sflag:s23] =	ssyncadd.s32 s5;
	_ =	sdelay $0x1  }
0xa7: {  	s24 =	simm.s32 $0x1B8B  }
0xa8: {  	_ =	swait.ge [sflag:s24], $0x1  }
0xa9: {  	[sflag:s24] =	ssyncset.done $0x0  }
0xaa: {  	s25 =	simm.s32 $0x1B8E;
	[sflag:s24] =	ssyncadd.s32 $0xFFFFFFFF  }
0xab: {  	s26 =	simm.s32 $execute0_lowered;
	[smem:$0x3FD2] =	sst s25  }
0xac: {  	s5 =	sshll.u32 s26, $0x1;
	_ =	strace $0x80000046;
	[dreg:$0x1] =	wrdreg $0xFFFFFFFF  }
0xad: {  	s28 =	simm.s32 $_size_execute0_lowered;
	s4 =	sadd.s32 s4, s5;
	[dreg:$0x0] =	wrdreg $0x0  }
0xae: {  	s5 =	sshll.u32 s28, $0x1;
	[dreg:$0x2] =	wrdreg s4  }
0xaf: {  	[dreg:$0x3] =	wrdreg s5  }
0xb0: {  	[dreg:$0x4] =	wrdreg $0xC0  }
0xb1: {  	_ =	task [dreg:s8], $0x5FFFF  }
0xb2: {  	[dreg:$0x1] =	wrdreg $0xFFFFFFFF  }
0xb3: {  	[dreg:$0x0] =	wrdreg $0x60  }
0xb4: {  	[dreg:$0x2] =	wrdreg s16  }
0xb5: {  	[dreg:$0x3] =	wrdreg s17  }
0xb6: {  	[dreg:$0x4] =	wrdreg $0x9  }
0xb7: {  	_ =	task.clear_ibuf [dreg:s8], $0x5FFFF;
	_ =	strace $0x90000046  }
0xb8: {  	s29 =	simm.s32 $0x9;
	_ =	strace $0x80000048  }
0xb9: {  	_ =	swait.ge [sflag:s29], $0x1  }
0xba: {  	[sflag:s29] =	ssyncadd.s32 $0xFFFFFFFF  }
0xbb: {  	_ =	strace $0x90000048  }
0xbc: {  	_ =	sfence  }
0xbd: {  	s30 =	sld [smem:$0x0];
	_ =	sdelay $0x2  }
0xbe: {  	s31 =	sshll.u32 s1, $0xD;
	s1 =	sshrl.u32 s1, $0x2  }
0xbf: {  	s3 =	sand.u32 $0x4000, s31;
	s1 =	sadd.s32 s1, s30  }
0xc0: {  	s0 =	sor.u32 s3, s0;
	s1 =	sshll.u32 s1, $0x11  }
0xc1: {  	s0 =	sor.u32 s1, s0  }
0xc2: {  	s0 =	sadd.s32 $0x8F2B, s0  }
0xc3: {  	[sflag:s0] =	ssyncadd.remote.s32 $0x1  }
0xc4: {  	_ =	sfence.sel $0xFFFF  }
0xc5: {  	[dreg:$0x0] =	wrdreg $0xFFFFFFFF;
	(pc) =	sbr.abs _section_cstart, $3  }
0xc6: {  	[dreg:$0x1] =	wrdreg $0xFFFFFFFF  }
0xc7: {  	_ =	task.clear_ibuf [dreg:s8], $0x2FFFF;
	_ =	strace $0x9FFFFFFF  }
0xc8: {  	(tm) =	ssettm $0x7FFFFFFF  }
0xc9: {  	_ =	shalt  }
tec
execute0_lowered:
.L_overlay_start_1:
0x0: {  	(tag) =	ssettag $0x1  }
0x1: {  	s6 =	rddreg [dreg:$0x0]  }
0x2: {  	s10 =	rddreg [dreg:$0x1]  }
0x3: {  	s2 =	srdreg.scid;
	s0 =	rddreg [dreg:$0x2]  }
0x4: {  	s1 =	stileid.u32;
	s13 =	simm.s32 $0x8000;
	s14 =	simm.s32 $0xC000  }
0x5: {  	s15 =	simm.s32 $0x1;
	s16 =	simm.s32 $0x2;
	s17 =	simm.s32 $0x3  }
0x6: {  	s19 =	simm.s32 $0x5;
	s20 =	simm.s32 $0x6;
	s21 =	simm.s32 $0x7  }
0x7: {  	s22 =	simm.s32 $0x8;
	s23 =	simm.s32 $0x0;
	s3 =	sand.u32 $0x1, s2  }
0x8: {  	s2 =	simm.s32 $0x0;
	s4 =	sshll.u32 s1, $0x3;
	s5 =	sshll.u32 s3, $0x2  }
0x9: {  	[smem:$0x7FF] =	sst s2;
	s3 =	ssub.s32 $0x2, s3;
	s18 =	sor.u32 s5, s4  }
0xa: {  	_ =	strace $0x80000047;
	s31 =	sshrl.u32 s3, $0x1;
	s7 =	sshll.u32 s18, $0xB  }
0xb: {  	s11 =	ssub.s32 s3, s31;
	p0 =	seq.s32 s18, $0x0;
	p1 =	seq.s32 s18, $0x7C  }
.Ltmp0:
0xc: {  	s18 =	simm.s32 $0x4;
	s3 =	sadd.s32 s6, s7;
	(pc) =	sbr.rel .LBB2_1-.Ltmp0, $4  }
0xd: {  	s8 =	sor.u32 $0x800, s7;
	s9 =	sor.u32 $0x1000, s7;
	s12 =	sor.u32 $0x1800, s7  }
0xe: {  	s7 =	sadd.s32 s10, s7;
	s11 =	smax.u32 s11, $0x1;
	s4 =	sadd.s32 s6, s8  }
0xf: {  	s5 =	sadd.s32 s6, s9;
	s6 =	sadd.s32 s6, s12;
	s8 =	sadd.s32 s10, s8  }
0x10: {  	v0 =	vimm.f32 $0.0e+00;
	v1 =	vlaneseq.u32;
	s9 =	sadd.s32 s10, s9;
	s10 =	sadd.s32 s10, s12;
	s12 =	simm.s32 $0x4000  }
.LBB2_18:
0x11: {  	[tilespmem:s24+$0xFFFFFF90] =	vst v9  }
0x12: {  	[tilespmem:s24+$0xFFFFFE80] =	vst v10  }
0x13: {  	v4 =	vsel vm1, $0x0, v4;
	[tilespmem:s24+$0xFFFFFE90] =	vst v7  }
0x14: {  	v3 =	vsel vm1, $0x0, v3;
	[tilespmem:s24+$0x10] =	vst v4  }
0x15: {  	v57 =	vsel vm0, $0x0, v5;
	[tilespmem:s24+$0x190] =	vst v3  }
0x16: {  	v2 =	vsel vm1, $0x0, v2;
	[tilespmem:s24+$0x80] =	vst v57  }
0x17: {  	v3 =	vsel vm0, $0x0, v8;
	[tilespmem:s24+$0xFFFFFE10] =	vst v2  }
0x18: {  	[tilespmem:s24+$0xFFFFFF80] =	vst v3;
	v3 =	vsel vm0, $0x0, v6  }
0x19: {  	[tilespmem:s24+$0x0] =	vst v3  }
0x1a: {  	v2 =	vld [tilespmem:$0xFC80]  }
0x1b: {  	v3 =	vld [tilespmem:$0xFCF0]  }
0x1c: {  	v4 =	vld [tilespmem:$0xFD00]  }
0x1d: {  	v58 =	vld [tilespmem:$0xFD70]  }
0x1e: {  	v59 =	vld [tilespmem:$0xFD80]  }
0x1f: {  	v7 =	vld [tilespmem:$0xFDF0];
	v2 =	vsel vm1, $0x0, v2  }
0x20: {  	[tilespmem:$0xFC80] =	vst v2;
	v2 =	vsel vm0, $0x0, v3;
	v3 =	vld [tilespmem:$0xFE00]  }
0x21: {  	v60 =	vld [tilespmem:$0xFE70];
	[tilespmem:$0xFCF0] =	vst v2;
	v2 =	vsel vm1, $0x0, v4  }
0x22: {  	v61 =	vld [tilespmem:$0xFE80];
	[tilespmem:$0xFD00] =	vst v2;
	v2 =	vsel vm0, $0x0, v58  }
0x23: {  	v62 =	vld [tilespmem:$0xFEF0];
	[tilespmem:$0xFD70] =	vst v2;
	v2 =	vsel vm1, $0x0, v59  }
0x24: {  	v63 =	vld [tilespmem:$0xFF00];
	[tilespmem:$0xFD80] =	vst v2;
	v2 =	vsel vm0, $0x0, v7  }
0x25: {  	[tilespmem:$0xFDF0] =	vst v2;
	v2 =	vsel vm1, $0x0, v3;
	v3 =	vld [tilespmem:$0xFF70]  }
0x26: {  	[tilespmem:$0xFE00] =	vst v2;
	v2 =	vsel vm0, $0x0, v60  }
0x27: {  	[tilespmem:$0xFE70] =	vst v2;
	v2 =	vsel vm1, $0x0, v61  }
0x28: {  	[tilespmem:$0xFE80] =	vst v2;
	v2 =	vsel vm0, $0x0, v62  }
0x29: {  	[tilespmem:$0xFEF0] =	vst v2;
	v2 =	vsel vm1, $0x0, v63  }
0x2a: {  	[tilespmem:$0xFF00] =	vst v2;
	v2 =	vsel vm0, $0x0, v3  }
0x2b: {  	[tilespmem:$0xFF70] =	vst v2  }
.LBB2_19:
0x2c: {  	[hbm4b:s10+s2] =	stream.linear.scatter [tilespmem:s14], [sflag:$0x8], $0x4000, $0x38;
	[tilespmem:$0x10000] =	vst v63  }
0x2d: {  	_ =	swait.ge [sflag:s19], $0x4000  }
0x2e: {  	[sflag:s19] =	ssyncset.done $0x0  }
0x2f: {  	[sflag:s19] =	ssyncadd.s32 $0xFFFFC000  }
0x30: {  	_ =	swait.ge [sflag:s20], $0x4000  }
0x31: {  	[sflag:s20] =	ssyncset.done $0x0  }
0x32: {  	s23 =	sadd.s32 $0x1, s23;
	[sflag:s20] =	ssyncadd.s32 $0xFFFFC000  }
0x33: {  	p2 =	sne.s32 s23, s11;
	_ =	swait.ge [sflag:s21], $0x4000  }
.Ltmp1:
0x34: {  	[sflag:s21] =	ssyncset.done $0x0;
	(pc) =	sbr.rel @!p2 .LBB2_20-.Ltmp1, $4  }
0x35: {  	[sflag:s21] =	ssyncadd.s32 $0xFFFFC000  }
0x36: {  	_ =	swait.ge [sflag:s22], $0x4000  }
0x37: {  	[sflag:s22] =	ssyncset.done $0x0  }
0x38: {  	[sflag:s22] =	ssyncadd.s32 $0xFFFFC000  }
.LBB2_1:
0x39: {  	[tilespmem:s2], [sflag:$0x1] =	stream.linear.gather [hbm4b:s3+s2], $0x4000, $0x38;
	[tilespmem:$0x10000] =	vst v63  }
0x3a: {  	_ = 	snop  }
0x3b: {  	[tilespmem:s12], [sflag:$0x2] =	stream.linear.gather [hbm4b:s4+s2], $0x4000, $0x38;
	[tilespmem:$0x10000] =	vst v63  }
0x3c: {  	_ = 	snop  }
0x3d: {  	[tilespmem:s13], [sflag:$0x3] =	stream.linear.gather [hbm4b:s5+s2], $0x4000, $0x38;
	[tilespmem:$0x10000] =	vst v63  }
.Ltmp2:
0x3e: {  	_ = 	snop;
	(pc) =	sbr.rel @p0 .LBB2_2-.Ltmp2, $4  }
0x3f: {  	[tilespmem:s14], [sflag:$0x4] =	stream.linear.gather [hbm4b:s6+s2], $0x4000, $0x38;
	[tilespmem:$0x10000] =	vst v63  }
0x40: {  	_ =	swait.ge [sflag:s15], $0x4000  }
0x41: {  	[sflag:s15] =	ssyncset.done $0x0  }
0x42: {  	[sflag:s15] =	ssyncadd.s32 $0xFFFFC000  }
0x43: {  	[tilespmem:$0x0] =	vst v0  }
0x44: {  	[tilespmem:$0x3F80] =	vst v0  }
0x45: {  	[tilespmem:$0x10] =	vst v0  }
0x46: {  	[tilespmem:$0x3F90] =	vst v0  }
0x47: {  	[tilespmem:$0x20] =	vst v0  }
0x48: {  	[tilespmem:$0x3FA0] =	vst v0  }
0x49: {  	[tilespmem:$0x30] =	vst v0  }
0x4a: {  	[tilespmem:$0x3FB0] =	vst v0  }
0x4b: {  	[tilespmem:$0x40] =	vst v0  }
0x4c: {  	[tilespmem:$0x3FC0] =	vst v0  }
0x4d: {  	[tilespmem:$0x50] =	vst v0  }
0x4e: {  	[tilespmem:$0x3FD0] =	vst v0  }
0x4f: {  	[tilespmem:$0x60] =	vst v0  }
0x50: {  	[tilespmem:$0x3FE0] =	vst v0  }
0x51: {  	[tilespmem:$0x70] =	vst v0  }
0x52: {  	[tilespmem:$0x3FF0] =	vst v0;
	s24 =	simm.s32 $0x270  }
0x53: {  	v2 =	vld [tilespmem:s24+$0x100]  }
0x54: {  	v3 =	vld [tilespmem:s24+$0x180]  }
0x55: {  	v4 =	vld [tilespmem:s24+$0xFFFFFF10]  }
0x56: {  	v5 =	vld [tilespmem:s24+$0xFFFFFF00]  }
0x57: {  	v6 =	vld [tilespmem:s24+$0x200]  }
0x58: {  	v7 =	vld [tilespmem:s24+$0xFFFFFE90]  }
0x59: {  	v8 =	vld [tilespmem:s24+$0x110]  }
0x5a: {  	vm0 =	veq.s32 v1, $0xF;
	v9 =	vld [tilespmem:s24+$0x90]  }
0x5b: {  	v11 =	vld [tilespmem:s24+$0xFFFFFF90];
	v10 =	vsel vm0, $0x0, v2  }
0x5c: {  	v2 =	vld [tilespmem:s24+$0xFFFFFE10];
	v3 =	vsel vm0, $0x0, v3;
	[tilespmem:s24+$0x100] =	vst v10  }
0x5d: {  	vm1 =	veq.s32 v1, $0x0;
	v6 =	vsel vm0, $0x0, v6;
	v10 =	vld [tilespmem:s24+$0xFFFFFE80];
	[tilespmem:s24+$0x180] =	vst v3  }
0x5e: {  	v8 =	vsel vm1, $0x0, v8;
	v3 =	vld [tilespmem:s24+$0x190];
	[tilespmem:s24+$0x200] =	vst v6  }
0x5f: {  	v12 =	vsel vm1, $0x0, v9;
	v6 =	vsel vm1, $0x0, v4;
	v4 =	vld [tilespmem:s24+$0x10];
	[tilespmem:s24+$0x110] =	vst v8  }
0x60: {  	v8 =	vsel vm0, $0x0, v5;
	v5 =	vld [tilespmem:s24+$0x80];
	[tilespmem:s24+$0x90] =	vst v12  }
0x61: {  	[tilespmem:s24+$0xFFFFFF10] =	vst v6;
	v6 =	vld [tilespmem:s24+$0x0]  }
0x62: {  	s25 =	simm.s32 $0x1;
	s26 =	simm.s32 $0x670;
	v9 =	vsel vm1, $0x0, v11;
	v7 =	vsel vm1, $0x0, v7;
	[tilespmem:s24+$0xFFFFFF00] =	vst v8;
	v8 =	vld [tilespmem:s24+$0xFFFFFF80];
	v10 =	vsel vm0, $0x0, v10  }
.LBB2_6:
0x63: {  	v11 =	vld [tilespmem:s26+$0x100];
	s25 =	sadd.s32 $0x8, s25;
	v2 =	vsel vm1, $0x0, v2;
	[tilespmem:s24+$0xFFFFFF90] =	vst v9  }
0x64: {  	v3 =	vsel vm1, $0x0, v3;
	v9 =	vld [tilespmem:s26+$0x180];
	p2 =	slt.u32 s25, $0x71;
	[tilespmem:s24+$0xFFFFFE80] =	vst v10;
	v4 =	vsel vm1, $0x0, v4  }
0x65: {  	v10 =	vld [tilespmem:s26+$0xFFFFFF10];
	[tilespmem:s24+$0x10] =	vst v4;
	v4 =	vsel vm0, $0x0, v5  }
0x66: {  	v5 =	vld [tilespmem:s26+$0xFFFFFF00];
	v6 =	vsel vm0, $0x0, v6;
	[tilespmem:s24+$0x190] =	vst v3  }
0x67: {  	v3 =	vld [tilespmem:s26+$0x200];
	[tilespmem:s24+$0xFFFFFE90] =	vst v7;
	v7 =	vsel vm0, $0x0, v8  }
0x68: {  	v8 =	vld [tilespmem:s26+$0xFFFFFE90];
	v11 =	vsel vm0, $0x0, v11;
	[tilespmem:s24+$0xFFFFFF80] =	vst v7  }
0x69: {  	v7 =	vld [tilespmem:s26+$0x110];
	[tilespmem:s24+$0x80] =	vst v4  }
0x6a: {  	v12 =	vld [tilespmem:s26+$0x90];
	[tilespmem:s24+$0x0] =	vst v6  }
0x6b: {  	v6 =	vld [tilespmem:s26+$0xFFFFFF90];
	[tilespmem:s24+$0xFFFFFE10] =	vst v2;
	s24 =	smov.u32 s26  }
0x6c: {  	v4 =	vsel vm0, $0x0, v9;
	v2 =	vld [tilespmem:s26+$0xFFFFFE10];
	[tilespmem:s26+$0x100] =	vst v11  }
0x6d: {  	v11 =	vld [tilespmem:s26+$0xFFFFFE80];
	[tilespmem:s26+$0x180] =	vst v4;
	v4 =	vsel vm0, $0x0, v3  }
.Ltmp3:
0x6e: {  	v7 =	vsel vm1, $0x0, v7;
	v3 =	vld [tilespmem:s26+$0x190];
	[tilespmem:s26+$0x200] =	vst v4;
	(pc) =	sbr.rel @p2 .LBB2_6-.Ltmp3, $4  }
0x6f: {  	v9 =	vsel vm1, $0x0, v10;
	v4 =	vld [tilespmem:s26+$0x10];
	v12 =	vsel vm1, $0x0, v12;
	[tilespmem:s26+$0x110] =	vst v7  }
0x70: {  	v10 =	vsel vm0, $0x0, v5;
	[tilespmem:s26+$0xFFFFFF10] =	vst v9;
	v9 =	vsel vm1, $0x0, v6;
	v5 =	vld [tilespmem:s26+$0x80]  }
0x71: {  	v7 =	vsel vm1, $0x0, v8;
	[tilespmem:s26+$0xFFFFFF00] =	vst v10;
	v6 =	vld [tilespmem:s26+$0x0]  }
0x72: {  	s26 =	sadd.s32 $0x400, s26;
	v10 =	vsel vm0, $0x0, v11;
	v8 =	vld [tilespmem:s24+$0xFFFFFF80];
	[tilespmem:s24+$0x90] =	vst v12  }
0x73: {  	[tilespmem:s24+$0xFFFFFF90] =	vst v9  }
0x74: {  	[tilespmem:s24+$0xFFFFFE80] =	vst v10  }
0x75: {  	v3 =	vsel vm1, $0x0, v3;
	[tilespmem:s24+$0xFFFFFE90] =	vst v7  }
0x76: {  	v2 =	vsel vm1, $0x0, v2;
	[tilespmem:s24+$0x190] =	vst v3  }
0x77: {  	v4 =	vsel vm1, $0x0, v4;
	[tilespmem:s24+$0xFFFFFE10] =	vst v2  }
0x78: {  	[tilespmem:s24+$0x10] =	vst v4;
	v57 =	vsel vm0, $0x0, v5  }
0x79: {  	[tilespmem:s24+$0x80] =	vst v57;
	v3 =	vsel vm0, $0x0, v8  }
0x7a: {  	[tilespmem:s24+$0xFFFFFF80] =	vst v3;
	v3 =	vsel vm0, $0x0, v6  }
0x7b: {  	[tilespmem:s24+$0x0] =	vst v3  }
0x7c: {  	v2 =	vld [tilespmem:$0x3C80]  }
0x7d: {  	v3 =	vld [tilespmem:$0x3CF0]  }
0x7e: {  	v4 =	vld [tilespmem:$0x3D00]  }
0x7f: {  	v58 =	vld [tilespmem:$0x3D70]  }
0x80: {  	v59 =	vld [tilespmem:$0x3D80]  }
0x81: {  	v7 =	vld [tilespmem:$0x3DF0];
	v2 =	vsel vm1, $0x0, v2  }
0x82: {  	[tilespmem:$0x3C80] =	vst v2;
	v2 =	vsel vm0, $0x0, v3;
	v3 =	vld [tilespmem:$0x3E00]  }
0x83: {  	v60 =	vld [tilespmem:$0x3E70];
	[tilespmem:$0x3CF0] =	vst v2;
	v2 =	vsel vm1, $0x0, v4  }
0x84: {  	v61 =	vld [tilespmem:$0x3E80];
	[tilespmem:$0x3D00] =	vst v2;
	v2 =	vsel vm0, $0x0, v58  }
0x85: {  	v62 =	vld [tilespmem:$0x3EF0];
	[tilespmem:$0x3D70] =	vst v2;
	v2 =	vsel vm1, $0x0, v59  }
0x86: {  	v63 =	vld [tilespmem:$0x3F00];
	[tilespmem:$0x3D80] =	vst v2;
	v2 =	vsel vm0, $0x0, v7  }
0x87: {  	[tilespmem:$0x3DF0] =	vst v2;
	v2 =	vsel vm1, $0x0, v3;
	v3 =	vld [tilespmem:$0x3F70]  }
0x88: {  	[tilespmem:$0x3E00] =	vst v2;
	v2 =	vsel vm0, $0x0, v60  }
.Ltmp4:
0x89: {  	[tilespmem:$0x3E70] =	vst v2;
	v2 =	vsel vm1, $0x0, v61;
	(pc) =	sbr.rel .LBB2_8-.Ltmp4, $4  }
0x8a: {  	[tilespmem:$0x3E80] =	vst v2;
	v2 =	vsel vm0, $0x0, v62  }
0x8b: {  	[tilespmem:$0x3EF0] =	vst v2;
	v2 =	vsel vm1, $0x0, v63  }
0x8c: {  	[tilespmem:$0x3F00] =	vst v2;
	v2 =	vsel vm0, $0x0, v3  }
0x8d: {  	[tilespmem:$0x3F70] =	vst v2  }
.LBB2_2:
0x8e: {  	s24 =	simm.s32 $0x80  }
0x8f: {  	[tilespmem:s24+$0xFFFFFF80] =	vst v0  }
0x90: {  	[tilespmem:s24+$0x70] =	vst v0  }
0x91: {  	[tilespmem:s24+$0x60] =	vst v0  }
0x92: {  	[tilespmem:s24+$0x50] =	vst v0  }
0x93: {  	[tilespmem:s24+$0x40] =	vst v0  }
0x94: {  	[tilespmem:s24+$0x30] =	vst v0  }
0x95: {  	[tilespmem:s24+$0x20] =	vst v0  }
0x96: {  	[tilespmem:s24+$0x10] =	vst v0  }
0x97: {  	[tilespmem:s24+$0x0] =	vst v0  }
0x98: {  	[tilespmem:s24+$0xFFFFFFF0] =	vst v0  }
0x99: {  	[tilespmem:s24+$0xFFFFFFE0] =	vst v0  }
0x9a: {  	[tilespmem:s24+$0xFFFFFFD0] =	vst v0  }
0x9b: {  	[tilespmem:s24+$0xFFFFFFC0] =	vst v0  }
0x9c: {  	[tilespmem:s24+$0xFFFFFFB0] =	vst v0  }
0x9d: {  	s25 =	simm.s32 $0x0;
	[tilespmem:s24+$0xFFFFFFA0] =	vst v0  }
.LBB2_3:
0x9e: {  	s25 =	sadd.s32 $0x2, s25;
	[tilespmem:s24+$0xFFFFFF90] =	vst v0;
	s24 =	sadd.s32 $0x100, s24  }
0x9f: {  	[tilespmem:s24+$0xFFFFFF80] =	vst v0;
	p2 =	slt.u32 s25, $0x7E  }
0xa0: {  	[tilespmem:s24+$0x70] =	vst v0  }
0xa1: {  	[tilespmem:s24+$0x60] =	vst v0  }
0xa2: {  	[tilespmem:s24+$0x50] =	vst v0  }
0xa3: {  	[tilespmem:s24+$0x40] =	vst v0  }
0xa4: {  	[tilespmem:s24+$0x30] =	vst v0  }
0xa5: {  	[tilespmem:s24+$0x20] =	vst v0  }
0xa6: {  	[tilespmem:s24+$0x10] =	vst v0  }
0xa7: {  	[tilespmem:s24+$0x0] =	vst v0  }
0xa8: {  	[tilespmem:s24+$0xFFFFFFF0] =	vst v0  }
.Ltmp5:
0xa9: {  	[tilespmem:s24+$0xFFFFFFE0] =	vst v0;
	(pc) =	sbr.rel @p2 .LBB2_3-.Ltmp5, $4  }
0xaa: {  	[tilespmem:s24+$0xFFFFFFD0] =	vst v0  }
0xab: {  	[tilespmem:s24+$0xFFFFFFC0] =	vst v0  }
0xac: {  	[tilespmem:s24+$0xFFFFFFB0] =	vst v0  }
0xad: {  	[tilespmem:s24+$0xFFFFFFA0] =	vst v0  }
0xae: {  	[tilespmem:s24+$0xFFFFFF90] =	vst v0  }
.LBB2_8:
0xaf: {  	[hbm4b:s7+s2] =	stream.linear.scatter [tilespmem:s2], [sflag:$0x5], $0x4000, $0x38;
	[tilespmem:$0x10000] =	vst v63  }
0xb0: {  	_ =	swait.ge [sflag:s16], $0x4000  }
0xb1: {  	[sflag:s16] =	ssyncset.done $0x0  }
0xb2: {  	[sflag:s16] =	ssyncadd.s32 $0xFFFFC000  }
0xb3: {  	[tilespmem:$0x4000] =	vst v0  }
0xb4: {  	[tilespmem:$0x7F80] =	vst v0  }
0xb5: {  	[tilespmem:$0x4010] =	vst v0  }
0xb6: {  	[tilespmem:$0x7F90] =	vst v0  }
0xb7: {  	[tilespmem:$0x4020] =	vst v0  }
0xb8: {  	[tilespmem:$0x7FA0] =	vst v0  }
0xb9: {  	[tilespmem:$0x4030] =	vst v0  }
0xba: {  	[tilespmem:$0x7FB0] =	vst v0  }
0xbb: {  	[tilespmem:$0x4040] =	vst v0  }
0xbc: {  	[tilespmem:$0x7FC0] =	vst v0  }
0xbd: {  	[tilespmem:$0x4050] =	vst v0  }
0xbe: {  	[tilespmem:$0x7FD0] =	vst v0  }
0xbf: {  	[tilespmem:$0x4060] =	vst v0  }
0xc0: {  	[tilespmem:$0x7FE0] =	vst v0  }
0xc1: {  	[tilespmem:$0x4070] =	vst v0  }
0xc2: {  	s24 =	simm.s32 $0x4270;
	[tilespmem:$0x7FF0] =	vst v0  }
0xc3: {  	v2 =	vld [tilespmem:s24+$0x100]  }
0xc4: {  	v3 =	vld [tilespmem:s24+$0x180]  }
0xc5: {  	v4 =	vld [tilespmem:s24+$0xFFFFFF10]  }
0xc6: {  	v5 =	vld [tilespmem:s24+$0xFFFFFF00]  }
0xc7: {  	v6 =	vld [tilespmem:s24+$0x200]  }
0xc8: {  	v7 =	vld [tilespmem:s24+$0xFFFFFE90]  }
0xc9: {  	v8 =	vld [tilespmem:s24+$0x110]  }
0xca: {  	vm0 =	veq.s32 v1, $0xF;
	v9 =	vld [tilespmem:s24+$0x90]  }
0xcb: {  	v11 =	vld [tilespmem:s24+$0xFFFFFF90];
	v10 =	vsel vm0, $0x0, v2  }
0xcc: {  	v2 =	vld [tilespmem:s24+$0xFFFFFE10];
	v3 =	vsel vm0, $0x0, v3;
	[tilespmem:s24+$0x100] =	vst v10  }
0xcd: {  	vm1 =	veq.s32 v1, $0x0;
	v6 =	vsel vm0, $0x0, v6;
	v10 =	vld [tilespmem:s24+$0xFFFFFE80];
	[tilespmem:s24+$0x180] =	vst v3  }
0xce: {  	v8 =	vsel vm1, $0x0, v8;
	v3 =	vld [tilespmem:s24+$0x190];
	[tilespmem:s24+$0x200] =	vst v6  }
0xcf: {  	v12 =	vsel vm1, $0x0, v9;
	v6 =	vsel vm1, $0x0, v4;
	v4 =	vld [tilespmem:s24+$0x10];
	[tilespmem:s24+$0x110] =	vst v8  }
0xd0: {  	v8 =	vsel vm0, $0x0, v5;
	v5 =	vld [tilespmem:s24+$0x80];
	[tilespmem:s24+$0x90] =	vst v12  }
0xd1: {  	[tilespmem:s24+$0xFFFFFF10] =	vst v6;
	v6 =	vld [tilespmem:s24+$0x0]  }
0xd2: {  	s25 =	simm.s32 $0x1;
	s26 =	simm.s32 $0x4670;
	v9 =	vsel vm1, $0x0, v11;
	v7 =	vsel vm1, $0x0, v7;
	[tilespmem:s24+$0xFFFFFF00] =	vst v8;
	v8 =	vld [tilespmem:s24+$0xFFFFFF80];
	v10 =	vsel vm0, $0x0, v10  }
.LBB2_9:
0xd3: {  	v11 =	vld [tilespmem:s26+$0x100];
	s25 =	sadd.s32 $0x8, s25;
	v2 =	vsel vm1, $0x0, v2;
	[tilespmem:s24+$0xFFFFFF90] =	vst v9  }
0xd4: {  	v3 =	vsel vm1, $0x0, v3;
	v9 =	vld [tilespmem:s26+$0x180];
	p2 =	slt.u32 s25, $0x71;
	[tilespmem:s24+$0xFFFFFE80] =	vst v10;
	v4 =	vsel vm1, $0x0, v4  }
0xd5: {  	v10 =	vld [tilespmem:s26+$0xFFFFFF10];
	[tilespmem:s24+$0x10] =	vst v4;
	v4 =	vsel vm0, $0x0, v5  }
0xd6: {  	v5 =	vld [tilespmem:s26+$0xFFFFFF00];
	v6 =	vsel vm0, $0x0, v6;
	[tilespmem:s24+$0x190] =	vst v3  }
0xd7: {  	v3 =	vld [tilespmem:s26+$0x200];
	[tilespmem:s24+$0xFFFFFE90] =	vst v7;
	v7 =	vsel vm0, $0x0, v8  }
0xd8: {  	v8 =	vld [tilespmem:s26+$0xFFFFFE90];
	v11 =	vsel vm0, $0x0, v11;
	[tilespmem:s24+$0xFFFFFF80] =	vst v7  }
0xd9: {  	v7 =	vld [tilespmem:s26+$0x110];
	[tilespmem:s24+$0x80] =	vst v4  }
0xda: {  	v12 =	vld [tilespmem:s26+$0x90];
	[tilespmem:s24+$0x0] =	vst v6  }
0xdb: {  	v6 =	vld [tilespmem:s26+$0xFFFFFF90];
	[tilespmem:s24+$0xFFFFFE10] =	vst v2;
	s24 =	smov.u32 s26  }
0xdc: {  	v4 =	vsel vm0, $0x0, v9;
	v2 =	vld [tilespmem:s26+$0xFFFFFE10];
	[tilespmem:s26+$0x100] =	vst v11  }
0xdd: {  	v11 =	vld [tilespmem:s26+$0xFFFFFE80];
	[tilespmem:s26+$0x180] =	vst v4;
	v4 =	vsel vm0, $0x0, v3  }
.Ltmp6:
0xde: {  	v7 =	vsel vm1, $0x0, v7;
	v3 =	vld [tilespmem:s26+$0x190];
	[tilespmem:s26+$0x200] =	vst v4;
	(pc) =	sbr.rel @p2 .LBB2_9-.Ltmp6, $4  }
0xdf: {  	v9 =	vsel vm1, $0x0, v10;
	v4 =	vld [tilespmem:s26+$0x10];
	v12 =	vsel vm1, $0x0, v12;
	[tilespmem:s26+$0x110] =	vst v7  }
0xe0: {  	v10 =	vsel vm0, $0x0, v5;
	[tilespmem:s26+$0xFFFFFF10] =	vst v9;
	v9 =	vsel vm1, $0x0, v6;
	v5 =	vld [tilespmem:s26+$0x80]  }
0xe1: {  	v7 =	vsel vm1, $0x0, v8;
	[tilespmem:s26+$0xFFFFFF00] =	vst v10;
	v6 =	vld [tilespmem:s26+$0x0]  }
0xe2: {  	s26 =	sadd.s32 $0x400, s26;
	v10 =	vsel vm0, $0x0, v11;
	v8 =	vld [tilespmem:s24+$0xFFFFFF80];
	[tilespmem:s24+$0x90] =	vst v12  }
0xe3: {  	[tilespmem:s24+$0xFFFFFF90] =	vst v9  }
0xe4: {  	[tilespmem:s24+$0xFFFFFE80] =	vst v10  }
0xe5: {  	v3 =	vsel vm1, $0x0, v3;
	[tilespmem:s24+$0xFFFFFE90] =	vst v7  }
0xe6: {  	v2 =	vsel vm1, $0x0, v2;
	[tilespmem:s24+$0x190] =	vst v3  }
0xe7: {  	v4 =	vsel vm1, $0x0, v4;
	[tilespmem:s24+$0xFFFFFE10] =	vst v2  }
0xe8: {  	[tilespmem:s24+$0x10] =	vst v4;
	v4 =	vsel vm0, $0x0, v5  }
0xe9: {  	[tilespmem:s24+$0x80] =	vst v4;
	v3 =	vsel vm0, $0x0, v8  }
0xea: {  	[tilespmem:s24+$0xFFFFFF80] =	vst v3;
	v3 =	vsel vm0, $0x0, v6  }
0xeb: {  	[tilespmem:s24+$0x0] =	vst v3  }
0xec: {  	v2 =	vld [tilespmem:$0x7C80]  }
0xed: {  	v3 =	vld [tilespmem:$0x7CF0]  }
0xee: {  	v4 =	vld [tilespmem:$0x7D00]  }
0xef: {  	v5 =	vld [tilespmem:$0x7D70]  }
0xf0: {  	v6 =	vld [tilespmem:$0x7D80]  }
0xf1: {  	v7 =	vld [tilespmem:$0x7DF0];
	v2 =	vsel vm1, $0x0, v2  }
0xf2: {  	[tilespmem:$0x7C80] =	vst v2;
	v2 =	vsel vm0, $0x0, v3;
	v3 =	vld [tilespmem:$0x7E00]  }
0xf3: {  	[tilespmem:$0x7CF0] =	vst v2;
	v2 =	vsel vm1, $0x0, v4;
	v4 =	vld [tilespmem:$0x7E70]  }
0xf4: {  	[tilespmem:$0x7D00] =	vst v2;
	v2 =	vsel vm0, $0x0, v5;
	v5 =	vld [tilespmem:$0x7E80]  }
0xf5: {  	[tilespmem:$0x7D70] =	vst v2;
	v2 =	vsel vm1, $0x0, v6;
	v6 =	vld [tilespmem:$0x7EF0]  }
0xf6: {  	[tilespmem:$0x7D80] =	vst v2;
	v2 =	vsel vm0, $0x0, v7;
	v7 =	vld [tilespmem:$0x7F00]  }
0xf7: {  	[tilespmem:$0x7DF0] =	vst v2;
	v2 =	vsel vm1, $0x0, v3;
	v3 =	vld [tilespmem:$0x7F70]  }
0xf8: {  	[tilespmem:$0x7E00] =	vst v2;
	v2 =	vsel vm0, $0x0, v4  }
0xf9: {  	[tilespmem:$0x7E70] =	vst v2;
	v2 =	vsel vm1, $0x0, v5  }
0xfa: {  	[tilespmem:$0x7E80] =	vst v2;
	v2 =	vsel vm0, $0x0, v6  }
0xfb: {  	[tilespmem:$0x7EF0] =	vst v2;
	v2 =	vsel vm1, $0x0, v7  }
0xfc: {  	[tilespmem:$0x7F00] =	vst v2;
	v2 =	vsel vm0, $0x0, v3  }
0xfd: {  	[tilespmem:$0x7F70] =	vst v2  }
0xfe: {  	[hbm4b:s8+s2] =	stream.linear.scatter [tilespmem:s12], [sflag:$0x6], $0x4000, $0x38;
	[tilespmem:$0x10000] =	vst v63  }
0xff: {  	_ =	swait.ge [sflag:s17], $0x4000  }
0x100: {  	[sflag:s17] =	ssyncset.done $0x0  }
0x101: {  	[sflag:s17] =	ssyncadd.s32 $0xFFFFC000  }
0x102: {  	[tilespmem:$0x8000] =	vst v0  }
0x103: {  	[tilespmem:$0xBF80] =	vst v0  }
0x104: {  	[tilespmem:$0x8010] =	vst v0  }
0x105: {  	[tilespmem:$0xBF90] =	vst v0  }
0x106: {  	[tilespmem:$0x8020] =	vst v0  }
0x107: {  	[tilespmem:$0xBFA0] =	vst v0  }
0x108: {  	[tilespmem:$0x8030] =	vst v0  }
0x109: {  	[tilespmem:$0xBFB0] =	vst v0  }
0x10a: {  	[tilespmem:$0x8040] =	vst v0  }
0x10b: {  	[tilespmem:$0xBFC0] =	vst v0  }
0x10c: {  	[tilespmem:$0x8050] =	vst v0  }
0x10d: {  	[tilespmem:$0xBFD0] =	vst v0  }
0x10e: {  	[tilespmem:$0x8060] =	vst v0  }
0x10f: {  	[tilespmem:$0xBFE0] =	vst v0  }
0x110: {  	[tilespmem:$0x8070] =	vst v0  }
0x111: {  	s24 =	simm.s32 $0x8270;
	[tilespmem:$0xBFF0] =	vst v0  }
0x112: {  	v2 =	vld [tilespmem:s24+$0x100]  }
0x113: {  	v3 =	vld [tilespmem:s24+$0x180]  }
0x114: {  	v4 =	vld [tilespmem:s24+$0xFFFFFF10]  }
0x115: {  	v5 =	vld [tilespmem:s24+$0xFFFFFF00]  }
0x116: {  	v6 =	vld [tilespmem:s24+$0x200]  }
0x117: {  	v7 =	vld [tilespmem:s24+$0xFFFFFE90]  }
0x118: {  	v8 =	vld [tilespmem:s24+$0x110]  }
0x119: {  	vm0 =	veq.s32 v1, $0xF;
	v9 =	vld [tilespmem:s24+$0x90]  }
0x11a: {  	v11 =	vld [tilespmem:s24+$0xFFFFFF90];
	v10 =	vsel vm0, $0x0, v2  }
0x11b: {  	v2 =	vld [tilespmem:s24+$0xFFFFFE10];
	v3 =	vsel vm0, $0x0, v3;
	[tilespmem:s24+$0x100] =	vst v10  }
0x11c: {  	vm1 =	veq.s32 v1, $0x0;
	v6 =	vsel vm0, $0x0, v6;
	v10 =	vld [tilespmem:s24+$0xFFFFFE80];
	[tilespmem:s24+$0x180] =	vst v3  }
0x11d: {  	v8 =	vsel vm1, $0x0, v8;
	v3 =	vld [tilespmem:s24+$0x190];
	[tilespmem:s24+$0x200] =	vst v6  }
0x11e: {  	v12 =	vsel vm1, $0x0, v9;
	v6 =	vsel vm1, $0x0, v4;
	v4 =	vld [tilespmem:s24+$0x10];
	[tilespmem:s24+$0x110] =	vst v8  }
0x11f: {  	v8 =	vsel vm0, $0x0, v5;
	v5 =	vld [tilespmem:s24+$0x80];
	[tilespmem:s24+$0x90] =	vst v12  }
0x120: {  	[tilespmem:s24+$0xFFFFFF10] =	vst v6;
	v6 =	vld [tilespmem:s24+$0x0]  }
0x121: {  	s25 =	simm.s32 $0x1;
	s26 =	simm.s32 $0x8670;
	v9 =	vsel vm1, $0x0, v11;
	v7 =	vsel vm1, $0x0, v7;
	[tilespmem:s24+$0xFFFFFF00] =	vst v8;
	v8 =	vld [tilespmem:s24+$0xFFFFFF80];
	v10 =	vsel vm0, $0x0, v10  }
.LBB2_11:
0x122: {  	v11 =	vld [tilespmem:s26+$0x100];
	s25 =	sadd.s32 $0x8, s25;
	v2 =	vsel vm1, $0x0, v2;
	[tilespmem:s24+$0xFFFFFF90] =	vst v9  }
0x123: {  	v3 =	vsel vm1, $0x0, v3;
	v9 =	vld [tilespmem:s26+$0x180];
	p2 =	slt.u32 s25, $0x71;
	[tilespmem:s24+$0xFFFFFE80] =	vst v10;
	v4 =	vsel vm1, $0x0, v4  }
0x124: {  	v10 =	vld [tilespmem:s26+$0xFFFFFF10];
	[tilespmem:s24+$0x10] =	vst v4;
	v4 =	vsel vm0, $0x0, v5  }
0x125: {  	v5 =	vld [tilespmem:s26+$0xFFFFFF00];
	v6 =	vsel vm0, $0x0, v6;
	[tilespmem:s24+$0x190] =	vst v3  }
0x126: {  	v3 =	vld [tilespmem:s26+$0x200];
	[tilespmem:s24+$0xFFFFFE90] =	vst v7;
	v7 =	vsel vm0, $0x0, v8  }
0x127: {  	v8 =	vld [tilespmem:s26+$0xFFFFFE90];
	v11 =	vsel vm0, $0x0, v11;
	[tilespmem:s24+$0xFFFFFF80] =	vst v7  }
0x128: {  	v7 =	vld [tilespmem:s26+$0x110];
	[tilespmem:s24+$0x80] =	vst v4  }
0x129: {  	v12 =	vld [tilespmem:s26+$0x90];
	[tilespmem:s24+$0x0] =	vst v6  }
0x12a: {  	v6 =	vld [tilespmem:s26+$0xFFFFFF90];
	[tilespmem:s24+$0xFFFFFE10] =	vst v2;
	s24 =	smov.u32 s26  }
0x12b: {  	v4 =	vsel vm0, $0x0, v9;
	v2 =	vld [tilespmem:s26+$0xFFFFFE10];
	[tilespmem:s26+$0x100] =	vst v11  }
0x12c: {  	v11 =	vld [tilespmem:s26+$0xFFFFFE80];
	[tilespmem:s26+$0x180] =	vst v4;
	v4 =	vsel vm0, $0x0, v3  }
.Ltmp7:
0x12d: {  	v7 =	vsel vm1, $0x0, v7;
	v3 =	vld [tilespmem:s26+$0x190];
	[tilespmem:s26+$0x200] =	vst v4;
	(pc) =	sbr.rel @p2 .LBB2_11-.Ltmp7, $4  }
0x12e: {  	v9 =	vsel vm1, $0x0, v10;
	v4 =	vld [tilespmem:s26+$0x10];
	v12 =	vsel vm1, $0x0, v12;
	[tilespmem:s26+$0x110] =	vst v7  }
0x12f: {  	v10 =	vsel vm0, $0x0, v5;
	[tilespmem:s26+$0xFFFFFF10] =	vst v9;
	v9 =	vsel vm1, $0x0, v6;
	v5 =	vld [tilespmem:s26+$0x80]  }
0x130: {  	v7 =	vsel vm1, $0x0, v8;
	[tilespmem:s26+$0xFFFFFF00] =	vst v10;
	v6 =	vld [tilespmem:s26+$0x0]  }
0x131: {  	s26 =	sadd.s32 $0x400, s26;
	v10 =	vsel vm0, $0x0, v11;
	v8 =	vld [tilespmem:s24+$0xFFFFFF80];
	[tilespmem:s24+$0x90] =	vst v12  }
0x132: {  	[tilespmem:s24+$0xFFFFFF90] =	vst v9  }
0x133: {  	[tilespmem:s24+$0xFFFFFE80] =	vst v10  }
0x134: {  	v3 =	vsel vm1, $0x0, v3;
	[tilespmem:s24+$0xFFFFFE90] =	vst v7  }
0x135: {  	v2 =	vsel vm1, $0x0, v2;
	[tilespmem:s24+$0x190] =	vst v3  }
0x136: {  	v4 =	vsel vm1, $0x0, v4;
	[tilespmem:s24+$0xFFFFFE10] =	vst v2  }
0x137: {  	[tilespmem:s24+$0x10] =	vst v4;
	v57 =	vsel vm0, $0x0, v5  }
0x138: {  	[tilespmem:s24+$0x80] =	vst v57;
	v3 =	vsel vm0, $0x0, v8  }
0x139: {  	[tilespmem:s24+$0xFFFFFF80] =	vst v3;
	v3 =	vsel vm0, $0x0, v6  }
0x13a: {  	[tilespmem:s24+$0x0] =	vst v3  }
0x13b: {  	v2 =	vld [tilespmem:$0xBC80]  }
0x13c: {  	v3 =	vld [tilespmem:$0xBCF0]  }
0x13d: {  	v4 =	vld [tilespmem:$0xBD00]  }
0x13e: {  	v58 =	vld [tilespmem:$0xBD70]  }
0x13f: {  	v59 =	vld [tilespmem:$0xBD80]  }
0x140: {  	v7 =	vld [tilespmem:$0xBDF0];
	v2 =	vsel vm1, $0x0, v2  }
0x141: {  	[tilespmem:$0xBC80] =	vst v2;
	v2 =	vsel vm0, $0x0, v3;
	v3 =	vld [tilespmem:$0xBE00]  }
0x142: {  	v60 =	vld [tilespmem:$0xBE70];
	[tilespmem:$0xBCF0] =	vst v2;
	v2 =	vsel vm1, $0x0, v4  }
0x143: {  	v61 =	vld [tilespmem:$0xBE80];
	[tilespmem:$0xBD00] =	vst v2;
	v2 =	vsel vm0, $0x0, v58  }
0x144: {  	v62 =	vld [tilespmem:$0xBEF0];
	[tilespmem:$0xBD70] =	vst v2;
	v2 =	vsel vm1, $0x0, v59  }
0x145: {  	v63 =	vld [tilespmem:$0xBF00];
	[tilespmem:$0xBD80] =	vst v2;
	v2 =	vsel vm0, $0x0, v7  }
0x146: {  	[tilespmem:$0xBDF0] =	vst v2;
	v2 =	vsel vm1, $0x0, v3;
	v3 =	vld [tilespmem:$0xBF70]  }
0x147: {  	[tilespmem:$0xBE00] =	vst v2;
	v2 =	vsel vm0, $0x0, v60  }
0x148: {  	[tilespmem:$0xBE70] =	vst v2;
	v2 =	vsel vm1, $0x0, v61  }
0x149: {  	[tilespmem:$0xBE80] =	vst v2;
	v2 =	vsel vm0, $0x0, v62  }
0x14a: {  	[tilespmem:$0xBEF0] =	vst v2;
	v2 =	vsel vm1, $0x0, v63  }
0x14b: {  	[tilespmem:$0xBF00] =	vst v2;
	v2 =	vsel vm0, $0x0, v3  }
.Ltmp8:
0x14c: {  	[tilespmem:$0xBF70] =	vst v2;
	(pc) =	sbr.rel @!p1 .LBB2_16-.Ltmp8, $4  }
0x14d: {  	[hbm4b:s9+s2] =	stream.linear.scatter [tilespmem:s13], [sflag:$0x7], $0x4000, $0x38;
	[tilespmem:$0x10000] =	vst v63  }
0x14e: {  	_ =	swait.ge [sflag:s18], $0x4000  }
0x14f: {  	[sflag:s18] =	ssyncset.done $0x0  }
0x150: {  	[sflag:s18] =	ssyncadd.s32 $0xFFFFC000  }
0x151: {  	s24 =	simm.s32 $0xC080  }
0x152: {  	[tilespmem:s24+$0xFFFFFF80] =	vst v0  }
0x153: {  	[tilespmem:s24+$0x70] =	vst v0  }
0x154: {  	[tilespmem:s24+$0x60] =	vst v0  }
0x155: {  	[tilespmem:s24+$0x50] =	vst v0  }
0x156: {  	[tilespmem:s24+$0x40] =	vst v0  }
0x157: {  	[tilespmem:s24+$0x30] =	vst v0  }
0x158: {  	[tilespmem:s24+$0x20] =	vst v0  }
0x159: {  	[tilespmem:s24+$0x10] =	vst v0  }
0x15a: {  	[tilespmem:s24+$0x0] =	vst v0  }
0x15b: {  	[tilespmem:s24+$0xFFFFFFF0] =	vst v0  }
0x15c: {  	[tilespmem:s24+$0xFFFFFFE0] =	vst v0  }
0x15d: {  	[tilespmem:s24+$0xFFFFFFD0] =	vst v0  }
0x15e: {  	[tilespmem:s24+$0xFFFFFFC0] =	vst v0  }
0x15f: {  	[tilespmem:s24+$0xFFFFFFB0] =	vst v0  }
0x160: {  	s25 =	simm.s32 $0x0;
	[tilespmem:s24+$0xFFFFFFA0] =	vst v0  }
.LBB2_14:
0x161: {  	s25 =	sadd.s32 $0x2, s25;
	[tilespmem:s24+$0xFFFFFF90] =	vst v0;
	s24 =	sadd.s32 $0x100, s24  }
0x162: {  	[tilespmem:s24+$0xFFFFFF80] =	vst v0;
	p2 =	slt.u32 s25, $0x7E  }
0x163: {  	[tilespmem:s24+$0x70] =	vst v0  }
0x164: {  	[tilespmem:s24+$0x60] =	vst v0  }
0x165: {  	[tilespmem:s24+$0x50] =	vst v0  }
0x166: {  	[tilespmem:s24+$0x40] =	vst v0  }
0x167: {  	[tilespmem:s24+$0x30] =	vst v0  }
0x168: {  	[tilespmem:s24+$0x20] =	vst v0  }
0x169: {  	[tilespmem:s24+$0x10] =	vst v0  }
0x16a: {  	[tilespmem:s24+$0x0] =	vst v0  }
0x16b: {  	[tilespmem:s24+$0xFFFFFFF0] =	vst v0  }
.Ltmp9:
0x16c: {  	[tilespmem:s24+$0xFFFFFFE0] =	vst v0;
	(pc) =	sbr.rel @p2 .LBB2_14-.Ltmp9, $4  }
0x16d: {  	[tilespmem:s24+$0xFFFFFFD0] =	vst v0  }
0x16e: {  	[tilespmem:s24+$0xFFFFFFC0] =	vst v0  }
0x16f: {  	[tilespmem:s24+$0xFFFFFFB0] =	vst v0  }
0x170: {  	[tilespmem:s24+$0xFFFFFFA0] =	vst v0  }
.Ltmp10:
0x171: {  	(pc) =	sbr.rel .LBB2_19-.Ltmp10, $2  }
0x172: {  	_ =	sdelay $0x2  }
0x173: {  	[tilespmem:s24+$0xFFFFFF90] =	vst v0  }
.LBB2_16:
0x174: {  	[tilespmem:$0xC000] =	vst v0  }
0x175: {  	[tilespmem:$0xFF80] =	vst v0  }
0x176: {  	[tilespmem:$0xC010] =	vst v0  }
0x177: {  	[tilespmem:$0xFF90] =	vst v0  }
0x178: {  	[tilespmem:$0xC020] =	vst v0  }
0x179: {  	[tilespmem:$0xFFA0] =	vst v0  }
0x17a: {  	[tilespmem:$0xC030] =	vst v0  }
0x17b: {  	[tilespmem:$0xFFB0] =	vst v0  }
0x17c: {  	[tilespmem:$0xC040] =	vst v0  }
0x17d: {  	[tilespmem:$0xFFC0] =	vst v0  }
0x17e: {  	[tilespmem:$0xC050] =	vst v0  }
0x17f: {  	[tilespmem:$0xFFD0] =	vst v0  }
0x180: {  	[tilespmem:$0xC060] =	vst v0  }
0x181: {  	[tilespmem:$0xFFE0] =	vst v0  }
0x182: {  	[tilespmem:$0xC070] =	vst v0  }
0x183: {  	[tilespmem:$0xFFF0] =	vst v0;
	s24 =	simm.s32 $0xC270  }
0x184: {  	v2 =	vld [tilespmem:s24+$0x100]  }
0x185: {  	v3 =	vld [tilespmem:s24+$0x180]  }
0x186: {  	v4 =	vld [tilespmem:s24+$0xFFFFFF10]  }
0x187: {  	v5 =	vld [tilespmem:s24+$0xFFFFFF00]  }
0x188: {  	v6 =	vld [tilespmem:s24+$0x200]  }
0x189: {  	v7 =	vld [tilespmem:s24+$0xFFFFFE90]  }
0x18a: {  	v8 =	vld [tilespmem:s24+$0x110]  }
0x18b: {  	vm0 =	veq.s32 v1, $0xF;
	v9 =	vld [tilespmem:s24+$0x90]  }
0x18c: {  	v11 =	vld [tilespmem:s24+$0xFFFFFF90];
	v10 =	vsel vm0, $0x0, v2  }
0x18d: {  	v2 =	vld [tilespmem:s24+$0xFFFFFE10];
	v3 =	vsel vm0, $0x0, v3;
	[tilespmem:s24+$0x100] =	vst v10  }
0x18e: {  	vm1 =	veq.s32 v1, $0x0;
	v6 =	vsel vm0, $0x0, v6;
	v10 =	vld [tilespmem:s24+$0xFFFFFE80];
	[tilespmem:s24+$0x180] =	vst v3  }
0x18f: {  	v8 =	vsel vm1, $0x0, v8;
	v3 =	vld [tilespmem:s24+$0x190];
	[tilespmem:s24+$0x200] =	vst v6  }
0x190: {  	v12 =	vsel vm1, $0x0, v9;
	v6 =	vsel vm1, $0x0, v4;
	v4 =	vld [tilespmem:s24+$0x10];
	[tilespmem:s24+$0x110] =	vst v8  }
0x191: {  	v8 =	vsel vm0, $0x0, v5;
	v5 =	vld [tilespmem:s24+$0x80];
	[tilespmem:s24+$0x90] =	vst v12  }
0x192: {  	[tilespmem:s24+$0xFFFFFF10] =	vst v6;
	v6 =	vld [tilespmem:s24+$0x0]  }
0x193: {  	s25 =	simm.s32 $0x1;
	s26 =	simm.s32 $0xC670;
	v9 =	vsel vm1, $0x0, v11;
	v7 =	vsel vm1, $0x0, v7;
	[tilespmem:s24+$0xFFFFFF00] =	vst v8;
	v8 =	vld [tilespmem:s24+$0xFFFFFF80];
	v10 =	vsel vm0, $0x0, v10  }
.LBB2_17:
0x194: {  	v11 =	vld [tilespmem:s26+$0x100];
	s25 =	sadd.s32 $0x8, s25;
	v2 =	vsel vm1, $0x0, v2;
	[tilespmem:s24+$0xFFFFFF90] =	vst v9  }
0x195: {  	v4 =	vsel vm1, $0x0, v4;
	v3 =	vsel vm1, $0x0, v3;
	v9 =	vld [tilespmem:s26+$0x180];
	p2 =	slt.u32 s25, $0x71;
	[tilespmem:s24+$0xFFFFFE80] =	vst v10  }
0x196: {  	v10 =	vld [tilespmem:s26+$0xFFFFFF10];
	[tilespmem:s24+$0x10] =	vst v4;
	v4 =	vsel vm0, $0x0, v5  }
0x197: {  	v6 =	vsel vm0, $0x0, v6;
	v5 =	vld [tilespmem:s26+$0xFFFFFF00];
	[tilespmem:s24+$0x190] =	vst v3  }
0x198: {  	v3 =	vld [tilespmem:s26+$0x200];
	[tilespmem:s24+$0xFFFFFE90] =	vst v7;
	v7 =	vsel vm0, $0x0, v8  }
0x199: {  	v8 =	vld [tilespmem:s26+$0xFFFFFE90];
	v11 =	vsel vm0, $0x0, v11;
	[tilespmem:s24+$0xFFFFFF80] =	vst v7  }
0x19a: {  	v7 =	vld [tilespmem:s26+$0x110];
	[tilespmem:s24+$0x80] =	vst v4  }
0x19b: {  	v12 =	vld [tilespmem:s26+$0x90];
	[tilespmem:s24+$0x0] =	vst v6  }
0x19c: {  	v6 =	vld [tilespmem:s26+$0xFFFFFF90];
	[tilespmem:s24+$0xFFFFFE10] =	vst v2;
	s24 =	smov.u32 s26  }
0x19d: {  	v4 =	vsel vm0, $0x0, v9;
	v2 =	vld [tilespmem:s26+$0xFFFFFE10];
	[tilespmem:s26+$0x100] =	vst v11  }
0x19e: {  	v11 =	vld [tilespmem:s26+$0xFFFFFE80];
	[tilespmem:s26+$0x180] =	vst v4;
	v4 =	vsel vm0, $0x0, v3  }
.Ltmp11:
0x19f: {  	v7 =	vsel vm1, $0x0, v7;
	v3 =	vld [tilespmem:s26+$0x190];
	[tilespmem:s26+$0x200] =	vst v4;
	(pc) =	sbr.rel @p2 .LBB2_17-.Ltmp11, $4  }
0x1a0: {  	v9 =	vsel vm1, $0x0, v10;
	v4 =	vld [tilespmem:s26+$0x10];
	v12 =	vsel vm1, $0x0, v12;
	[tilespmem:s26+$0x110] =	vst v7  }
0x1a1: {  	v10 =	vsel vm0, $0x0, v5;
	[tilespmem:s26+$0xFFFFFF10] =	vst v9;
	v9 =	vsel vm1, $0x0, v6;
	v5 =	vld [tilespmem:s26+$0x80]  }
0x1a2: {  	v7 =	vsel vm1, $0x0, v8;
	[tilespmem:s26+$0xFFFFFF00] =	vst v10;
	v6 =	vld [tilespmem:s26+$0x0]  }
0x1a3: {  	s26 =	sadd.s32 $0x400, s26;
	v10 =	vsel vm0, $0x0, v11;
	v8 =	vld [tilespmem:s24+$0xFFFFFF80];
	[tilespmem:s24+$0x90] =	vst v12  }
.Ltmp12:
0x1a4: {  	_ = 	snop;
	(pc) =	sbr.rel .LBB2_18-.Ltmp12, $1  }
0x1a5: {  	_ =	sdelay $0x3  }
.LBB2_20:
0x1a6: {  	_ =	sfence.sel $0x180000  }
0x1a7: {  	[bflag:$0x0] =	sbarrier.arrive $0xFFFF  }
0x1a8: {  	p0 =	sne.s32 s1, $0x0;
	_ =	strace $0x90000047  }
0x1a9: {  	s0 =	sadd.s32 @!p0 $0x100000, s0;
	[bflag:$0x2] =	sbarrier.arrive $0xFFFF  }
0x1aa: {  	[sflag:s0] =	ssyncadd.tile.s32 @!p0 $0x1;
	_ =	shalt  }
.Lfunc_end2:
_tile_overlayer_lowered:
.L_overlay_start_2:
0x1ab: {  	(tag) =	ssettag $0x2  }
0x1ac: {  	s0 =	rddreg [dreg:$0x0];
	s2 =	stileid.u32  }
0x1ad: {  	s1 =	rddreg [dreg:$0x1];
	p0 =	sne.s32 s2, $0x0  }
0x1ae: {  	s3 =	rddreg [dreg:$0x2];
	[bflag:$0x3] =	sbarrier.arrive $0xFFFF;
	s2 =	simm.s32 @!p0 $0x1C09  }
0x1af: {  	[timem:s3], [sflag:s2] =	dma.local @!p0 [hbm:s0], s1  }
0x1b0: {  	s0 =	simm.s32 @!p0 $0x9  }
0x1b1: {  	_ =	swait.ge @!p0 [sflag:s0], s1  }
0x1b2: {  	s1 =	ssub.s32 @!p0 $0x0, s1;
	[sflag:s0] =	ssyncset.done @!p0 $0x0  }
0x1b3: {  	[sflag:s0] =	ssyncadd.s32 @!p0 s1  }
0x1b4: {  	[bflag:$0x3] =	sbarrier.arrive $0xFFFF  }
0x1b5: {  	_ =	shalt  }

</sc_bundles>
